<compile_context>
chip_gen: v7x
topology: tpu7x:2x2x1
jax: 0.10.2.dev20260603
libtpu: 0.0.44.dev20260713+nightly
codegen_flags: <defaults>
</compile_context>

<pallas_src>
import functools

import jax
import jax.numpy as jnp
from jax import lax
from jax.experimental import pallas as pl
from jax.experimental.pallas import tpu as pltpu
from jax.experimental.pallas import tpu_sc as plsc

_L = 16
_NC = 2
_NS = 16
_NW = _NC * _NS
_C = 16
_NBUF = 7
_P = 3


def _sc_lookup(pe, idx3):
    n_chunks = idx3.shape[1]
    b_per_w = n_chunks * _C
    B = _NW * b_per_w
    D = pe.shape[1]
    mesh = plsc.VectorSubcoreMesh(core_axis_name="c", subcore_axis_name="s")

    @functools.partial(
        pl.kernel,
        mesh=mesh,
        compiler_params=pltpu.CompilerParams(needs_layout_passes=False),
        out_type=jax.ShapeDtypeStruct((B, D), jnp.float32),
        scratch_types=[
            pltpu.VMEM((n_chunks, _C), jnp.int32),
        ]
        + [pltpu.VMEM((_C, D), jnp.float32)] * _NBUF
        + [pltpu.SemaphoreType.DMA] * (2 * _NBUF),
    )
    def k(pe_hbm, idx_hbm, out_hbm, idx_v, *bufs_and_sems):
        bufs = bufs_and_sems[:_NBUF]
        g_sems = bufs_and_sems[_NBUF:2 * _NBUF]
        w_sems = bufs_and_sems[2 * _NBUF:]
        wid = lax.axis_index("s") * _NC + lax.axis_index("c")
        base = wid * b_per_w
        pltpu.sync_copy(idx_hbm.at[wid], idx_v)

        def start_gather(c, b):
            cc = jnp.minimum(c, n_chunks - 1)
            pltpu.async_copy(pe_hbm.at[idx_v.at[cc]], bufs[b], g_sems[b])

        def wait_gather(b):
            pltpu.make_async_copy(
                pe_hbm.at[pl.ds(0, _C)], bufs[b], g_sems[b]).wait()

        def start_writeback(c, b):
            off = pl.multiple_of(base + c * _C, _C)
            pltpu.async_copy(bufs[b], out_hbm.at[pl.ds(off, _C)], w_sems[b])

        def wait_writeback(b):
            pltpu.make_async_copy(
                bufs[b], out_hbm.at[pl.ds(0, _C)], w_sems[b]).wait()

        def fix_padding(c, b):
            buf = bufs[b]
            m = idx_v[c, pl.ds(0, _L)]
            for g in range(1, _C // _L):
                m = jnp.minimum(m, idx_v[c, pl.ds(g * _L, _L)])
            smallest = jnp.min(m)

            @pl.when(smallest <= 0)
            def _():
                def row_body(r, _):
                    splat = plsc.load_gather(
                        idx_v,
                        [jnp.full((_L,), c, jnp.int32),
                         jnp.full((_L,), r, jnp.int32)])
                    s = jnp.minimum(splat, 1).astype(jnp.float32)

                    def col_body(j, __):
                        off = pl.multiple_of(j * _L, _L)
                        buf[r, pl.ds(off, _L)] = buf[r, pl.ds(off, _L)] * s
                        return 0

                    return lax.fori_loop(0, D // _L, col_body, 0)

                lax.fori_loop(0, _C, row_body, 0)

        def slot(c, b, maybe_first):
            bn = (b + _P) % _NBUF
            wait_gather(b)
            fix_padding(c, b)
            start_writeback(c, b)
            if maybe_first:
                @pl.when(c >= _NBUF - _P)
                def _():
                    wait_writeback(bn)
            else:
                wait_writeback(bn)
            start_gather(c + _P, bn)

        for j in range(_P):
            start_gather(j, j)

        n_rings = n_chunks // _NBUF

        def body_first(i, _):
            for k_ in range(_NBUF):
                slot(i * _NBUF + k_, k_, maybe_first=True)
            return 0

        def body_steady(i, _):
            for k_ in range(_NBUF):
                slot(i * _NBUF + k_, k_, maybe_first=False)
            return 0

        lax.fori_loop(0, 1, body_first, 0)
        lax.fori_loop(1, n_rings, body_steady, 0)
        for c in range(n_rings * _NBUF, n_chunks):
            slot(c, c % _NBUF, maybe_first=False)
        for j in range(_NBUF - _P):
            wait_writeback((n_chunks - (_NBUF - _P) + j) % _NBUF)
        for j in range(_P):
            wait_gather((n_chunks + j) % _NBUF)

    return k(pe, idx3)


def kernel(x, pe):
    B4, S = x.shape
    B = B4 * S
    b_per_w = B // _NW
    n_chunks = b_per_w // _C
    idx3 = x.reshape(_NW, n_chunks, _C)
    out = _sc_lookup(pe, idx3)
    return out.reshape(B4, S, pe.shape[1])

# --- scband reference (transcript-rebuilt; emitter-appended) ---
"""Pipeline reference for scband-position-encoding-7516192768958 (READ-ONLY COPY).

The authoritative reference and input builder live on the scoring server;
editing this copy changes nothing except your own understanding.
"""

import jax, jax.numpy as jnp
import numpy as np

MAX_LENGTH = 8192
D_EMB = 1024

def setup_inputs(seed: int = 0) -> dict:
    key = jax.random.key(seed)
    k1, k2 = jax.random.split(key)
    x = jax.random.randint(k1, (4, 8192), 0, MAX_LENGTH + 1, dtype=jnp.int64 if jax.config.jax_enable_x64 else jnp.int32).astype(jnp.int32)
    pe = jax.random.normal(k2, (MAX_LENGTH + 1, D_EMB), dtype=jnp.float32)
    return {"x": x, "pe": pe}

def reference(x, pe):
    # nn.Embedding with padding_idx=0: row 0 is forced to zero
    table = pe.at[0].set(0.0)
    out = jnp.take(table, x, axis=0)
    # dropout is identity in eval mode
    return out

if __name__ == "__main__":
    import jax
    _d = setup_inputs()
    print(jax.jit(kernel)(*tuple(_d.values())))

</pallas_src>

<mosaic_0001>
#map = affine_map<(d0, d1) -> (0, 0)>
#map1 = affine_map<(d0, d1) -> (0, 0, 0)>
module attributes {stable_mosaic.version = 14 : i64} {
  func.func @k(%arg0: i32, %arg1: i32, %arg2: memref<8193x1024xf32, #tpu.memory_space<hbm>>, %arg3: memref<32x64x16xi32, #tpu.memory_space<hbm>>, %arg4: memref<32768x1024xf32, #tpu.memory_space<hbm>>, %arg5: memref<64x16xi32, #tpu.memory_space<vmem>>, %arg6: memref<16x1024xf32, #tpu.memory_space<vmem>>, %arg7: memref<16x1024xf32, #tpu.memory_space<vmem>>, %arg8: memref<16x1024xf32, #tpu.memory_space<vmem>>, %arg9: memref<16x1024xf32, #tpu.memory_space<vmem>>, %arg10: memref<16x1024xf32, #tpu.memory_space<vmem>>, %arg11: memref<16x1024xf32, #tpu.memory_space<vmem>>, %arg12: memref<16x1024xf32, #tpu.memory_space<vmem>>, %arg13: memref<!tpu.dma_semaphore, #tpu.memory_space<semaphore_mem>>, %arg14: memref<!tpu.dma_semaphore, #tpu.memory_space<semaphore_mem>>, %arg15: memref<!tpu.dma_semaphore, #tpu.memory_space<semaphore_mem>>, %arg16: memref<!tpu.dma_semaphore, #tpu.memory_space<semaphore_mem>>, %arg17: memref<!tpu.dma_semaphore, #tpu.memory_space<semaphore_mem>>, %arg18: memref<!tpu.dma_semaphore, #tpu.memory_space<semaphore_mem>>, %arg19: memref<!tpu.dma_semaphore, #tpu.memory_space<semaphore_mem>>, %arg20: memref<!tpu.dma_semaphore, #tpu.memory_space<semaphore_mem>>, %arg21: memref<!tpu.dma_semaphore, #tpu.memory_space<semaphore_mem>>, %arg22: memref<!tpu.dma_semaphore, #tpu.memory_space<semaphore_mem>>, %arg23: memref<!tpu.dma_semaphore, #tpu.memory_space<semaphore_mem>>, %arg24: memref<!tpu.dma_semaphore, #tpu.memory_space<semaphore_mem>>, %arg25: memref<!tpu.dma_semaphore, #tpu.memory_space<semaphore_mem>>, %arg26: memref<!tpu.dma_semaphore, #tpu.memory_space<semaphore_mem>>) attributes {dimension_semantics = [#tpu.dimension_semantics<core_parallel>, #tpu.dimension_semantics<subcore_parallel>], iteration_bounds = array<i64: 2, 16>, scalar_prefetch = 0 : i64, scratch_operands = 22 : i64, tpu.core_type = #tpu.core_type<sc_vector_subcore>, window_params = [{transform_indices = #map}, {transform_indices = #map1}, {transform_indices = #map}]} {
    %mul3A = arith.constant 2 : i32
    %mul3A_0 = arith.muli %arg1, %mul3A : i32
    %add3A = arith.addi %mul3A_0, %arg0 : i32
    %mul3A_1 = arith.constant 1024 : i32
    %mul3A_2 = arith.muli %add3A, %mul3A_1 : i32
    "tpu.region"() ({
      %run_scoped3A = tpu.sem_alloc : memref<!tpu.dma_semaphore, #tpu.memory_space<semaphore_mem>>
      %dma_start3A_460 = arith.constant 0 : i32
      %dma_start3A_461 = arith.constant 0 : i32
      %dma_start3A_462 = tpu.memref_slice %arg3[%add3A, %dma_start3A_460, %dma_start3A_461] : memref<32x64x16xi32, #tpu.memory_space<hbm>> -> memref<1x64x16xi32, #tpu.memory_space<hbm>>
      %dma_start3A_463 = tpu.memref_squeeze %dma_start3A_462 : memref<1x64x16xi32, #tpu.memory_space<hbm>> -> memref<64x16xi32, #tpu.memory_space<hbm>>
      %dma_start3A_464 = arith.constant 0 : i32
      %dma_start3A_465 = arith.constant 0 : i32
      %dma_start3A_466 = tpu.memref_slice %arg3[%add3A, %dma_start3A_464, %dma_start3A_465] : memref<32x64x16xi32, #tpu.memory_space<hbm>> -> memref<1x64x16xi32, #tpu.memory_space<hbm>>
      %dma_start3A_467 = tpu.memref_squeeze %dma_start3A_466 : memref<1x64x16xi32, #tpu.memory_space<hbm>> -> memref<64x16xi32, #tpu.memory_space<hbm>>
      tpu.enqueue_dma source(%dma_start3A_467 : memref<64x16xi32, #tpu.memory_space<hbm>>) target(%arg5 : memref<64x16xi32, #tpu.memory_space<vmem>>) target_semaphore(%run_scoped3A : memref<!tpu.dma_semaphore, #tpu.memory_space<semaphore_mem>>)
      %dma_wait3A_468 = arith.constant 0 : i32
      %dma_wait3A_469 = arith.constant 0 : i32
      %dma_wait3A_470 = tpu.memref_slice %arg3[%add3A, %dma_wait3A_468, %dma_wait3A_469] : memref<32x64x16xi32, #tpu.memory_space<hbm>> -> memref<1x64x16xi32, #tpu.memory_space<hbm>>
      %dma_wait3A_471 = tpu.memref_squeeze %dma_wait3A_470 : memref<1x64x16xi32, #tpu.memory_space<hbm>> -> memref<64x16xi32, #tpu.memory_space<hbm>>
      %dma_wait3A_472 = arith.constant 0 : i32
      %dma_wait3A_473 = arith.constant 0 : i32
      %dma_wait3A_474 = tpu.memref_slice %arg3[%add3A, %dma_wait3A_472, %dma_wait3A_473] : memref<32x64x16xi32, #tpu.memory_space<hbm>> -> memref<1x64x16xi32, #tpu.memory_space<hbm>>
      %dma_wait3A_475 = tpu.memref_squeeze %dma_wait3A_474 : memref<1x64x16xi32, #tpu.memory_space<hbm>> -> memref<64x16xi32, #tpu.memory_space<hbm>>
      tpu.wait_dma2 semaphore(%run_scoped3A : memref<!tpu.dma_semaphore, #tpu.memory_space<semaphore_mem>>) src(%dma_wait3A_475 : memref<64x16xi32, #tpu.memory_space<hbm>>) dst(%arg5 : memref<64x16xi32, #tpu.memory_space<vmem>>)
      tpu.yield
    }) : () -> ()
    %min3A = arith.constant 0 : i32
    %min3A_3 = arith.constant 63 : i32
    %min3A_4 = arith.minsi %min3A, %min3A_3 : i32
    %dma_start3A = arith.constant 0 : i32
    %dma_start3A_5 = tpu.memref_slice %arg5[%min3A_4, %dma_start3A] : memref<64x16xi32, #tpu.memory_space<vmem>> -> memref<1x16xi32, #tpu.memory_space<vmem>>
    %dma_start3A_6 = tpu.memref_squeeze %dma_start3A_5 : memref<1x16xi32, #tpu.memory_space<vmem>> -> memref<16xi32, #tpu.memory_space<vmem>>
    %dma_start3A_7 = arith.constant 0 : i32
    %dma_start3A_8 = arith.constant 0 : i32
    %dma_start3A_9 = tpu.memref_slice %arg2[%dma_start3A_7, %dma_start3A_8] : memref<8193x1024xf32, #tpu.memory_space<hbm>> -> memref<8193x1024xf32, #tpu.memory_space<hbm>>
    tpu.enqueue_indirect_dma source(%dma_start3A_9 : memref<8193x1024xf32, #tpu.memory_space<hbm>>) target(%arg6 : memref<16x1024xf32, #tpu.memory_space<vmem>>) offsets(%dma_start3A_6 : memref<16xi32, #tpu.memory_space<vmem>>) semaphore(%arg13 : memref<!tpu.dma_semaphore, #tpu.memory_space<semaphore_mem>>)
    %min3A_10 = arith.constant 1 : i32
    %min3A_11 = arith.constant 63 : i32
    %min3A_12 = arith.minsi %min3A_10, %min3A_11 : i32
    %dma_start3A_13 = arith.constant 0 : i32
    %dma_start3A_14 = tpu.memref_slice %arg5[%min3A_12, %dma_start3A_13] : memref<64x16xi32, #tpu.memory_space<vmem>> -> memref<1x16xi32, #tpu.memory_space<vmem>>
    %dma_start3A_15 = tpu.memref_squeeze %dma_start3A_14 : memref<1x16xi32, #tpu.memory_space<vmem>> -> memref<16xi32, #tpu.memory_space<vmem>>
    %dma_start3A_16 = arith.constant 0 : i32
    %dma_start3A_17 = arith.constant 0 : i32
    %dma_start3A_18 = tpu.memref_slice %arg2[%dma_start3A_16, %dma_start3A_17] : memref<8193x1024xf32, #tpu.memory_space<hbm>> -> memref<8193x1024xf32, #tpu.memory_space<hbm>>
    tpu.enqueue_indirect_dma source(%dma_start3A_18 : memref<8193x1024xf32, #tpu.memory_space<hbm>>) target(%arg7 : memref<16x1024xf32, #tpu.memory_space<vmem>>) offsets(%dma_start3A_15 : memref<16xi32, #tpu.memory_space<vmem>>) semaphore(%arg14 : memref<!tpu.dma_semaphore, #tpu.memory_space<semaphore_mem>>)
    %min3A_19 = arith.constant 2 : i32
    %min3A_20 = arith.constant 63 : i32
    %min3A_21 = arith.minsi %min3A_19, %min3A_20 : i32
    %dma_start3A_22 = arith.constant 0 : i32
    %dma_start3A_23 = tpu.memref_slice %arg5[%min3A_21, %dma_start3A_22] : memref<64x16xi32, #tpu.memory_space<vmem>> -> memref<1x16xi32, #tpu.memory_space<vmem>>
    %dma_start3A_24 = tpu.memref_squeeze %dma_start3A_23 : memref<1x16xi32, #tpu.memory_space<vmem>> -> memref<16xi32, #tpu.memory_space<vmem>>
    %dma_start3A_25 = arith.constant 0 : i32
    %dma_start3A_26 = arith.constant 0 : i32
    %dma_start3A_27 = tpu.memref_slice %arg2[%dma_start3A_25, %dma_start3A_26] : memref<8193x1024xf32, #tpu.memory_space<hbm>> -> memref<8193x1024xf32, #tpu.memory_space<hbm>>
    tpu.enqueue_indirect_dma source(%dma_start3A_27 : memref<8193x1024xf32, #tpu.memory_space<hbm>>) target(%arg8 : memref<16x1024xf32, #tpu.memory_space<vmem>>) offsets(%dma_start3A_24 : memref<16xi32, #tpu.memory_space<vmem>>) semaphore(%arg15 : memref<!tpu.dma_semaphore, #tpu.memory_space<semaphore_mem>>)
    %scan3A = arith.constant 0 : i32
    %scan3A_28 = arith.constant 0 : i32
    %mul3A_29 = arith.constant 7 : i32
    %mul3A_30 = arith.muli %scan3A_28, %mul3A_29 : i32
    %add3A_31 = arith.constant 0 : i32
    %add3A_32 = arith.addi %mul3A_30, %add3A_31 : i32
    %dma_wait3A = arith.constant 0 : i32
    %dma_wait3A_33 = arith.constant 0 : i32
    %dma_wait3A_34 = tpu.memref_slice %arg2[%dma_wait3A, %dma_wait3A_33] : memref<8193x1024xf32, #tpu.memory_space<hbm>> -> memref<16x1024xf32, #tpu.memory_space<hbm>>
    %dma_wait3A_35 = arith.constant 0 : i32
    %dma_wait3A_36 = arith.constant 0 : i32
    %dma_wait3A_37 = tpu.memref_slice %arg2[%dma_wait3A_35, %dma_wait3A_36] : memref<8193x1024xf32, #tpu.memory_space<hbm>> -> memref<16x1024xf32, #tpu.memory_space<hbm>>
    tpu.wait_dma2 semaphore(%arg13 : memref<!tpu.dma_semaphore, #tpu.memory_space<semaphore_mem>>) src(%dma_wait3A_37 : memref<16x1024xf32, #tpu.memory_space<hbm>>) dst(%arg6 : memref<16x1024xf32, #tpu.memory_space<vmem>>)
    %get3A = arith.index_cast %add3A_32 : i32 to index
    %get3A_38 = arith.constant 0 : index
    %get3A_39 = tpu.vector_load %arg5[%get3A, %get3A_38] {strides = array<i32>} : memref<64x16xi32, #tpu.memory_space<vmem>>, vector<16xi32>,
    %reduce_min3A = arith.constant true
    %reduce_min3A_40 = vector.broadcast %reduce_min3A : i1 to vector<16xi1>
    %reduce_min3A_41 = arith.constant -2147483648 : i32
    %reduce_min3A_42 = vector.broadcast %reduce_min3A_41 : i32 to vector<16xi32>
    %reduce_min3A_43 = arith.xori %get3A_39, %reduce_min3A_42 : vector<16xi32>
    %reduce_min3A_44 = tpu.scan <min>, %reduce_min3A_43 masked %reduce_min3A_40 : vector<16xi32>, vector<16xi1> -> vector<16xi32>
    %reduce_min3A_45 = arith.xori %reduce_min3A_44, %reduce_min3A_42 : vector<16xi32>
    %reduce_min3A_46 = vector.extract %reduce_min3A_45[15] : i32 from vector<16xi32>
    %le3A = arith.constant 0 : i32
    %le3A_47 = arith.cmpi sle, %reduce_min3A_46, %le3A : i32
    %convert_element_type3A = arith.extui %le3A_47 : i1 to i32
    %cond3A = arith.constant 0 : i32
    %cond3A_48 = arith.cmpi ne, %convert_element_type3A, %cond3A : i32
    scf.if %cond3A_48 {
      %scan3A_460 = arith.constant 0 : i32
      %scan3A_461 = arith.constant 0 : i32
      %scan3A_462 = arith.constant 16 : i32
      %scan3A_463 = arith.addi %scan3A_461, %scan3A_462 : i32
      %scan3A_464 = arith.constant 1 : i32
      %scan3A_465 = scf.for %scan3A_467 = %scan3A_461 to %scan3A_463 step %scan3A_464 iter_args(%scan3A_468 = %scan3A_460) -> (i32)  : i32 {
        %broadcast_in_dim3A = vector.broadcast %add3A_32 : i32 to vector<16xi32>
        %broadcast_in_dim3A_469 = vector.broadcast %scan3A_467 : i32 to vector<16xi32>
        %gather3A = tpu.vector_load_idx %arg5[%broadcast_in_dim3A, %broadcast_in_dim3A_469] : memref<64x16xi32, #tpu.memory_space<vmem>>[vector<16xi32>, vector<16xi32>], vector<16xi32>,
        %min3A_470 = arith.constant 1 : i32
        %min3A_471 = vector.broadcast %min3A_470 : i32 to vector<16xi32>
        %min3A_472 = arith.minsi %gather3A, %min3A_471 : vector<16xi32>
        %convert_element_type3A_473 = arith.sitofp %min3A_472 : vector<16xi32> to vector<16xf32>
        %scan3A_474 = arith.constant 0 : i32
        %scan3A_475 = arith.constant 0 : i32
        %scan3A_476 = arith.constant 64 : i32
        %scan3A_477 = arith.addi %scan3A_475, %scan3A_476 : i32
        %scan3A_478 = arith.constant 1 : i32
        %scan3A_479 = scf.for %scan3A_481 = %scan3A_475 to %scan3A_477 step %scan3A_478 iter_args(%scan3A_482 = %scan3A_474) -> (i32)  : i32 {
          %mul3A_483 = arith.constant 16 : i32
          %mul3A_484 = arith.muli %scan3A_481, %mul3A_483 : i32
          %multiple_of3A_485 = tpu.assume_multiple %mul3A_484, 16 : i32
          %get3A_486 = arith.index_cast %scan3A_467 : i32 to index
          %get3A_487 = arith.index_cast %multiple_of3A_485 : i32 to index
          %get3A_488 = tpu.vector_load %arg6[%get3A_486, %get3A_487] {strides = array<i32>} : memref<16x1024xf32, #tpu.memory_space<vmem>>, vector<16xf32>,
          %mul3A_489 = arith.mulf %get3A_488, %convert_element_type3A_473 : vector<16xf32>
          %swap3A = arith.index_cast %scan3A_467 : i32 to index
          %swap3A_490 = arith.index_cast %multiple_of3A_485 : i32 to index
          %swap3A_491 = tpu.vector_load %arg6[%swap3A, %swap3A_490] {strides = array<i32>} : memref<16x1024xf32, #tpu.memory_space<vmem>>, vector<16xf32>,
          tpu.vector_store %arg6[%swap3A, %swap3A_490], %mul3A_489 {strides = array<i32>} : memref<16x1024xf32, #tpu.memory_space<vmem>>, vector<16xf32>,
          %scan3A_492 = arith.constant 0 : i32
          scf.yield %scan3A_492 : i32
        }
        %scan3A_480 = arith.constant 64 : i32
        scf.yield %scan3A_479 : i32
      }
      %scan3A_466 = arith.constant 16 : i32
    } else {
    }
    %mul3A_49 = arith.constant 16 : i32
    %mul3A_50 = arith.muli %add3A_32, %mul3A_49 : i32
    %add3A_51 = arith.addi %mul3A_2, %mul3A_50 : i32
    %multiple_of3A = tpu.assume_multiple %add3A_51, 16 : i32
    %dma_start3A_52 = arith.constant 0 : i32
    %dma_start3A_53 = tpu.memref_slice %arg4[%multiple_of3A, %dma_start3A_52] : memref<32768x1024xf32, #tpu.memory_space<hbm>> -> memref<16x1024xf32, #tpu.memory_space<hbm>>
    %dma_start3A_54 = arith.constant 0 : i32
    %dma_start3A_55 = tpu.memref_slice %arg4[%multiple_of3A, %dma_start3A_54] : memref<32768x1024xf32, #tpu.memory_space<hbm>> -> memref<16x1024xf32, #tpu.memory_space<hbm>>
    tpu.enqueue_dma source(%arg6 : memref<16x1024xf32, #tpu.memory_space<vmem>>) target(%dma_start3A_55 : memref<16x1024xf32, #tpu.memory_space<hbm>>) target_semaphore(%arg20 : memref<!tpu.dma_semaphore, #tpu.memory_space<semaphore_mem>>)
    %ge3A = arith.constant 4 : i32
    %ge3A_56 = arith.cmpi sge, %add3A_32, %ge3A : i32
    %convert_element_type3A_57 = arith.extui %ge3A_56 : i1 to i32
    %cond3A_58 = arith.constant 0 : i32
    %cond3A_59 = arith.cmpi ne, %convert_element_type3A_57, %cond3A_58 : i32
    scf.if %cond3A_59 {
      %dma_wait3A_460 = arith.constant 0 : i32
      %dma_wait3A_461 = arith.constant 0 : i32
      %dma_wait3A_462 = tpu.memref_slice %arg4[%dma_wait3A_460, %dma_wait3A_461] : memref<32768x1024xf32, #tpu.memory_space<hbm>> -> memref<16x1024xf32, #tpu.memory_space<hbm>>
      %dma_wait3A_463 = arith.constant 0 : i32
      %dma_wait3A_464 = arith.constant 0 : i32
      %dma_wait3A_465 = tpu.memref_slice %arg4[%dma_wait3A_463, %dma_wait3A_464] : memref<32768x1024xf32, #tpu.memory_space<hbm>> -> memref<16x1024xf32, #tpu.memory_space<hbm>>
      tpu.wait_dma2 semaphore(%arg23 : memref<!tpu.dma_semaphore, #tpu.memory_space<semaphore_mem>>) src(%arg9 : memref<16x1024xf32, #tpu.memory_space<vmem>>) dst(%dma_wait3A_465 : memref<16x1024xf32, #tpu.memory_space<hbm>>)
    } else {
    }
    %add3A_60 = arith.constant 3 : i32
    %add3A_61 = arith.addi %add3A_32, %add3A_60 : i32
    %min3A_62 = arith.constant 63 : i32
    %min3A_63 = arith.minsi %add3A_61, %min3A_62 : i32
    %dma_start3A_64 = arith.constant 0 : i32
    %dma_start3A_65 = tpu.memref_slice %arg5[%min3A_63, %dma_start3A_64] : memref<64x16xi32, #tpu.memory_space<vmem>> -> memref<1x16xi32, #tpu.memory_space<vmem>>
    %dma_start3A_66 = tpu.memref_squeeze %dma_start3A_65 : memref<1x16xi32, #tpu.memory_space<vmem>> -> memref<16xi32, #tpu.memory_space<vmem>>
    %dma_start3A_67 = arith.constant 0 : i32
    %dma_start3A_68 = arith.constant 0 : i32
    %dma_start3A_69 = tpu.memref_slice %arg2[%dma_start3A_67, %dma_start3A_68] : memref<8193x1024xf32, #tpu.memory_space<hbm>> -> memref<8193x1024xf32, #tpu.memory_space<hbm>>
    tpu.enqueue_indirect_dma source(%dma_start3A_69 : memref<8193x1024xf32, #tpu.memory_space<hbm>>) target(%arg9 : memref<16x1024xf32, #tpu.memory_space<vmem>>) offsets(%dma_start3A_66 : memref<16xi32, #tpu.memory_space<vmem>>) semaphore(%arg16 : memref<!tpu.dma_semaphore, #tpu.memory_space<semaphore_mem>>)
    %mul3A_70 = arith.constant 7 : i32
    %mul3A_71 = arith.muli %scan3A_28, %mul3A_70 : i32
    %add3A_72 = arith.constant 1 : i32
    %add3A_73 = arith.addi %mul3A_71, %add3A_72 : i32
    %dma_wait3A_74 = arith.constant 0 : i32
    %dma_wait3A_75 = arith.constant 0 : i32
    %dma_wait3A_76 = tpu.memref_slice %arg2[%dma_wait3A_74, %dma_wait3A_75] : memref<8193x1024xf32, #tpu.memory_space<hbm>> -> memref<16x1024xf32, #tpu.memory_space<hbm>>
    %dma_wait3A_77 = arith.constant 0 : i32
    %dma_wait3A_78 = arith.constant 0 : i32
    %dma_wait3A_79 = tpu.memref_slice %arg2[%dma_wait3A_77, %dma_wait3A_78] : memref<8193x1024xf32, #tpu.memory_space<hbm>> -> memref<16x1024xf32, #tpu.memory_space<hbm>>
    tpu.wait_dma2 semaphore(%arg14 : memref<!tpu.dma_semaphore, #tpu.memory_space<semaphore_mem>>) src(%dma_wait3A_79 : memref<16x1024xf32, #tpu.memory_space<hbm>>) dst(%arg7 : memref<16x1024xf32, #tpu.memory_space<vmem>>)
    %get3A_80 = arith.index_cast %add3A_73 : i32 to index
    %get3A_81 = arith.constant 0 : index
    %get3A_82 = tpu.vector_load %arg5[%get3A_80, %get3A_81] {strides = array<i32>} : memref<64x16xi32, #tpu.memory_space<vmem>>, vector<16xi32>,
    %reduce_min3A_83 = arith.constant true
    %reduce_min3A_84 = vector.broadcast %reduce_min3A_83 : i1 to vector<16xi1>
    %reduce_min3A_85 = arith.constant -2147483648 : i32
    %reduce_min3A_86 = vector.broadcast %reduce_min3A_85 : i32 to vector<16xi32>
    %reduce_min3A_87 = arith.xori %get3A_82, %reduce_min3A_86 : vector<16xi32>
    %reduce_min3A_88 = tpu.scan <min>, %reduce_min3A_87 masked %reduce_min3A_84 : vector<16xi32>, vector<16xi1> -> vector<16xi32>
    %reduce_min3A_89 = arith.xori %reduce_min3A_88, %reduce_min3A_86 : vector<16xi32>
    %reduce_min3A_90 = vector.extract %reduce_min3A_89[15] : i32 from vector<16xi32>
    %le3A_91 = arith.constant 0 : i32
    %le3A_92 = arith.cmpi sle, %reduce_min3A_90, %le3A_91 : i32
    %convert_element_type3A_93 = arith.extui %le3A_92 : i1 to i32
    %cond3A_94 = arith.constant 0 : i32
    %cond3A_95 = arith.cmpi ne, %convert_element_type3A_93, %cond3A_94 : i32
    scf.if %cond3A_95 {
      %scan3A_460 = arith.constant 0 : i32
      %scan3A_461 = arith.constant 0 : i32
      %scan3A_462 = arith.constant 16 : i32
      %scan3A_463 = arith.addi %scan3A_461, %scan3A_462 : i32
      %scan3A_464 = arith.constant 1 : i32
      %scan3A_465 = scf.for %scan3A_467 = %scan3A_461 to %scan3A_463 step %scan3A_464 iter_args(%scan3A_468 = %scan3A_460) -> (i32)  : i32 {
        %broadcast_in_dim3A = vector.broadcast %add3A_73 : i32 to vector<16xi32>
        %broadcast_in_dim3A_469 = vector.broadcast %scan3A_467 : i32 to vector<16xi32>
        %gather3A = tpu.vector_load_idx %arg5[%broadcast_in_dim3A, %broadcast_in_dim3A_469] : memref<64x16xi32, #tpu.memory_space<vmem>>[vector<16xi32>, vector<16xi32>], vector<16xi32>,
        %min3A_470 = arith.constant 1 : i32
        %min3A_471 = vector.broadcast %min3A_470 : i32 to vector<16xi32>
        %min3A_472 = arith.minsi %gather3A, %min3A_471 : vector<16xi32>
        %convert_element_type3A_473 = arith.sitofp %min3A_472 : vector<16xi32> to vector<16xf32>
        %scan3A_474 = arith.constant 0 : i32
        %scan3A_475 = arith.constant 0 : i32
        %scan3A_476 = arith.constant 64 : i32
        %scan3A_477 = arith.addi %scan3A_475, %scan3A_476 : i32
        %scan3A_478 = arith.constant 1 : i32
        %scan3A_479 = scf.for %scan3A_481 = %scan3A_475 to %scan3A_477 step %scan3A_478 iter_args(%scan3A_482 = %scan3A_474) -> (i32)  : i32 {
          %mul3A_483 = arith.constant 16 : i32
          %mul3A_484 = arith.muli %scan3A_481, %mul3A_483 : i32
          %multiple_of3A_485 = tpu.assume_multiple %mul3A_484, 16 : i32
          %get3A_486 = arith.index_cast %scan3A_467 : i32 to index
          %get3A_487 = arith.index_cast %multiple_of3A_485 : i32 to index
          %get3A_488 = tpu.vector_load %arg7[%get3A_486, %get3A_487] {strides = array<i32>} : memref<16x1024xf32, #tpu.memory_space<vmem>>, vector<16xf32>,
          %mul3A_489 = arith.mulf %get3A_488, %convert_element_type3A_473 : vector<16xf32>
          %swap3A = arith.index_cast %scan3A_467 : i32 to index
          %swap3A_490 = arith.index_cast %multiple_of3A_485 : i32 to index
          %swap3A_491 = tpu.vector_load %arg7[%swap3A, %swap3A_490] {strides = array<i32>} : memref<16x1024xf32, #tpu.memory_space<vmem>>, vector<16xf32>,
          tpu.vector_store %arg7[%swap3A, %swap3A_490], %mul3A_489 {strides = array<i32>} : memref<16x1024xf32, #tpu.memory_space<vmem>>, vector<16xf32>,
          %scan3A_492 = arith.constant 0 : i32
          scf.yield %scan3A_492 : i32
        }
        %scan3A_480 = arith.constant 64 : i32
        scf.yield %scan3A_479 : i32
      }
      %scan3A_466 = arith.constant 16 : i32
    } else {
    }
    %mul3A_96 = arith.constant 16 : i32
    %mul3A_97 = arith.muli %add3A_73, %mul3A_96 : i32
    %add3A_98 = arith.addi %mul3A_2, %mul3A_97 : i32
    %multiple_of3A_99 = tpu.assume_multiple %add3A_98, 16 : i32
    %dma_start3A_100 = arith.constant 0 : i32
    %dma_start3A_101 = tpu.memref_slice %arg4[%multiple_of3A_99, %dma_start3A_100] : memref<32768x1024xf32, #tpu.memory_space<hbm>> -> memref<16x1024xf32, #tpu.memory_space<hbm>>
    %dma_start3A_102 = arith.constant 0 : i32
    %dma_start3A_103 = tpu.memref_slice %arg4[%multiple_of3A_99, %dma_start3A_102] : memref<32768x1024xf32, #tpu.memory_space<hbm>> -> memref<16x1024xf32, #tpu.memory_space<hbm>>
    tpu.enqueue_dma source(%arg7 : memref<16x1024xf32, #tpu.memory_space<vmem>>) target(%dma_start3A_103 : memref<16x1024xf32, #tpu.memory_space<hbm>>) target_semaphore(%arg21 : memref<!tpu.dma_semaphore, #tpu.memory_space<semaphore_mem>>)
    %ge3A_104 = arith.constant 4 : i32
    %ge3A_105 = arith.cmpi sge, %add3A_73, %ge3A_104 : i32
    %convert_element_type3A_106 = arith.extui %ge3A_105 : i1 to i32
    %cond3A_107 = arith.constant 0 : i32
    %cond3A_108 = arith.cmpi ne, %convert_element_type3A_106, %cond3A_107 : i32
    scf.if %cond3A_108 {
      %dma_wait3A_460 = arith.constant 0 : i32
      %dma_wait3A_461 = arith.constant 0 : i32
      %dma_wait3A_462 = tpu.memref_slice %arg4[%dma_wait3A_460, %dma_wait3A_461] : memref<32768x1024xf32, #tpu.memory_space<hbm>> -> memref<16x1024xf32, #tpu.memory_space<hbm>>
      %dma_wait3A_463 = arith.constant 0 : i32
      %dma_wait3A_464 = arith.constant 0 : i32
      %dma_wait3A_465 = tpu.memref_slice %arg4[%dma_wait3A_463, %dma_wait3A_464] : memref<32768x1024xf32, #tpu.memory_space<hbm>> -> memref<16x1024xf32, #tpu.memory_space<hbm>>
      tpu.wait_dma2 semaphore(%arg24 : memref<!tpu.dma_semaphore, #tpu.memory_space<semaphore_mem>>) src(%arg10 : memref<16x1024xf32, #tpu.memory_space<vmem>>) dst(%dma_wait3A_465 : memref<16x1024xf32, #tpu.memory_space<hbm>>)
    } else {
    }
    %add3A_109 = arith.constant 3 : i32
    %add3A_110 = arith.addi %add3A_73, %add3A_109 : i32
    %min3A_111 = arith.constant 63 : i32
    %min3A_112 = arith.minsi %add3A_110, %min3A_111 : i32
    %dma_start3A_113 = arith.constant 0 : i32
    %dma_start3A_114 = tpu.memref_slice %arg5[%min3A_112, %dma_start3A_113] : memref<64x16xi32, #tpu.memory_space<vmem>> -> memref<1x16xi32, #tpu.memory_space<vmem>>
    %dma_start3A_115 = tpu.memref_squeeze %dma_start3A_114 : memref<1x16xi32, #tpu.memory_space<vmem>> -> memref<16xi32, #tpu.memory_space<vmem>>
    %dma_start3A_116 = arith.constant 0 : i32
    %dma_start3A_117 = arith.constant 0 : i32
    %dma_start3A_118 = tpu.memref_slice %arg2[%dma_start3A_116, %dma_start3A_117] : memref<8193x1024xf32, #tpu.memory_space<hbm>> -> memref<8193x1024xf32, #tpu.memory_space<hbm>>
    tpu.enqueue_indirect_dma source(%dma_start3A_118 : memref<8193x1024xf32, #tpu.memory_space<hbm>>) target(%arg10 : memref<16x1024xf32, #tpu.memory_space<vmem>>) offsets(%dma_start3A_115 : memref<16xi32, #tpu.memory_space<vmem>>) semaphore(%arg17 : memref<!tpu.dma_semaphore, #tpu.memory_space<semaphore_mem>>)
    %mul3A_119 = arith.constant 7 : i32
    %mul3A_120 = arith.muli %scan3A_28, %mul3A_119 : i32
    %add3A_121 = arith.constant 2 : i32
    %add3A_122 = arith.addi %mul3A_120, %add3A_121 : i32
    %dma_wait3A_123 = arith.constant 0 : i32
    %dma_wait3A_124 = arith.constant 0 : i32
    %dma_wait3A_125 = tpu.memref_slice %arg2[%dma_wait3A_123, %dma_wait3A_124] : memref<8193x1024xf32, #tpu.memory_space<hbm>> -> memref<16x1024xf32, #tpu.memory_space<hbm>>
    %dma_wait3A_126 = arith.constant 0 : i32
    %dma_wait3A_127 = arith.constant 0 : i32
    %dma_wait3A_128 = tpu.memref_slice %arg2[%dma_wait3A_126, %dma_wait3A_127] : memref<8193x1024xf32, #tpu.memory_space<hbm>> -> memref<16x1024xf32, #tpu.memory_space<hbm>>
    tpu.wait_dma2 semaphore(%arg15 : memref<!tpu.dma_semaphore, #tpu.memory_space<semaphore_mem>>) src(%dma_wait3A_128 : memref<16x1024xf32, #tpu.memory_space<hbm>>) dst(%arg8 : memref<16x1024xf32, #tpu.memory_space<vmem>>)
    %get3A_129 = arith.index_cast %add3A_122 : i32 to index
    %get3A_130 = arith.constant 0 : index
    %get3A_131 = tpu.vector_load %arg5[%get3A_129, %get3A_130] {strides = array<i32>} : memref<64x16xi32, #tpu.memory_space<vmem>>, vector<16xi32>,
    %reduce_min3A_132 = arith.constant true
    %reduce_min3A_133 = vector.broadcast %reduce_min3A_132 : i1 to vector<16xi1>
    %reduce_min3A_134 = arith.constant -2147483648 : i32
    %reduce_min3A_135 = vector.broadcast %reduce_min3A_134 : i32 to vector<16xi32>
    %reduce_min3A_136 = arith.xori %get3A_131, %reduce_min3A_135 : vector<16xi32>
    %reduce_min3A_137 = tpu.scan <min>, %reduce_min3A_136 masked %reduce_min3A_133 : vector<16xi32>, vector<16xi1> -> vector<16xi32>
    %reduce_min3A_138 = arith.xori %reduce_min3A_137, %reduce_min3A_135 : vector<16xi32>
    %reduce_min3A_139 = vector.extract %reduce_min3A_138[15] : i32 from vector<16xi32>
    %le3A_140 = arith.constant 0 : i32
    %le3A_141 = arith.cmpi sle, %reduce_min3A_139, %le3A_140 : i32
    %convert_element_type3A_142 = arith.extui %le3A_141 : i1 to i32
    %cond3A_143 = arith.constant 0 : i32
    %cond3A_144 = arith.cmpi ne, %convert_element_type3A_142, %cond3A_143 : i32
    scf.if %cond3A_144 {
      %scan3A_460 = arith.constant 0 : i32
      %scan3A_461 = arith.constant 0 : i32
      %scan3A_462 = arith.constant 16 : i32
      %scan3A_463 = arith.addi %scan3A_461, %scan3A_462 : i32
      %scan3A_464 = arith.constant 1 : i32
      %scan3A_465 = scf.for %scan3A_467 = %scan3A_461 to %scan3A_463 step %scan3A_464 iter_args(%scan3A_468 = %scan3A_460) -> (i32)  : i32 {
        %broadcast_in_dim3A = vector.broadcast %add3A_122 : i32 to vector<16xi32>
        %broadcast_in_dim3A_469 = vector.broadcast %scan3A_467 : i32 to vector<16xi32>
        %gather3A = tpu.vector_load_idx %arg5[%broadcast_in_dim3A, %broadcast_in_dim3A_469] : memref<64x16xi32, #tpu.memory_space<vmem>>[vector<16xi32>, vector<16xi32>], vector<16xi32>,
        %min3A_470 = arith.constant 1 : i32
        %min3A_471 = vector.broadcast %min3A_470 : i32 to vector<16xi32>
        %min3A_472 = arith.minsi %gather3A, %min3A_471 : vector<16xi32>
        %convert_element_type3A_473 = arith.sitofp %min3A_472 : vector<16xi32> to vector<16xf32>
        %scan3A_474 = arith.constant 0 : i32
        %scan3A_475 = arith.constant 0 : i32
        %scan3A_476 = arith.constant 64 : i32
        %scan3A_477 = arith.addi %scan3A_475, %scan3A_476 : i32
        %scan3A_478 = arith.constant 1 : i32
        %scan3A_479 = scf.for %scan3A_481 = %scan3A_475 to %scan3A_477 step %scan3A_478 iter_args(%scan3A_482 = %scan3A_474) -> (i32)  : i32 {
          %mul3A_483 = arith.constant 16 : i32
          %mul3A_484 = arith.muli %scan3A_481, %mul3A_483 : i32
          %multiple_of3A_485 = tpu.assume_multiple %mul3A_484, 16 : i32
          %get3A_486 = arith.index_cast %scan3A_467 : i32 to index
          %get3A_487 = arith.index_cast %multiple_of3A_485 : i32 to index
          %get3A_488 = tpu.vector_load %arg8[%get3A_486, %get3A_487] {strides = array<i32>} : memref<16x1024xf32, #tpu.memory_space<vmem>>, vector<16xf32>,
          %mul3A_489 = arith.mulf %get3A_488, %convert_element_type3A_473 : vector<16xf32>
          %swap3A = arith.index_cast %scan3A_467 : i32 to index
          %swap3A_490 = arith.index_cast %multiple_of3A_485 : i32 to index
          %swap3A_491 = tpu.vector_load %arg8[%swap3A, %swap3A_490] {strides = array<i32>} : memref<16x1024xf32, #tpu.memory_space<vmem>>, vector<16xf32>,
          tpu.vector_store %arg8[%swap3A, %swap3A_490], %mul3A_489 {strides = array<i32>} : memref<16x1024xf32, #tpu.memory_space<vmem>>, vector<16xf32>,
          %scan3A_492 = arith.constant 0 : i32
          scf.yield %scan3A_492 : i32
        }
        %scan3A_480 = arith.constant 64 : i32
        scf.yield %scan3A_479 : i32
      }
      %scan3A_466 = arith.constant 16 : i32
    } else {
    }
    %mul3A_145 = arith.constant 16 : i32
    %mul3A_146 = arith.muli %add3A_122, %mul3A_145 : i32
    %add3A_147 = arith.addi %mul3A_2, %mul3A_146 : i32
    %multiple_of3A_148 = tpu.assume_multiple %add3A_147, 16 : i32
    %dma_start3A_149 = arith.constant 0 : i32
    %dma_start3A_150 = tpu.memref_slice %arg4[%multiple_of3A_148, %dma_start3A_149] : memref<32768x1024xf32, #tpu.memory_space<hbm>> -> memref<16x1024xf32, #tpu.memory_space<hbm>>
    %dma_start3A_151 = arith.constant 0 : i32
    %dma_start3A_152 = tpu.memref_slice %arg4[%multiple_of3A_148, %dma_start3A_151] : memref<32768x1024xf32, #tpu.memory_space<hbm>> -> memref<16x1024xf32, #tpu.memory_space<hbm>>
    tpu.enqueue_dma source(%arg8 : memref<16x1024xf32, #tpu.memory_space<vmem>>) target(%dma_start3A_152 : memref<16x1024xf32, #tpu.memory_space<hbm>>) target_semaphore(%arg22 : memref<!tpu.dma_semaphore, #tpu.memory_space<semaphore_mem>>)
    %ge3A_153 = arith.constant 4 : i32
    %ge3A_154 = arith.cmpi sge, %add3A_122, %ge3A_153 : i32
    %convert_element_type3A_155 = arith.extui %ge3A_154 : i1 to i32
    %cond3A_156 = arith.constant 0 : i32
    %cond3A_157 = arith.cmpi ne, %convert_element_type3A_155, %cond3A_156 : i32
    scf.if %cond3A_157 {
      %dma_wait3A_460 = arith.constant 0 : i32
      %dma_wait3A_461 = arith.constant 0 : i32
      %dma_wait3A_462 = tpu.memref_slice %arg4[%dma_wait3A_460, %dma_wait3A_461] : memref<32768x1024xf32, #tpu.memory_space<hbm>> -> memref<16x1024xf32, #tpu.memory_space<hbm>>
      %dma_wait3A_463 = arith.constant 0 : i32
      %dma_wait3A_464 = arith.constant 0 : i32
      %dma_wait3A_465 = tpu.memref_slice %arg4[%dma_wait3A_463, %dma_wait3A_464] : memref<32768x1024xf32, #tpu.memory_space<hbm>> -> memref<16x1024xf32, #tpu.memory_space<hbm>>
      tpu.wait_dma2 semaphore(%arg25 : memref<!tpu.dma_semaphore, #tpu.memory_space<semaphore_mem>>) src(%arg11 : memref<16x1024xf32, #tpu.memory_space<vmem>>) dst(%dma_wait3A_465 : memref<16x1024xf32, #tpu.memory_space<hbm>>)
    } else {
    }
    %add3A_158 = arith.constant 3 : i32
    %add3A_159 = arith.addi %add3A_122, %add3A_158 : i32
    %min3A_160 = arith.constant 63 : i32
    %min3A_161 = arith.minsi %add3A_159, %min3A_160 : i32
    %dma_start3A_162 = arith.constant 0 : i32
    %dma_start3A_163 = tpu.memref_slice %arg5[%min3A_161, %dma_start3A_162] : memref<64x16xi32, #tpu.memory_space<vmem>> -> memref<1x16xi32, #tpu.memory_space<vmem>>
    %dma_start3A_164 = tpu.memref_squeeze %dma_start3A_163 : memref<1x16xi32, #tpu.memory_space<vmem>> -> memref<16xi32, #tpu.memory_space<vmem>>
    %dma_start3A_165 = arith.constant 0 : i32
    %dma_start3A_166 = arith.constant 0 : i32
    %dma_start3A_167 = tpu.memref_slice %arg2[%dma_start3A_165, %dma_start3A_166] : memref<8193x1024xf32, #tpu.memory_space<hbm>> -> memref<8193x1024xf32, #tpu.memory_space<hbm>>
    tpu.enqueue_indirect_dma source(%dma_start3A_167 : memref<8193x1024xf32, #tpu.memory_space<hbm>>) target(%arg11 : memref<16x1024xf32, #tpu.memory_space<vmem>>) offsets(%dma_start3A_164 : memref<16xi32, #tpu.memory_space<vmem>>) semaphore(%arg18 : memref<!tpu.dma_semaphore, #tpu.memory_space<semaphore_mem>>)
    %mul3A_168 = arith.constant 7 : i32
    %mul3A_169 = arith.muli %scan3A_28, %mul3A_168 : i32
    %add3A_170 = arith.constant 3 : i32
    %add3A_171 = arith.addi %mul3A_169, %add3A_170 : i32
    %dma_wait3A_172 = arith.constant 0 : i32
    %dma_wait3A_173 = arith.constant 0 : i32
    %dma_wait3A_174 = tpu.memref_slice %arg2[%dma_wait3A_172, %dma_wait3A_173] : memref<8193x1024xf32, #tpu.memory_space<hbm>> -> memref<16x1024xf32, #tpu.memory_space<hbm>>
    %dma_wait3A_175 = arith.constant 0 : i32
    %dma_wait3A_176 = arith.constant 0 : i32
    %dma_wait3A_177 = tpu.memref_slice %arg2[%dma_wait3A_175, %dma_wait3A_176] : memref<8193x1024xf32, #tpu.memory_space<hbm>> -> memref<16x1024xf32, #tpu.memory_space<hbm>>
    tpu.wait_dma2 semaphore(%arg16 : memref<!tpu.dma_semaphore, #tpu.memory_space<semaphore_mem>>) src(%dma_wait3A_177 : memref<16x1024xf32, #tpu.memory_space<hbm>>) dst(%arg9 : memref<16x1024xf32, #tpu.memory_space<vmem>>)
    %get3A_178 = arith.index_cast %add3A_171 : i32 to index
    %get3A_179 = arith.constant 0 : index
    %get3A_180 = tpu.vector_load %arg5[%get3A_178, %get3A_179] {strides = array<i32>} : memref<64x16xi32, #tpu.memory_space<vmem>>, vector<16xi32>,
    %reduce_min3A_181 = arith.constant true
    %reduce_min3A_182 = vector.broadcast %reduce_min3A_181 : i1 to vector<16xi1>
    %reduce_min3A_183 = arith.constant -2147483648 : i32
    %reduce_min3A_184 = vector.broadcast %reduce_min3A_183 : i32 to vector<16xi32>
    %reduce_min3A_185 = arith.xori %get3A_180, %reduce_min3A_184 : vector<16xi32>
    %reduce_min3A_186 = tpu.scan <min>, %reduce_min3A_185 masked %reduce_min3A_182 : vector<16xi32>, vector<16xi1> -> vector<16xi32>
    %reduce_min3A_187 = arith.xori %reduce_min3A_186, %reduce_min3A_184 : vector<16xi32>
    %reduce_min3A_188 = vector.extract %reduce_min3A_187[15] : i32 from vector<16xi32>
    %le3A_189 = arith.constant 0 : i32
    %le3A_190 = arith.cmpi sle, %reduce_min3A_188, %le3A_189 : i32
    %convert_element_type3A_191 = arith.extui %le3A_190 : i1 to i32
    %cond3A_192 = arith.constant 0 : i32
    %cond3A_193 = arith.cmpi ne, %convert_element_type3A_191, %cond3A_192 : i32
    scf.if %cond3A_193 {
      %scan3A_460 = arith.constant 0 : i32
      %scan3A_461 = arith.constant 0 : i32
      %scan3A_462 = arith.constant 16 : i32
      %scan3A_463 = arith.addi %scan3A_461, %scan3A_462 : i32
      %scan3A_464 = arith.constant 1 : i32
      %scan3A_465 = scf.for %scan3A_467 = %scan3A_461 to %scan3A_463 step %scan3A_464 iter_args(%scan3A_468 = %scan3A_460) -> (i32)  : i32 {
        %broadcast_in_dim3A = vector.broadcast %add3A_171 : i32 to vector<16xi32>
        %broadcast_in_dim3A_469 = vector.broadcast %scan3A_467 : i32 to vector<16xi32>
        %gather3A = tpu.vector_load_idx %arg5[%broadcast_in_dim3A, %broadcast_in_dim3A_469] : memref<64x16xi32, #tpu.memory_space<vmem>>[vector<16xi32>, vector<16xi32>], vector<16xi32>,
        %min3A_470 = arith.constant 1 : i32
        %min3A_471 = vector.broadcast %min3A_470 : i32 to vector<16xi32>
        %min3A_472 = arith.minsi %gather3A, %min3A_471 : vector<16xi32>
        %convert_element_type3A_473 = arith.sitofp %min3A_472 : vector<16xi32> to vector<16xf32>
        %scan3A_474 = arith.constant 0 : i32
        %scan3A_475 = arith.constant 0 : i32
        %scan3A_476 = arith.constant 64 : i32
        %scan3A_477 = arith.addi %scan3A_475, %scan3A_476 : i32
        %scan3A_478 = arith.constant 1 : i32
        %scan3A_479 = scf.for %scan3A_481 = %scan3A_475 to %scan3A_477 step %scan3A_478 iter_args(%scan3A_482 = %scan3A_474) -> (i32)  : i32 {
          %mul3A_483 = arith.constant 16 : i32
          %mul3A_484 = arith.muli %scan3A_481, %mul3A_483 : i32
          %multiple_of3A_485 = tpu.assume_multiple %mul3A_484, 16 : i32
          %get3A_486 = arith.index_cast %scan3A_467 : i32 to index
          %get3A_487 = arith.index_cast %multiple_of3A_485 : i32 to index
          %get3A_488 = tpu.vector_load %arg9[%get3A_486, %get3A_487] {strides = array<i32>} : memref<16x1024xf32, #tpu.memory_space<vmem>>, vector<16xf32>,
          %mul3A_489 = arith.mulf %get3A_488, %convert_element_type3A_473 : vector<16xf32>
          %swap3A = arith.index_cast %scan3A_467 : i32 to index
          %swap3A_490 = arith.index_cast %multiple_of3A_485 : i32 to index
          %swap3A_491 = tpu.vector_load %arg9[%swap3A, %swap3A_490] {strides = array<i32>} : memref<16x1024xf32, #tpu.memory_space<vmem>>, vector<16xf32>,
          tpu.vector_store %arg9[%swap3A, %swap3A_490], %mul3A_489 {strides = array<i32>} : memref<16x1024xf32, #tpu.memory_space<vmem>>, vector<16xf32>,
          %scan3A_492 = arith.constant 0 : i32
          scf.yield %scan3A_492 : i32
        }
        %scan3A_480 = arith.constant 64 : i32
        scf.yield %scan3A_479 : i32
      }
      %scan3A_466 = arith.constant 16 : i32
    } else {
    }
    %mul3A_194 = arith.constant 16 : i32
    %mul3A_195 = arith.muli %add3A_171, %mul3A_194 : i32
    %add3A_196 = arith.addi %mul3A_2, %mul3A_195 : i32
    %multiple_of3A_197 = tpu.assume_multiple %add3A_196, 16 : i32
    %dma_start3A_198 = arith.constant 0 : i32
    %dma_start3A_199 = tpu.memref_slice %arg4[%multiple_of3A_197, %dma_start3A_198] : memref<32768x1024xf32, #tpu.memory_space<hbm>> -> memref<16x1024xf32, #tpu.memory_space<hbm>>
    %dma_start3A_200 = arith.constant 0 : i32
    %dma_start3A_201 = tpu.memref_slice %arg4[%multiple_of3A_197, %dma_start3A_200] : memref<32768x1024xf32, #tpu.memory_space<hbm>> -> memref<16x1024xf32, #tpu.memory_space<hbm>>
    tpu.enqueue_dma source(%arg9 : memref<16x1024xf32, #tpu.memory_space<vmem>>) target(%dma_start3A_201 : memref<16x1024xf32, #tpu.memory_space<hbm>>) target_semaphore(%arg23 : memref<!tpu.dma_semaphore, #tpu.memory_space<semaphore_mem>>)
    %ge3A_202 = arith.constant 4 : i32
    %ge3A_203 = arith.cmpi sge, %add3A_171, %ge3A_202 : i32
    %convert_element_type3A_204 = arith.extui %ge3A_203 : i1 to i32
    %cond3A_205 = arith.constant 0 : i32
    %cond3A_206 = arith.cmpi ne, %convert_element_type3A_204, %cond3A_205 : i32
    scf.if %cond3A_206 {
      %dma_wait3A_460 = arith.constant 0 : i32
      %dma_wait3A_461 = arith.constant 0 : i32
      %dma_wait3A_462 = tpu.memref_slice %arg4[%dma_wait3A_460, %dma_wait3A_461] : memref<32768x1024xf32, #tpu.memory_space<hbm>> -> memref<16x1024xf32, #tpu.memory_space<hbm>>
      %dma_wait3A_463 = arith.constant 0 : i32
      %dma_wait3A_464 = arith.constant 0 : i32
      %dma_wait3A_465 = tpu.memref_slice %arg4[%dma_wait3A_463, %dma_wait3A_464] : memref<32768x1024xf32, #tpu.memory_space<hbm>> -> memref<16x1024xf32, #tpu.memory_space<hbm>>
      tpu.wait_dma2 semaphore(%arg26 : memref<!tpu.dma_semaphore, #tpu.memory_space<semaphore_mem>>) src(%arg12 : memref<16x1024xf32, #tpu.memory_space<vmem>>) dst(%dma_wait3A_465 : memref<16x1024xf32, #tpu.memory_space<hbm>>)
    } else {
    }
    %add3A_207 = arith.constant 3 : i32
    %add3A_208 = arith.addi %add3A_171, %add3A_207 : i32
    %min3A_209 = arith.constant 63 : i32
    %min3A_210 = arith.minsi %add3A_208, %min3A_209 : i32
    %dma_start3A_211 = arith.constant 0 : i32
    %dma_start3A_212 = tpu.memref_slice %arg5[%min3A_210, %dma_start3A_211] : memref<64x16xi32, #tpu.memory_space<vmem>> -> memref<1x16xi32, #tpu.memory_space<vmem>>
    %dma_start3A_213 = tpu.memref_squeeze %dma_start3A_212 : memref<1x16xi32, #tpu.memory_space<vmem>> -> memref<16xi32, #tpu.memory_space<vmem>>
    %dma_start3A_214 = arith.constant 0 : i32
    %dma_start3A_215 = arith.constant 0 : i32
    %dma_start3A_216 = tpu.memref_slice %arg2[%dma_start3A_214, %dma_start3A_215] : memref<8193x1024xf32, #tpu.memory_space<hbm>> -> memref<8193x1024xf32, #tpu.memory_space<hbm>>
    tpu.enqueue_indirect_dma source(%dma_start3A_216 : memref<8193x1024xf32, #tpu.memory_space<hbm>>) target(%arg12 : memref<16x1024xf32, #tpu.memory_space<vmem>>) offsets(%dma_start3A_213 : memref<16xi32, #tpu.memory_space<vmem>>) semaphore(%arg19 : memref<!tpu.dma_semaphore, #tpu.memory_space<semaphore_mem>>)
    %mul3A_217 = arith.constant 7 : i32
    %mul3A_218 = arith.muli %scan3A_28, %mul3A_217 : i32
    %add3A_219 = arith.constant 4 : i32
    %add3A_220 = arith.addi %mul3A_218, %add3A_219 : i32
    %dma_wait3A_221 = arith.constant 0 : i32
    %dma_wait3A_222 = arith.constant 0 : i32
    %dma_wait3A_223 = tpu.memref_slice %arg2[%dma_wait3A_221, %dma_wait3A_222] : memref<8193x1024xf32, #tpu.memory_space<hbm>> -> memref<16x1024xf32, #tpu.memory_space<hbm>>
    %dma_wait3A_224 = arith.constant 0 : i32
    %dma_wait3A_225 = arith.constant 0 : i32
    %dma_wait3A_226 = tpu.memref_slice %arg2[%dma_wait3A_224, %dma_wait3A_225] : memref<8193x1024xf32, #tpu.memory_space<hbm>> -> memref<16x1024xf32, #tpu.memory_space<hbm>>
    tpu.wait_dma2 semaphore(%arg17 : memref<!tpu.dma_semaphore, #tpu.memory_space<semaphore_mem>>) src(%dma_wait3A_226 : memref<16x1024xf32, #tpu.memory_space<hbm>>) dst(%arg10 : memref<16x1024xf32, #tpu.memory_space<vmem>>)
    %get3A_227 = arith.index_cast %add3A_220 : i32 to index
    %get3A_228 = arith.constant 0 : index
    %get3A_229 = tpu.vector_load %arg5[%get3A_227, %get3A_228] {strides = array<i32>} : memref<64x16xi32, #tpu.memory_space<vmem>>, vector<16xi32>,
    %reduce_min3A_230 = arith.constant true
    %reduce_min3A_231 = vector.broadcast %reduce_min3A_230 : i1 to vector<16xi1>
    %reduce_min3A_232 = arith.constant -2147483648 : i32
    %reduce_min3A_233 = vector.broadcast %reduce_min3A_232 : i32 to vector<16xi32>
    %reduce_min3A_234 = arith.xori %get3A_229, %reduce_min3A_233 : vector<16xi32>
    %reduce_min3A_235 = tpu.scan <min>, %reduce_min3A_234 masked %reduce_min3A_231 : vector<16xi32>, vector<16xi1> -> vector<16xi32>
    %reduce_min3A_236 = arith.xori %reduce_min3A_235, %reduce_min3A_233 : vector<16xi32>
    %reduce_min3A_237 = vector.extract %reduce_min3A_236[15] : i32 from vector<16xi32>
    %le3A_238 = arith.constant 0 : i32
    %le3A_239 = arith.cmpi sle, %reduce_min3A_237, %le3A_238 : i32
    %convert_element_type3A_240 = arith.extui %le3A_239 : i1 to i32
    %cond3A_241 = arith.constant 0 : i32
    %cond3A_242 = arith.cmpi ne, %convert_element_type3A_240, %cond3A_241 : i32
    scf.if %cond3A_242 {
      %scan3A_460 = arith.constant 0 : i32
      %scan3A_461 = arith.constant 0 : i32
      %scan3A_462 = arith.constant 16 : i32
      %scan3A_463 = arith.addi %scan3A_461, %scan3A_462 : i32
      %scan3A_464 = arith.constant 1 : i32
      %scan3A_465 = scf.for %scan3A_467 = %scan3A_461 to %scan3A_463 step %scan3A_464 iter_args(%scan3A_468 = %scan3A_460) -> (i32)  : i32 {
        %broadcast_in_dim3A = vector.broadcast %add3A_220 : i32 to vector<16xi32>
        %broadcast_in_dim3A_469 = vector.broadcast %scan3A_467 : i32 to vector<16xi32>
        %gather3A = tpu.vector_load_idx %arg5[%broadcast_in_dim3A, %broadcast_in_dim3A_469] : memref<64x16xi32, #tpu.memory_space<vmem>>[vector<16xi32>, vector<16xi32>], vector<16xi32>,
        %min3A_470 = arith.constant 1 : i32
        %min3A_471 = vector.broadcast %min3A_470 : i32 to vector<16xi32>
        %min3A_472 = arith.minsi %gather3A, %min3A_471 : vector<16xi32>
        %convert_element_type3A_473 = arith.sitofp %min3A_472 : vector<16xi32> to vector<16xf32>
        %scan3A_474 = arith.constant 0 : i32
        %scan3A_475 = arith.constant 0 : i32
        %scan3A_476 = arith.constant 64 : i32
        %scan3A_477 = arith.addi %scan3A_475, %scan3A_476 : i32
        %scan3A_478 = arith.constant 1 : i32
        %scan3A_479 = scf.for %scan3A_481 = %scan3A_475 to %scan3A_477 step %scan3A_478 iter_args(%scan3A_482 = %scan3A_474) -> (i32)  : i32 {
          %mul3A_483 = arith.constant 16 : i32
          %mul3A_484 = arith.muli %scan3A_481, %mul3A_483 : i32
          %multiple_of3A_485 = tpu.assume_multiple %mul3A_484, 16 : i32
          %get3A_486 = arith.index_cast %scan3A_467 : i32 to index
          %get3A_487 = arith.index_cast %multiple_of3A_485 : i32 to index
          %get3A_488 = tpu.vector_load %arg10[%get3A_486, %get3A_487] {strides = array<i32>} : memref<16x1024xf32, #tpu.memory_space<vmem>>, vector<16xf32>,
          %mul3A_489 = arith.mulf %get3A_488, %convert_element_type3A_473 : vector<16xf32>
          %swap3A = arith.index_cast %scan3A_467 : i32 to index
          %swap3A_490 = arith.index_cast %multiple_of3A_485 : i32 to index
          %swap3A_491 = tpu.vector_load %arg10[%swap3A, %swap3A_490] {strides = array<i32>} : memref<16x1024xf32, #tpu.memory_space<vmem>>, vector<16xf32>,
          tpu.vector_store %arg10[%swap3A, %swap3A_490], %mul3A_489 {strides = array<i32>} : memref<16x1024xf32, #tpu.memory_space<vmem>>, vector<16xf32>,
          %scan3A_492 = arith.constant 0 : i32
          scf.yield %scan3A_492 : i32
        }
        %scan3A_480 = arith.constant 64 : i32
        scf.yield %scan3A_479 : i32
      }
      %scan3A_466 = arith.constant 16 : i32
    } else {
    }
    %mul3A_243 = arith.constant 16 : i32
    %mul3A_244 = arith.muli %add3A_220, %mul3A_243 : i32
    %add3A_245 = arith.addi %mul3A_2, %mul3A_244 : i32
    %multiple_of3A_246 = tpu.assume_multiple %add3A_245, 16 : i32
    %dma_start3A_247 = arith.constant 0 : i32
    %dma_start3A_248 = tpu.memref_slice %arg4[%multiple_of3A_246, %dma_start3A_247] : memref<32768x1024xf32, #tpu.memory_space<hbm>> -> memref<16x1024xf32, #tpu.memory_space<hbm>>
    %dma_start3A_249 = arith.constant 0 : i32
    %dma_start3A_250 = tpu.memref_slice %arg4[%multiple_of3A_246, %dma_start3A_249] : memref<32768x1024xf32, #tpu.memory_space<hbm>> -> memref<16x1024xf32, #tpu.memory_space<hbm>>
    tpu.enqueue_dma source(%arg10 : memref<16x1024xf32, #tpu.memory_space<vmem>>) target(%dma_start3A_250 : memref<16x1024xf32, #tpu.memory_space<hbm>>) target_semaphore(%arg24 : memref<!tpu.dma_semaphore, #tpu.memory_space<semaphore_mem>>)
    %ge3A_251 = arith.constant 4 : i32
    %ge3A_252 = arith.cmpi sge, %add3A_220, %ge3A_251 : i32
    %convert_element_type3A_253 = arith.extui %ge3A_252 : i1 to i32
    %cond3A_254 = arith.constant 0 : i32
    %cond3A_255 = arith.cmpi ne, %convert_element_type3A_253, %cond3A_254 : i32
    scf.if %cond3A_255 {
      %dma_wait3A_460 = arith.constant 0 : i32
      %dma_wait3A_461 = arith.constant 0 : i32
      %dma_wait3A_462 = tpu.memref_slice %arg4[%dma_wait3A_460, %dma_wait3A_461] : memref<32768x1024xf32, #tpu.memory_space<hbm>> -> memref<16x1024xf32, #tpu.memory_space<hbm>>
      %dma_wait3A_463 = arith.constant 0 : i32
      %dma_wait3A_464 = arith.constant 0 : i32
      %dma_wait3A_465 = tpu.memref_slice %arg4[%dma_wait3A_463, %dma_wait3A_464] : memref<32768x1024xf32, #tpu.memory_space<hbm>> -> memref<16x1024xf32, #tpu.memory_space<hbm>>
      tpu.wait_dma2 semaphore(%arg20 : memref<!tpu.dma_semaphore, #tpu.memory_space<semaphore_mem>>) src(%arg6 : memref<16x1024xf32, #tpu.memory_space<vmem>>) dst(%dma_wait3A_465 : memref<16x1024xf32, #tpu.memory_space<hbm>>)
    } else {
    }
    %add3A_256 = arith.constant 3 : i32
    %add3A_257 = arith.addi %add3A_220, %add3A_256 : i32
    %min3A_258 = arith.constant 63 : i32
    %min3A_259 = arith.minsi %add3A_257, %min3A_258 : i32
    %dma_start3A_260 = arith.constant 0 : i32
    %dma_start3A_261 = tpu.memref_slice %arg5[%min3A_259, %dma_start3A_260] : memref<64x16xi32, #tpu.memory_space<vmem>> -> memref<1x16xi32, #tpu.memory_space<vmem>>
    %dma_start3A_262 = tpu.memref_squeeze %dma_start3A_261 : memref<1x16xi32, #tpu.memory_space<vmem>> -> memref<16xi32, #tpu.memory_space<vmem>>
    %dma_start3A_263 = arith.constant 0 : i32
    %dma_start3A_264 = arith.constant 0 : i32
    %dma_start3A_265 = tpu.memref_slice %arg2[%dma_start3A_263, %dma_start3A_264] : memref<8193x1024xf32, #tpu.memory_space<hbm>> -> memref<8193x1024xf32, #tpu.memory_space<hbm>>
    tpu.enqueue_indirect_dma source(%dma_start3A_265 : memref<8193x1024xf32, #tpu.memory_space<hbm>>) target(%arg6 : memref<16x1024xf32, #tpu.memory_space<vmem>>) offsets(%dma_start3A_262 : memref<16xi32, #tpu.memory_space<vmem>>) semaphore(%arg13 : memref<!tpu.dma_semaphore, #tpu.memory_space<semaphore_mem>>)
    %mul3A_266 = arith.constant 7 : i32
    %mul3A_267 = arith.muli %scan3A_28, %mul3A_266 : i32
    %add3A_268 = arith.constant 5 : i32
    %add3A_269 = arith.addi %mul3A_267, %add3A_268 : i32
    %dma_wait3A_270 = arith.constant 0 : i32
    %dma_wait3A_271 = arith.constant 0 : i32
    %dma_wait3A_272 = tpu.memref_slice %arg2[%dma_wait3A_270, %dma_wait3A_271] : memref<8193x1024xf32, #tpu.memory_space<hbm>> -> memref<16x1024xf32, #tpu.memory_space<hbm>>
    %dma_wait3A_273 = arith.constant 0 : i32
    %dma_wait3A_274 = arith.constant 0 : i32
    %dma_wait3A_275 = tpu.memref_slice %arg2[%dma_wait3A_273, %dma_wait3A_274] : memref<8193x1024xf32, #tpu.memory_space<hbm>> -> memref<16x1024xf32, #tpu.memory_space<hbm>>
    tpu.wait_dma2 semaphore(%arg18 : memref<!tpu.dma_semaphore, #tpu.memory_space<semaphore_mem>>) src(%dma_wait3A_275 : memref<16x1024xf32, #tpu.memory_space<hbm>>) dst(%arg11 : memref<16x1024xf32, #tpu.memory_space<vmem>>)
    %get3A_276 = arith.index_cast %add3A_269 : i32 to index
    %get3A_277 = arith.constant 0 : index
    %get3A_278 = tpu.vector_load %arg5[%get3A_276, %get3A_277] {strides = array<i32>} : memref<64x16xi32, #tpu.memory_space<vmem>>, vector<16xi32>,
    %reduce_min3A_279 = arith.constant true
    %reduce_min3A_280 = vector.broadcast %reduce_min3A_279 : i1 to vector<16xi1>
    %reduce_min3A_281 = arith.constant -2147483648 : i32
    %reduce_min3A_282 = vector.broadcast %reduce_min3A_281 : i32 to vector<16xi32>
    %reduce_min3A_283 = arith.xori %get3A_278, %reduce_min3A_282 : vector<16xi32>
    %reduce_min3A_284 = tpu.scan <min>, %reduce_min3A_283 masked %reduce_min3A_280 : vector<16xi32>, vector<16xi1> -> vector<16xi32>
    %reduce_min3A_285 = arith.xori %reduce_min3A_284, %reduce_min3A_282 : vector<16xi32>
    %reduce_min3A_286 = vector.extract %reduce_min3A_285[15] : i32 from vector<16xi32>
    %le3A_287 = arith.constant 0 : i32
    %le3A_288 = arith.cmpi sle, %reduce_min3A_286, %le3A_287 : i32
    %convert_element_type3A_289 = arith.extui %le3A_288 : i1 to i32
    %cond3A_290 = arith.constant 0 : i32
    %cond3A_291 = arith.cmpi ne, %convert_element_type3A_289, %cond3A_290 : i32
    scf.if %cond3A_291 {
      %scan3A_460 = arith.constant 0 : i32
      %scan3A_461 = arith.constant 0 : i32
      %scan3A_462 = arith.constant 16 : i32
      %scan3A_463 = arith.addi %scan3A_461, %scan3A_462 : i32
      %scan3A_464 = arith.constant 1 : i32
      %scan3A_465 = scf.for %scan3A_467 = %scan3A_461 to %scan3A_463 step %scan3A_464 iter_args(%scan3A_468 = %scan3A_460) -> (i32)  : i32 {
        %broadcast_in_dim3A = vector.broadcast %add3A_269 : i32 to vector<16xi32>
        %broadcast_in_dim3A_469 = vector.broadcast %scan3A_467 : i32 to vector<16xi32>
        %gather3A = tpu.vector_load_idx %arg5[%broadcast_in_dim3A, %broadcast_in_dim3A_469] : memref<64x16xi32, #tpu.memory_space<vmem>>[vector<16xi32>, vector<16xi32>], vector<16xi32>,
        %min3A_470 = arith.constant 1 : i32
        %min3A_471 = vector.broadcast %min3A_470 : i32 to vector<16xi32>
        %min3A_472 = arith.minsi %gather3A, %min3A_471 : vector<16xi32>
        %convert_element_type3A_473 = arith.sitofp %min3A_472 : vector<16xi32> to vector<16xf32>
        %scan3A_474 = arith.constant 0 : i32
        %scan3A_475 = arith.constant 0 : i32
        %scan3A_476 = arith.constant 64 : i32
        %scan3A_477 = arith.addi %scan3A_475, %scan3A_476 : i32
        %scan3A_478 = arith.constant 1 : i32
        %scan3A_479 = scf.for %scan3A_481 = %scan3A_475 to %scan3A_477 step %scan3A_478 iter_args(%scan3A_482 = %scan3A_474) -> (i32)  : i32 {
          %mul3A_483 = arith.constant 16 : i32
          %mul3A_484 = arith.muli %scan3A_481, %mul3A_483 : i32
          %multiple_of3A_485 = tpu.assume_multiple %mul3A_484, 16 : i32
          %get3A_486 = arith.index_cast %scan3A_467 : i32 to index
          %get3A_487 = arith.index_cast %multiple_of3A_485 : i32 to index
          %get3A_488 = tpu.vector_load %arg11[%get3A_486, %get3A_487] {strides = array<i32>} : memref<16x1024xf32, #tpu.memory_space<vmem>>, vector<16xf32>,
          %mul3A_489 = arith.mulf %get3A_488, %convert_element_type3A_473 : vector<16xf32>
          %swap3A = arith.index_cast %scan3A_467 : i32 to index
          %swap3A_490 = arith.index_cast %multiple_of3A_485 : i32 to index
          %swap3A_491 = tpu.vector_load %arg11[%swap3A, %swap3A_490] {strides = array<i32>} : memref<16x1024xf32, #tpu.memory_space<vmem>>, vector<16xf32>,
          tpu.vector_store %arg11[%swap3A, %swap3A_490], %mul3A_489 {strides = array<i32>} : memref<16x1024xf32, #tpu.memory_space<vmem>>, vector<16xf32>,
          %scan3A_492 = arith.constant 0 : i32
          scf.yield %scan3A_492 : i32
        }
        %scan3A_480 = arith.constant 64 : i32
        scf.yield %scan3A_479 : i32
      }
      %scan3A_466 = arith.constant 16 : i32
    } else {
    }
    %mul3A_292 = arith.constant 16 : i32
    %mul3A_293 = arith.muli %add3A_269, %mul3A_292 : i32
    %add3A_294 = arith.addi %mul3A_2, %mul3A_293 : i32
    %multiple_of3A_295 = tpu.assume_multiple %add3A_294, 16 : i32
    %dma_start3A_296 = arith.constant 0 : i32
    %dma_start3A_297 = tpu.memref_slice %arg4[%multiple_of3A_295, %dma_start3A_296] : memref<32768x1024xf32, #tpu.memory_space<hbm>> -> memref<16x1024xf32, #tpu.memory_space<hbm>>
    %dma_start3A_298 = arith.constant 0 : i32
    %dma_start3A_299 = tpu.memref_slice %arg4[%multiple_of3A_295, %dma_start3A_298] : memref<32768x1024xf32, #tpu.memory_space<hbm>> -> memref<16x1024xf32, #tpu.memory_space<hbm>>
    tpu.enqueue_dma source(%arg11 : memref<16x1024xf32, #tpu.memory_space<vmem>>) target(%dma_start3A_299 : memref<16x1024xf32, #tpu.memory_space<hbm>>) target_semaphore(%arg25 : memref<!tpu.dma_semaphore, #tpu.memory_space<semaphore_mem>>)
    %ge3A_300 = arith.constant 4 : i32
    %ge3A_301 = arith.cmpi sge, %add3A_269, %ge3A_300 : i32
    %convert_element_type3A_302 = arith.extui %ge3A_301 : i1 to i32
    %cond3A_303 = arith.constant 0 : i32
    %cond3A_304 = arith.cmpi ne, %convert_element_type3A_302, %cond3A_303 : i32
    scf.if %cond3A_304 {
      %dma_wait3A_460 = arith.constant 0 : i32
      %dma_wait3A_461 = arith.constant 0 : i32
      %dma_wait3A_462 = tpu.memref_slice %arg4[%dma_wait3A_460, %dma_wait3A_461] : memref<32768x1024xf32, #tpu.memory_space<hbm>> -> memref<16x1024xf32, #tpu.memory_space<hbm>>
      %dma_wait3A_463 = arith.constant 0 : i32
      %dma_wait3A_464 = arith.constant 0 : i32
      %dma_wait3A_465 = tpu.memref_slice %arg4[%dma_wait3A_463, %dma_wait3A_464] : memref<32768x1024xf32, #tpu.memory_space<hbm>> -> memref<16x1024xf32, #tpu.memory_space<hbm>>
      tpu.wait_dma2 semaphore(%arg21 : memref<!tpu.dma_semaphore, #tpu.memory_space<semaphore_mem>>) src(%arg7 : memref<16x1024xf32, #tpu.memory_space<vmem>>) dst(%dma_wait3A_465 : memref<16x1024xf32, #tpu.memory_space<hbm>>)
    } else {
    }
    %add3A_305 = arith.constant 3 : i32
    %add3A_306 = arith.addi %add3A_269, %add3A_305 : i32
    %min3A_307 = arith.constant 63 : i32
    %min3A_308 = arith.minsi %add3A_306, %min3A_307 : i32
    %dma_start3A_309 = arith.constant 0 : i32
    %dma_start3A_310 = tpu.memref_slice %arg5[%min3A_308, %dma_start3A_309] : memref<64x16xi32, #tpu.memory_space<vmem>> -> memref<1x16xi32, #tpu.memory_space<vmem>>
    %dma_start3A_311 = tpu.memref_squeeze %dma_start3A_310 : memref<1x16xi32, #tpu.memory_space<vmem>> -> memref<16xi32, #tpu.memory_space<vmem>>
    %dma_start3A_312 = arith.constant 0 : i32
    %dma_start3A_313 = arith.constant 0 : i32
    %dma_start3A_314 = tpu.memref_slice %arg2[%dma_start3A_312, %dma_start3A_313] : memref<8193x1024xf32, #tpu.memory_space<hbm>> -> memref<8193x1024xf32, #tpu.memory_space<hbm>>
    tpu.enqueue_indirect_dma source(%dma_start3A_314 : memref<8193x1024xf32, #tpu.memory_space<hbm>>) target(%arg7 : memref<16x1024xf32, #tpu.memory_space<vmem>>) offsets(%dma_start3A_311 : memref<16xi32, #tpu.memory_space<vmem>>) semaphore(%arg14 : memref<!tpu.dma_semaphore, #tpu.memory_space<semaphore_mem>>)
    %mul3A_315 = arith.constant 7 : i32
    %mul3A_316 = arith.muli %scan3A_28, %mul3A_315 : i32
    %add3A_317 = arith.constant 6 : i32
    %add3A_318 = arith.addi %mul3A_316, %add3A_317 : i32
    %dma_wait3A_319 = arith.constant 0 : i32
    %dma_wait3A_320 = arith.constant 0 : i32
    %dma_wait3A_321 = tpu.memref_slice %arg2[%dma_wait3A_319, %dma_wait3A_320] : memref<8193x1024xf32, #tpu.memory_space<hbm>> -> memref<16x1024xf32, #tpu.memory_space<hbm>>
    %dma_wait3A_322 = arith.constant 0 : i32
    %dma_wait3A_323 = arith.constant 0 : i32
    %dma_wait3A_324 = tpu.memref_slice %arg2[%dma_wait3A_322, %dma_wait3A_323] : memref<8193x1024xf32, #tpu.memory_space<hbm>> -> memref<16x1024xf32, #tpu.memory_space<hbm>>
    tpu.wait_dma2 semaphore(%arg19 : memref<!tpu.dma_semaphore, #tpu.memory_space<semaphore_mem>>) src(%dma_wait3A_324 : memref<16x1024xf32, #tpu.memory_space<hbm>>) dst(%arg12 : memref<16x1024xf32, #tpu.memory_space<vmem>>)
    %get3A_325 = arith.index_cast %add3A_318 : i32 to index
    %get3A_326 = arith.constant 0 : index
    %get3A_327 = tpu.vector_load %arg5[%get3A_325, %get3A_326] {strides = array<i32>} : memref<64x16xi32, #tpu.memory_space<vmem>>, vector<16xi32>,
    %reduce_min3A_328 = arith.constant true
    %reduce_min3A_329 = vector.broadcast %reduce_min3A_328 : i1 to vector<16xi1>
    %reduce_min3A_330 = arith.constant -2147483648 : i32
    %reduce_min3A_331 = vector.broadcast %reduce_min3A_330 : i32 to vector<16xi32>
    %reduce_min3A_332 = arith.xori %get3A_327, %reduce_min3A_331 : vector<16xi32>
    %reduce_min3A_333 = tpu.scan <min>, %reduce_min3A_332 masked %reduce_min3A_329 : vector<16xi32>, vector<16xi1> -> vector<16xi32>
    %reduce_min3A_334 = arith.xori %reduce_min3A_333, %reduce_min3A_331 : vector<16xi32>
    %reduce_min3A_335 = vector.extract %reduce_min3A_334[15] : i32 from vector<16xi32>
    %le3A_336 = arith.constant 0 : i32
    %le3A_337 = arith.cmpi sle, %reduce_min3A_335, %le3A_336 : i32
    %convert_element_type3A_338 = arith.extui %le3A_337 : i1 to i32
    %cond3A_339 = arith.constant 0 : i32
    %cond3A_340 = arith.cmpi ne, %convert_element_type3A_338, %cond3A_339 : i32
    scf.if %cond3A_340 {
      %scan3A_460 = arith.constant 0 : i32
      %scan3A_461 = arith.constant 0 : i32
      %scan3A_462 = arith.constant 16 : i32
      %scan3A_463 = arith.addi %scan3A_461, %scan3A_462 : i32
      %scan3A_464 = arith.constant 1 : i32
      %scan3A_465 = scf.for %scan3A_467 = %scan3A_461 to %scan3A_463 step %scan3A_464 iter_args(%scan3A_468 = %scan3A_460) -> (i32)  : i32 {
        %broadcast_in_dim3A = vector.broadcast %add3A_318 : i32 to vector<16xi32>
        %broadcast_in_dim3A_469 = vector.broadcast %scan3A_467 : i32 to vector<16xi32>
        %gather3A = tpu.vector_load_idx %arg5[%broadcast_in_dim3A, %broadcast_in_dim3A_469] : memref<64x16xi32, #tpu.memory_space<vmem>>[vector<16xi32>, vector<16xi32>], vector<16xi32>,
        %min3A_470 = arith.constant 1 : i32
        %min3A_471 = vector.broadcast %min3A_470 : i32 to vector<16xi32>
        %min3A_472 = arith.minsi %gather3A, %min3A_471 : vector<16xi32>
        %convert_element_type3A_473 = arith.sitofp %min3A_472 : vector<16xi32> to vector<16xf32>
        %scan3A_474 = arith.constant 0 : i32
        %scan3A_475 = arith.constant 0 : i32
        %scan3A_476 = arith.constant 64 : i32
        %scan3A_477 = arith.addi %scan3A_475, %scan3A_476 : i32
        %scan3A_478 = arith.constant 1 : i32
        %scan3A_479 = scf.for %scan3A_481 = %scan3A_475 to %scan3A_477 step %scan3A_478 iter_args(%scan3A_482 = %scan3A_474) -> (i32)  : i32 {
          %mul3A_483 = arith.constant 16 : i32
          %mul3A_484 = arith.muli %scan3A_481, %mul3A_483 : i32
          %multiple_of3A_485 = tpu.assume_multiple %mul3A_484, 16 : i32
          %get3A_486 = arith.index_cast %scan3A_467 : i32 to index
          %get3A_487 = arith.index_cast %multiple_of3A_485 : i32 to index
          %get3A_488 = tpu.vector_load %arg12[%get3A_486, %get3A_487] {strides = array<i32>} : memref<16x1024xf32, #tpu.memory_space<vmem>>, vector<16xf32>,
          %mul3A_489 = arith.mulf %get3A_488, %convert_element_type3A_473 : vector<16xf32>
          %swap3A = arith.index_cast %scan3A_467 : i32 to index
          %swap3A_490 = arith.index_cast %multiple_of3A_485 : i32 to index
          %swap3A_491 = tpu.vector_load %arg12[%swap3A, %swap3A_490] {strides = array<i32>} : memref<16x1024xf32, #tpu.memory_space<vmem>>, vector<16xf32>,
          tpu.vector_store %arg12[%swap3A, %swap3A_490], %mul3A_489 {strides = array<i32>} : memref<16x1024xf32, #tpu.memory_space<vmem>>, vector<16xf32>,
          %scan3A_492 = arith.constant 0 : i32
          scf.yield %scan3A_492 : i32
        }
        %scan3A_480 = arith.constant 64 : i32
        scf.yield %scan3A_479 : i32
      }
      %scan3A_466 = arith.constant 16 : i32
    } else {
    }
    %mul3A_341 = arith.constant 16 : i32
    %mul3A_342 = arith.muli %add3A_318, %mul3A_341 : i32
    %add3A_343 = arith.addi %mul3A_2, %mul3A_342 : i32
    %multiple_of3A_344 = tpu.assume_multiple %add3A_343, 16 : i32
    %dma_start3A_345 = arith.constant 0 : i32
    %dma_start3A_346 = tpu.memref_slice %arg4[%multiple_of3A_344, %dma_start3A_345] : memref<32768x1024xf32, #tpu.memory_space<hbm>> -> memref<16x1024xf32, #tpu.memory_space<hbm>>
    %dma_start3A_347 = arith.constant 0 : i32
    %dma_start3A_348 = tpu.memref_slice %arg4[%multiple_of3A_344, %dma_start3A_347] : memref<32768x1024xf32, #tpu.memory_space<hbm>> -> memref<16x1024xf32, #tpu.memory_space<hbm>>
    tpu.enqueue_dma source(%arg12 : memref<16x1024xf32, #tpu.memory_space<vmem>>) target(%dma_start3A_348 : memref<16x1024xf32, #tpu.memory_space<hbm>>) target_semaphore(%arg26 : memref<!tpu.dma_semaphore, #tpu.memory_space<semaphore_mem>>)
    %ge3A_349 = arith.constant 4 : i32
    %ge3A_350 = arith.cmpi sge, %add3A_318, %ge3A_349 : i32
    %convert_element_type3A_351 = arith.extui %ge3A_350 : i1 to i32
    %cond3A_352 = arith.constant 0 : i32
    %cond3A_353 = arith.cmpi ne, %convert_element_type3A_351, %cond3A_352 : i32
    scf.if %cond3A_353 {
      %dma_wait3A_460 = arith.constant 0 : i32
      %dma_wait3A_461 = arith.constant 0 : i32
      %dma_wait3A_462 = tpu.memref_slice %arg4[%dma_wait3A_460, %dma_wait3A_461] : memref<32768x1024xf32, #tpu.memory_space<hbm>> -> memref<16x1024xf32, #tpu.memory_space<hbm>>
      %dma_wait3A_463 = arith.constant 0 : i32
      %dma_wait3A_464 = arith.constant 0 : i32
      %dma_wait3A_465 = tpu.memref_slice %arg4[%dma_wait3A_463, %dma_wait3A_464] : memref<32768x1024xf32, #tpu.memory_space<hbm>> -> memref<16x1024xf32, #tpu.memory_space<hbm>>
      tpu.wait_dma2 semaphore(%arg22 : memref<!tpu.dma_semaphore, #tpu.memory_space<semaphore_mem>>) src(%arg8 : memref<16x1024xf32, #tpu.memory_space<vmem>>) dst(%dma_wait3A_465 : memref<16x1024xf32, #tpu.memory_space<hbm>>)
    } else {
    }
    %add3A_354 = arith.constant 3 : i32
    %add3A_355 = arith.addi %add3A_318, %add3A_354 : i32
    %min3A_356 = arith.constant 63 : i32
    %min3A_357 = arith.minsi %add3A_355, %min3A_356 : i32
    %dma_start3A_358 = arith.constant 0 : i32
    %dma_start3A_359 = tpu.memref_slice %arg5[%min3A_357, %dma_start3A_358] : memref<64x16xi32, #tpu.memory_space<vmem>> -> memref<1x16xi32, #tpu.memory_space<vmem>>
    %dma_start3A_360 = tpu.memref_squeeze %dma_start3A_359 : memref<1x16xi32, #tpu.memory_space<vmem>> -> memref<16xi32, #tpu.memory_space<vmem>>
    %dma_start3A_361 = arith.constant 0 : i32
    %dma_start3A_362 = arith.constant 0 : i32
    %dma_start3A_363 = tpu.memref_slice %arg2[%dma_start3A_361, %dma_start3A_362] : memref<8193x1024xf32, #tpu.memory_space<hbm>> -> memref<8193x1024xf32, #tpu.memory_space<hbm>>
    tpu.enqueue_indirect_dma source(%dma_start3A_363 : memref<8193x1024xf32, #tpu.memory_space<hbm>>) target(%arg8 : memref<16x1024xf32, #tpu.memory_space<vmem>>) offsets(%dma_start3A_360 : memref<16xi32, #tpu.memory_space<vmem>>) semaphore(%arg15 : memref<!tpu.dma_semaphore, #tpu.memory_space<semaphore_mem>>)
    %scan3A_364 = arith.constant 0 : i32
    %scan3A_365 = arith.constant 1 : i32
    %scan3A_366 = arith.constant 0 : i32
    %scan3A_367 = arith.constant 1 : i32
    %scan3A_368 = arith.constant 8 : i32
    %scan3A_369 = arith.addi %scan3A_367, %scan3A_368 : i32
    %scan3A_370 = arith.constant 1 : i32
    %scan3A_371 = scf.for %scan3A_460 = %scan3A_367 to %scan3A_369 step %scan3A_370 iter_args(%scan3A_461 = %scan3A_366) -> (i32)  : i32 {
      %mul3A_462 = arith.constant 7 : i32
      %mul3A_463 = arith.muli %scan3A_460, %mul3A_462 : i32
      %add3A_464 = arith.constant 0 : i32
      %add3A_465 = arith.addi %mul3A_463, %add3A_464 : i32
      %dma_wait3A_466 = arith.constant 0 : i32
      %dma_wait3A_467 = arith.constant 0 : i32
      %dma_wait3A_468 = tpu.memref_slice %arg2[%dma_wait3A_466, %dma_wait3A_467] : memref<8193x1024xf32, #tpu.memory_space<hbm>> -> memref<16x1024xf32, #tpu.memory_space<hbm>>
      %dma_wait3A_469 = arith.constant 0 : i32
      %dma_wait3A_470 = arith.constant 0 : i32
      %dma_wait3A_471 = tpu.memref_slice %arg2[%dma_wait3A_469, %dma_wait3A_470] : memref<8193x1024xf32, #tpu.memory_space<hbm>> -> memref<16x1024xf32, #tpu.memory_space<hbm>>
      tpu.wait_dma2 semaphore(%arg13 : memref<!tpu.dma_semaphore, #tpu.memory_space<semaphore_mem>>) src(%dma_wait3A_471 : memref<16x1024xf32, #tpu.memory_space<hbm>>) dst(%arg6 : memref<16x1024xf32, #tpu.memory_space<vmem>>)
      %get3A_472 = arith.index_cast %add3A_465 : i32 to index
      %get3A_473 = arith.constant 0 : index
      %get3A_474 = tpu.vector_load %arg5[%get3A_472, %get3A_473] {strides = array<i32>} : memref<64x16xi32, #tpu.memory_space<vmem>>, vector<16xi32>,
      %reduce_min3A_475 = arith.constant true
      %reduce_min3A_476 = vector.broadcast %reduce_min3A_475 : i1 to vector<16xi1>
      %reduce_min3A_477 = arith.constant -2147483648 : i32
      %reduce_min3A_478 = vector.broadcast %reduce_min3A_477 : i32 to vector<16xi32>
      %reduce_min3A_479 = arith.xori %get3A_474, %reduce_min3A_478 : vector<16xi32>
      %reduce_min3A_480 = tpu.scan <min>, %reduce_min3A_479 masked %reduce_min3A_476 : vector<16xi32>, vector<16xi1> -> vector<16xi32>
      %reduce_min3A_481 = arith.xori %reduce_min3A_480, %reduce_min3A_478 : vector<16xi32>
      %reduce_min3A_482 = vector.extract %reduce_min3A_481[15] : i32 from vector<16xi32>
      %le3A_483 = arith.constant 0 : i32
      %le3A_484 = arith.cmpi sle, %reduce_min3A_482, %le3A_483 : i32
      %convert_element_type3A_485 = arith.extui %le3A_484 : i1 to i32
      %cond3A_486 = arith.constant 0 : i32
      %cond3A_487 = arith.cmpi ne, %convert_element_type3A_485, %cond3A_486 : i32
      scf.if %cond3A_487 {
        %scan3A_813 = arith.constant 0 : i32
        %scan3A_814 = arith.constant 0 : i32
        %scan3A_815 = arith.constant 16 : i32
        %scan3A_816 = arith.addi %scan3A_814, %scan3A_815 : i32
        %scan3A_817 = arith.constant 1 : i32
        %scan3A_818 = scf.for %scan3A_820 = %scan3A_814 to %scan3A_816 step %scan3A_817 iter_args(%scan3A_821 = %scan3A_813) -> (i32)  : i32 {
          %broadcast_in_dim3A = vector.broadcast %add3A_465 : i32 to vector<16xi32>
          %broadcast_in_dim3A_822 = vector.broadcast %scan3A_820 : i32 to vector<16xi32>
          %gather3A = tpu.vector_load_idx %arg5[%broadcast_in_dim3A, %broadcast_in_dim3A_822] : memref<64x16xi32, #tpu.memory_space<vmem>>[vector<16xi32>, vector<16xi32>], vector<16xi32>,
          %min3A_823 = arith.constant 1 : i32
          %min3A_824 = vector.broadcast %min3A_823 : i32 to vector<16xi32>
          %min3A_825 = arith.minsi %gather3A, %min3A_824 : vector<16xi32>
          %convert_element_type3A_826 = arith.sitofp %min3A_825 : vector<16xi32> to vector<16xf32>
          %scan3A_827 = arith.constant 0 : i32
          %scan3A_828 = arith.constant 0 : i32
          %scan3A_829 = arith.constant 64 : i32
          %scan3A_830 = arith.addi %scan3A_828, %scan3A_829 : i32
          %scan3A_831 = arith.constant 1 : i32
          %scan3A_832 = scf.for %scan3A_834 = %scan3A_828 to %scan3A_830 step %scan3A_831 iter_args(%scan3A_835 = %scan3A_827) -> (i32)  : i32 {
            %mul3A_836 = arith.constant 16 : i32
            %mul3A_837 = arith.muli %scan3A_834, %mul3A_836 : i32
            %multiple_of3A_838 = tpu.assume_multiple %mul3A_837, 16 : i32
            %get3A_839 = arith.index_cast %scan3A_820 : i32 to index
            %get3A_840 = arith.index_cast %multiple_of3A_838 : i32 to index
            %get3A_841 = tpu.vector_load %arg6[%get3A_839, %get3A_840] {strides = array<i32>} : memref<16x1024xf32, #tpu.memory_space<vmem>>, vector<16xf32>,
            %mul3A_842 = arith.mulf %get3A_841, %convert_element_type3A_826 : vector<16xf32>
            %swap3A = arith.index_cast %scan3A_820 : i32 to index
            %swap3A_843 = arith.index_cast %multiple_of3A_838 : i32 to index
            %swap3A_844 = tpu.vector_load %arg6[%swap3A, %swap3A_843] {strides = array<i32>} : memref<16x1024xf32, #tpu.memory_space<vmem>>, vector<16xf32>,
            tpu.vector_store %arg6[%swap3A, %swap3A_843], %mul3A_842 {strides = array<i32>} : memref<16x1024xf32, #tpu.memory_space<vmem>>, vector<16xf32>,
            %scan3A_845 = arith.constant 0 : i32
            scf.yield %scan3A_845 : i32
          }
          %scan3A_833 = arith.constant 64 : i32
          scf.yield %scan3A_832 : i32
        }
        %scan3A_819 = arith.constant 16 : i32
      } else {
      }
      %mul3A_488 = arith.constant 16 : i32
      %mul3A_489 = arith.muli %add3A_465, %mul3A_488 : i32
      %add3A_490 = arith.addi %mul3A_2, %mul3A_489 : i32
      %multiple_of3A_491 = tpu.assume_multiple %add3A_490, 16 : i32
      %dma_start3A_492 = arith.constant 0 : i32
      %dma_start3A_493 = tpu.memref_slice %arg4[%multiple_of3A_491, %dma_start3A_492] : memref<32768x1024xf32, #tpu.memory_space<hbm>> -> memref<16x1024xf32, #tpu.memory_space<hbm>>
      %dma_start3A_494 = arith.constant 0 : i32
      %dma_start3A_495 = tpu.memref_slice %arg4[%multiple_of3A_491, %dma_start3A_494] : memref<32768x1024xf32, #tpu.memory_space<hbm>> -> memref<16x1024xf32, #tpu.memory_space<hbm>>
      tpu.enqueue_dma source(%arg6 : memref<16x1024xf32, #tpu.memory_space<vmem>>) target(%dma_start3A_495 : memref<16x1024xf32, #tpu.memory_space<hbm>>) target_semaphore(%arg20 : memref<!tpu.dma_semaphore, #tpu.memory_space<semaphore_mem>>)
      %dma_wait3A_496 = arith.constant 0 : i32
      %dma_wait3A_497 = arith.constant 0 : i32
      %dma_wait3A_498 = tpu.memref_slice %arg4[%dma_wait3A_496, %dma_wait3A_497] : memref<32768x1024xf32, #tpu.memory_space<hbm>> -> memref<16x1024xf32, #tpu.memory_space<hbm>>
      %dma_wait3A_499 = arith.constant 0 : i32
      %dma_wait3A_500 = arith.constant 0 : i32
      %dma_wait3A_501 = tpu.memref_slice %arg4[%dma_wait3A_499, %dma_wait3A_500] : memref<32768x1024xf32, #tpu.memory_space<hbm>> -> memref<16x1024xf32, #tpu.memory_space<hbm>>
      tpu.wait_dma2 semaphore(%arg23 : memref<!tpu.dma_semaphore, #tpu.memory_space<semaphore_mem>>) src(%arg9 : memref<16x1024xf32, #tpu.memory_space<vmem>>) dst(%dma_wait3A_501 : memref<16x1024xf32, #tpu.memory_space<hbm>>)
      %add3A_502 = arith.constant 3 : i32
      %add3A_503 = arith.addi %add3A_465, %add3A_502 : i32
      %min3A_504 = arith.constant 63 : i32
      %min3A_505 = arith.minsi %add3A_503, %min3A_504 : i32
      %dma_start3A_506 = arith.constant 0 : i32
      %dma_start3A_507 = tpu.memref_slice %arg5[%min3A_505, %dma_start3A_506] : memref<64x16xi32, #tpu.memory_space<vmem>> -> memref<1x16xi32, #tpu.memory_space<vmem>>
      %dma_start3A_508 = tpu.memref_squeeze %dma_start3A_507 : memref<1x16xi32, #tpu.memory_space<vmem>> -> memref<16xi32, #tpu.memory_space<vmem>>
      %dma_start3A_509 = arith.constant 0 : i32
      %dma_start3A_510 = arith.constant 0 : i32
      %dma_start3A_511 = tpu.memref_slice %arg2[%dma_start3A_509, %dma_start3A_510] : memref<8193x1024xf32, #tpu.memory_space<hbm>> -> memref<8193x1024xf32, #tpu.memory_space<hbm>>
      tpu.enqueue_indirect_dma source(%dma_start3A_511 : memref<8193x1024xf32, #tpu.memory_space<hbm>>) target(%arg9 : memref<16x1024xf32, #tpu.memory_space<vmem>>) offsets(%dma_start3A_508 : memref<16xi32, #tpu.memory_space<vmem>>) semaphore(%arg16 : memref<!tpu.dma_semaphore, #tpu.memory_space<semaphore_mem>>)
      %mul3A_512 = arith.constant 7 : i32
      %mul3A_513 = arith.muli %scan3A_460, %mul3A_512 : i32
      %add3A_514 = arith.constant 1 : i32
      %add3A_515 = arith.addi %mul3A_513, %add3A_514 : i32
      %dma_wait3A_516 = arith.constant 0 : i32
      %dma_wait3A_517 = arith.constant 0 : i32
      %dma_wait3A_518 = tpu.memref_slice %arg2[%dma_wait3A_516, %dma_wait3A_517] : memref<8193x1024xf32, #tpu.memory_space<hbm>> -> memref<16x1024xf32, #tpu.memory_space<hbm>>
      %dma_wait3A_519 = arith.constant 0 : i32
      %dma_wait3A_520 = arith.constant 0 : i32
      %dma_wait3A_521 = tpu.memref_slice %arg2[%dma_wait3A_519, %dma_wait3A_520] : memref<8193x1024xf32, #tpu.memory_space<hbm>> -> memref<16x1024xf32, #tpu.memory_space<hbm>>
      tpu.wait_dma2 semaphore(%arg14 : memref<!tpu.dma_semaphore, #tpu.memory_space<semaphore_mem>>) src(%dma_wait3A_521 : memref<16x1024xf32, #tpu.memory_space<hbm>>) dst(%arg7 : memref<16x1024xf32, #tpu.memory_space<vmem>>)
      %get3A_522 = arith.index_cast %add3A_515 : i32 to index
      %get3A_523 = arith.constant 0 : index
      %get3A_524 = tpu.vector_load %arg5[%get3A_522, %get3A_523] {strides = array<i32>} : memref<64x16xi32, #tpu.memory_space<vmem>>, vector<16xi32>,
      %reduce_min3A_525 = arith.constant true
      %reduce_min3A_526 = vector.broadcast %reduce_min3A_525 : i1 to vector<16xi1>
      %reduce_min3A_527 = arith.constant -2147483648 : i32
      %reduce_min3A_528 = vector.broadcast %reduce_min3A_527 : i32 to vector<16xi32>
      %reduce_min3A_529 = arith.xori %get3A_524, %reduce_min3A_528 : vector<16xi32>
      %reduce_min3A_530 = tpu.scan <min>, %reduce_min3A_529 masked %reduce_min3A_526 : vector<16xi32>, vector<16xi1> -> vector<16xi32>
      %reduce_min3A_531 = arith.xori %reduce_min3A_530, %reduce_min3A_528 : vector<16xi32>
      %reduce_min3A_532 = vector.extract %reduce_min3A_531[15] : i32 from vector<16xi32>
      %le3A_533 = arith.constant 0 : i32
      %le3A_534 = arith.cmpi sle, %reduce_min3A_532, %le3A_533 : i32
      %convert_element_type3A_535 = arith.extui %le3A_534 : i1 to i32
      %cond3A_536 = arith.constant 0 : i32
      %cond3A_537 = arith.cmpi ne, %convert_element_type3A_535, %cond3A_536 : i32
      scf.if %cond3A_537 {
        %scan3A_813 = arith.constant 0 : i32
        %scan3A_814 = arith.constant 0 : i32
        %scan3A_815 = arith.constant 16 : i32
        %scan3A_816 = arith.addi %scan3A_814, %scan3A_815 : i32
        %scan3A_817 = arith.constant 1 : i32
        %scan3A_818 = scf.for %scan3A_820 = %scan3A_814 to %scan3A_816 step %scan3A_817 iter_args(%scan3A_821 = %scan3A_813) -> (i32)  : i32 {
          %broadcast_in_dim3A = vector.broadcast %add3A_515 : i32 to vector<16xi32>
          %broadcast_in_dim3A_822 = vector.broadcast %scan3A_820 : i32 to vector<16xi32>
          %gather3A = tpu.vector_load_idx %arg5[%broadcast_in_dim3A, %broadcast_in_dim3A_822] : memref<64x16xi32, #tpu.memory_space<vmem>>[vector<16xi32>, vector<16xi32>], vector<16xi32>,
          %min3A_823 = arith.constant 1 : i32
          %min3A_824 = vector.broadcast %min3A_823 : i32 to vector<16xi32>
          %min3A_825 = arith.minsi %gather3A, %min3A_824 : vector<16xi32>
          %convert_element_type3A_826 = arith.sitofp %min3A_825 : vector<16xi32> to vector<16xf32>
          %scan3A_827 = arith.constant 0 : i32
          %scan3A_828 = arith.constant 0 : i32
          %scan3A_829 = arith.constant 64 : i32
          %scan3A_830 = arith.addi %scan3A_828, %scan3A_829 : i32
          %scan3A_831 = arith.constant 1 : i32
          %scan3A_832 = scf.for %scan3A_834 = %scan3A_828 to %scan3A_830 step %scan3A_831 iter_args(%scan3A_835 = %scan3A_827) -> (i32)  : i32 {
            %mul3A_836 = arith.constant 16 : i32
            %mul3A_837 = arith.muli %scan3A_834, %mul3A_836 : i32
            %multiple_of3A_838 = tpu.assume_multiple %mul3A_837, 16 : i32
            %get3A_839 = arith.index_cast %scan3A_820 : i32 to index
            %get3A_840 = arith.index_cast %multiple_of3A_838 : i32 to index
            %get3A_841 = tpu.vector_load %arg7[%get3A_839, %get3A_840] {strides = array<i32>} : memref<16x1024xf32, #tpu.memory_space<vmem>>, vector<16xf32>,
            %mul3A_842 = arith.mulf %get3A_841, %convert_element_type3A_826 : vector<16xf32>
            %swap3A = arith.index_cast %scan3A_820 : i32 to index
            %swap3A_843 = arith.index_cast %multiple_of3A_838 : i32 to index
            %swap3A_844 = tpu.vector_load %arg7[%swap3A, %swap3A_843] {strides = array<i32>} : memref<16x1024xf32, #tpu.memory_space<vmem>>, vector<16xf32>,
            tpu.vector_store %arg7[%swap3A, %swap3A_843], %mul3A_842 {strides = array<i32>} : memref<16x1024xf32, #tpu.memory_space<vmem>>, vector<16xf32>,
            %scan3A_845 = arith.constant 0 : i32
            scf.yield %scan3A_845 : i32
          }
          %scan3A_833 = arith.constant 64 : i32
          scf.yield %scan3A_832 : i32
        }
        %scan3A_819 = arith.constant 16 : i32
      } else {
      }
      %mul3A_538 = arith.constant 16 : i32
      %mul3A_539 = arith.muli %add3A_515, %mul3A_538 : i32
      %add3A_540 = arith.addi %mul3A_2, %mul3A_539 : i32
      %multiple_of3A_541 = tpu.assume_multiple %add3A_540, 16 : i32
      %dma_start3A_542 = arith.constant 0 : i32
      %dma_start3A_543 = tpu.memref_slice %arg4[%multiple_of3A_541, %dma_start3A_542] : memref<32768x1024xf32, #tpu.memory_space<hbm>> -> memref<16x1024xf32, #tpu.memory_space<hbm>>
      %dma_start3A_544 = arith.constant 0 : i32
      %dma_start3A_545 = tpu.memref_slice %arg4[%multiple_of3A_541, %dma_start3A_544] : memref<32768x1024xf32, #tpu.memory_space<hbm>> -> memref<16x1024xf32, #tpu.memory_space<hbm>>
      tpu.enqueue_dma source(%arg7 : memref<16x1024xf32, #tpu.memory_space<vmem>>) target(%dma_start3A_545 : memref<16x1024xf32, #tpu.memory_space<hbm>>) target_semaphore(%arg21 : memref<!tpu.dma_semaphore, #tpu.memory_space<semaphore_mem>>)
      %dma_wait3A_546 = arith.constant 0 : i32
      %dma_wait3A_547 = arith.constant 0 : i32
      %dma_wait3A_548 = tpu.memref_slice %arg4[%dma_wait3A_546, %dma_wait3A_547] : memref<32768x1024xf32, #tpu.memory_space<hbm>> -> memref<16x1024xf32, #tpu.memory_space<hbm>>
      %dma_wait3A_549 = arith.constant 0 : i32
      %dma_wait3A_550 = arith.constant 0 : i32
      %dma_wait3A_551 = tpu.memref_slice %arg4[%dma_wait3A_549, %dma_wait3A_550] : memref<32768x1024xf32, #tpu.memory_space<hbm>> -> memref<16x1024xf32, #tpu.memory_space<hbm>>
      tpu.wait_dma2 semaphore(%arg24 : memref<!tpu.dma_semaphore, #tpu.memory_space<semaphore_mem>>) src(%arg10 : memref<16x1024xf32, #tpu.memory_space<vmem>>) dst(%dma_wait3A_551 : memref<16x1024xf32, #tpu.memory_space<hbm>>)
      %add3A_552 = arith.constant 3 : i32
      %add3A_553 = arith.addi %add3A_515, %add3A_552 : i32
      %min3A_554 = arith.constant 63 : i32
      %min3A_555 = arith.minsi %add3A_553, %min3A_554 : i32
      %dma_start3A_556 = arith.constant 0 : i32
      %dma_start3A_557 = tpu.memref_slice %arg5[%min3A_555, %dma_start3A_556] : memref<64x16xi32, #tpu.memory_space<vmem>> -> memref<1x16xi32, #tpu.memory_space<vmem>>
      %dma_start3A_558 = tpu.memref_squeeze %dma_start3A_557 : memref<1x16xi32, #tpu.memory_space<vmem>> -> memref<16xi32, #tpu.memory_space<vmem>>
      %dma_start3A_559 = arith.constant 0 : i32
      %dma_start3A_560 = arith.constant 0 : i32
      %dma_start3A_561 = tpu.memref_slice %arg2[%dma_start3A_559, %dma_start3A_560] : memref<8193x1024xf32, #tpu.memory_space<hbm>> -> memref<8193x1024xf32, #tpu.memory_space<hbm>>
      tpu.enqueue_indirect_dma source(%dma_start3A_561 : memref<8193x1024xf32, #tpu.memory_space<hbm>>) target(%arg10 : memref<16x1024xf32, #tpu.memory_space<vmem>>) offsets(%dma_start3A_558 : memref<16xi32, #tpu.memory_space<vmem>>) semaphore(%arg17 : memref<!tpu.dma_semaphore, #tpu.memory_space<semaphore_mem>>)
      %mul3A_562 = arith.constant 7 : i32
      %mul3A_563 = arith.muli %scan3A_460, %mul3A_562 : i32
      %add3A_564 = arith.constant 2 : i32
      %add3A_565 = arith.addi %mul3A_563, %add3A_564 : i32
      %dma_wait3A_566 = arith.constant 0 : i32
      %dma_wait3A_567 = arith.constant 0 : i32
      %dma_wait3A_568 = tpu.memref_slice %arg2[%dma_wait3A_566, %dma_wait3A_567] : memref<8193x1024xf32, #tpu.memory_space<hbm>> -> memref<16x1024xf32, #tpu.memory_space<hbm>>
      %dma_wait3A_569 = arith.constant 0 : i32
      %dma_wait3A_570 = arith.constant 0 : i32
      %dma_wait3A_571 = tpu.memref_slice %arg2[%dma_wait3A_569, %dma_wait3A_570] : memref<8193x1024xf32, #tpu.memory_space<hbm>> -> memref<16x1024xf32, #tpu.memory_space<hbm>>
      tpu.wait_dma2 semaphore(%arg15 : memref<!tpu.dma_semaphore, #tpu.memory_space<semaphore_mem>>) src(%dma_wait3A_571 : memref<16x1024xf32, #tpu.memory_space<hbm>>) dst(%arg8 : memref<16x1024xf32, #tpu.memory_space<vmem>>)
      %get3A_572 = arith.index_cast %add3A_565 : i32 to index
      %get3A_573 = arith.constant 0 : index
      %get3A_574 = tpu.vector_load %arg5[%get3A_572, %get3A_573] {strides = array<i32>} : memref<64x16xi32, #tpu.memory_space<vmem>>, vector<16xi32>,
      %reduce_min3A_575 = arith.constant true
      %reduce_min3A_576 = vector.broadcast %reduce_min3A_575 : i1 to vector<16xi1>
      %reduce_min3A_577 = arith.constant -2147483648 : i32
      %reduce_min3A_578 = vector.broadcast %reduce_min3A_577 : i32 to vector<16xi32>
      %reduce_min3A_579 = arith.xori %get3A_574, %reduce_min3A_578 : vector<16xi32>
      %reduce_min3A_580 = tpu.scan <min>, %reduce_min3A_579 masked %reduce_min3A_576 : vector<16xi32>, vector<16xi1> -> vector<16xi32>
      %reduce_min3A_581 = arith.xori %reduce_min3A_580, %reduce_min3A_578 : vector<16xi32>
      %reduce_min3A_582 = vector.extract %reduce_min3A_581[15] : i32 from vector<16xi32>
      %le3A_583 = arith.constant 0 : i32
      %le3A_584 = arith.cmpi sle, %reduce_min3A_582, %le3A_583 : i32
      %convert_element_type3A_585 = arith.extui %le3A_584 : i1 to i32
      %cond3A_586 = arith.constant 0 : i32
      %cond3A_587 = arith.cmpi ne, %convert_element_type3A_585, %cond3A_586 : i32
      scf.if %cond3A_587 {
        %scan3A_813 = arith.constant 0 : i32
        %scan3A_814 = arith.constant 0 : i32
        %scan3A_815 = arith.constant 16 : i32
        %scan3A_816 = arith.addi %scan3A_814, %scan3A_815 : i32
        %scan3A_817 = arith.constant 1 : i32
        %scan3A_818 = scf.for %scan3A_820 = %scan3A_814 to %scan3A_816 step %scan3A_817 iter_args(%scan3A_821 = %scan3A_813) -> (i32)  : i32 {
          %broadcast_in_dim3A = vector.broadcast %add3A_565 : i32 to vector<16xi32>
          %broadcast_in_dim3A_822 = vector.broadcast %scan3A_820 : i32 to vector<16xi32>
          %gather3A = tpu.vector_load_idx %arg5[%broadcast_in_dim3A, %broadcast_in_dim3A_822] : memref<64x16xi32, #tpu.memory_space<vmem>>[vector<16xi32>, vector<16xi32>], vector<16xi32>,
          %min3A_823 = arith.constant 1 : i32
          %min3A_824 = vector.broadcast %min3A_823 : i32 to vector<16xi32>
          %min3A_825 = arith.minsi %gather3A, %min3A_824 : vector<16xi32>
          %convert_element_type3A_826 = arith.sitofp %min3A_825 : vector<16xi32> to vector<16xf32>
          %scan3A_827 = arith.constant 0 : i32
          %scan3A_828 = arith.constant 0 : i32
          %scan3A_829 = arith.constant 64 : i32
          %scan3A_830 = arith.addi %scan3A_828, %scan3A_829 : i32
          %scan3A_831 = arith.constant 1 : i32
          %scan3A_832 = scf.for %scan3A_834 = %scan3A_828 to %scan3A_830 step %scan3A_831 iter_args(%scan3A_835 = %scan3A_827) -> (i32)  : i32 {
            %mul3A_836 = arith.constant 16 : i32
            %mul3A_837 = arith.muli %scan3A_834, %mul3A_836 : i32
            %multiple_of3A_838 = tpu.assume_multiple %mul3A_837, 16 : i32
            %get3A_839 = arith.index_cast %scan3A_820 : i32 to index
            %get3A_840 = arith.index_cast %multiple_of3A_838 : i32 to index
            %get3A_841 = tpu.vector_load %arg8[%get3A_839, %get3A_840] {strides = array<i32>} : memref<16x1024xf32, #tpu.memory_space<vmem>>, vector<16xf32>,
            %mul3A_842 = arith.mulf %get3A_841, %convert_element_type3A_826 : vector<16xf32>
            %swap3A = arith.index_cast %scan3A_820 : i32 to index
            %swap3A_843 = arith.index_cast %multiple_of3A_838 : i32 to index
            %swap3A_844 = tpu.vector_load %arg8[%swap3A, %swap3A_843] {strides = array<i32>} : memref<16x1024xf32, #tpu.memory_space<vmem>>, vector<16xf32>,
            tpu.vector_store %arg8[%swap3A, %swap3A_843], %mul3A_842 {strides = array<i32>} : memref<16x1024xf32, #tpu.memory_space<vmem>>, vector<16xf32>,
            %scan3A_845 = arith.constant 0 : i32
            scf.yield %scan3A_845 : i32
          }
          %scan3A_833 = arith.constant 64 : i32
          scf.yield %scan3A_832 : i32
        }
        %scan3A_819 = arith.constant 16 : i32
      } else {
      }
      %mul3A_588 = arith.constant 16 : i32
      %mul3A_589 = arith.muli %add3A_565, %mul3A_588 : i32
      %add3A_590 = arith.addi %mul3A_2, %mul3A_589 : i32
      %multiple_of3A_591 = tpu.assume_multiple %add3A_590, 16 : i32
      %dma_start3A_592 = arith.constant 0 : i32
      %dma_start3A_593 = tpu.memref_slice %arg4[%multiple_of3A_591, %dma_start3A_592] : memref<32768x1024xf32, #tpu.memory_space<hbm>> -> memref<16x1024xf32, #tpu.memory_space<hbm>>
      %dma_start3A_594 = arith.constant 0 : i32
      %dma_start3A_595 = tpu.memref_slice %arg4[%multiple_of3A_591, %dma_start3A_594] : memref<32768x1024xf32, #tpu.memory_space<hbm>> -> memref<16x1024xf32, #tpu.memory_space<hbm>>
      tpu.enqueue_dma source(%arg8 : memref<16x1024xf32, #tpu.memory_space<vmem>>) target(%dma_start3A_595 : memref<16x1024xf32, #tpu.memory_space<hbm>>) target_semaphore(%arg22 : memref<!tpu.dma_semaphore, #tpu.memory_space<semaphore_mem>>)
      %dma_wait3A_596 = arith.constant 0 : i32
      %dma_wait3A_597 = arith.constant 0 : i32
      %dma_wait3A_598 = tpu.memref_slice %arg4[%dma_wait3A_596, %dma_wait3A_597] : memref<32768x1024xf32, #tpu.memory_space<hbm>> -> memref<16x1024xf32, #tpu.memory_space<hbm>>
      %dma_wait3A_599 = arith.constant 0 : i32
      %dma_wait3A_600 = arith.constant 0 : i32
      %dma_wait3A_601 = tpu.memref_slice %arg4[%dma_wait3A_599, %dma_wait3A_600] : memref<32768x1024xf32, #tpu.memory_space<hbm>> -> memref<16x1024xf32, #tpu.memory_space<hbm>>
      tpu.wait_dma2 semaphore(%arg25 : memref<!tpu.dma_semaphore, #tpu.memory_space<semaphore_mem>>) src(%arg11 : memref<16x1024xf32, #tpu.memory_space<vmem>>) dst(%dma_wait3A_601 : memref<16x1024xf32, #tpu.memory_space<hbm>>)
      %add3A_602 = arith.constant 3 : i32
      %add3A_603 = arith.addi %add3A_565, %add3A_602 : i32
      %min3A_604 = arith.constant 63 : i32
      %min3A_605 = arith.minsi %add3A_603, %min3A_604 : i32
      %dma_start3A_606 = arith.constant 0 : i32
      %dma_start3A_607 = tpu.memref_slice %arg5[%min3A_605, %dma_start3A_606] : memref<64x16xi32, #tpu.memory_space<vmem>> -> memref<1x16xi32, #tpu.memory_space<vmem>>
      %dma_start3A_608 = tpu.memref_squeeze %dma_start3A_607 : memref<1x16xi32, #tpu.memory_space<vmem>> -> memref<16xi32, #tpu.memory_space<vmem>>
      %dma_start3A_609 = arith.constant 0 : i32
      %dma_start3A_610 = arith.constant 0 : i32
      %dma_start3A_611 = tpu.memref_slice %arg2[%dma_start3A_609, %dma_start3A_610] : memref<8193x1024xf32, #tpu.memory_space<hbm>> -> memref<8193x1024xf32, #tpu.memory_space<hbm>>
      tpu.enqueue_indirect_dma source(%dma_start3A_611 : memref<8193x1024xf32, #tpu.memory_space<hbm>>) target(%arg11 : memref<16x1024xf32, #tpu.memory_space<vmem>>) offsets(%dma_start3A_608 : memref<16xi32, #tpu.memory_space<vmem>>) semaphore(%arg18 : memref<!tpu.dma_semaphore, #tpu.memory_space<semaphore_mem>>)
      %mul3A_612 = arith.constant 7 : i32
      %mul3A_613 = arith.muli %scan3A_460, %mul3A_612 : i32
      %add3A_614 = arith.constant 3 : i32
      %add3A_615 = arith.addi %mul3A_613, %add3A_614 : i32
      %dma_wait3A_616 = arith.constant 0 : i32
      %dma_wait3A_617 = arith.constant 0 : i32
      %dma_wait3A_618 = tpu.memref_slice %arg2[%dma_wait3A_616, %dma_wait3A_617] : memref<8193x1024xf32, #tpu.memory_space<hbm>> -> memref<16x1024xf32, #tpu.memory_space<hbm>>
      %dma_wait3A_619 = arith.constant 0 : i32
      %dma_wait3A_620 = arith.constant 0 : i32
      %dma_wait3A_621 = tpu.memref_slice %arg2[%dma_wait3A_619, %dma_wait3A_620] : memref<8193x1024xf32, #tpu.memory_space<hbm>> -> memref<16x1024xf32, #tpu.memory_space<hbm>>
      tpu.wait_dma2 semaphore(%arg16 : memref<!tpu.dma_semaphore, #tpu.memory_space<semaphore_mem>>) src(%dma_wait3A_621 : memref<16x1024xf32, #tpu.memory_space<hbm>>) dst(%arg9 : memref<16x1024xf32, #tpu.memory_space<vmem>>)
      %get3A_622 = arith.index_cast %add3A_615 : i32 to index
      %get3A_623 = arith.constant 0 : index
      %get3A_624 = tpu.vector_load %arg5[%get3A_622, %get3A_623] {strides = array<i32>} : memref<64x16xi32, #tpu.memory_space<vmem>>, vector<16xi32>,
      %reduce_min3A_625 = arith.constant true
      %reduce_min3A_626 = vector.broadcast %reduce_min3A_625 : i1 to vector<16xi1>
      %reduce_min3A_627 = arith.constant -2147483648 : i32
      %reduce_min3A_628 = vector.broadcast %reduce_min3A_627 : i32 to vector<16xi32>
      %reduce_min3A_629 = arith.xori %get3A_624, %reduce_min3A_628 : vector<16xi32>
      %reduce_min3A_630 = tpu.scan <min>, %reduce_min3A_629 masked %reduce_min3A_626 : vector<16xi32>, vector<16xi1> -> vector<16xi32>
      %reduce_min3A_631 = arith.xori %reduce_min3A_630, %reduce_min3A_628 : vector<16xi32>
      %reduce_min3A_632 = vector.extract %reduce_min3A_631[15] : i32 from vector<16xi32>
      %le3A_633 = arith.constant 0 : i32
      %le3A_634 = arith.cmpi sle, %reduce_min3A_632, %le3A_633 : i32
      %convert_element_type3A_635 = arith.extui %le3A_634 : i1 to i32
      %cond3A_636 = arith.constant 0 : i32
      %cond3A_637 = arith.cmpi ne, %convert_element_type3A_635, %cond3A_636 : i32
      scf.if %cond3A_637 {
        %scan3A_813 = arith.constant 0 : i32
        %scan3A_814 = arith.constant 0 : i32
        %scan3A_815 = arith.constant 16 : i32
        %scan3A_816 = arith.addi %scan3A_814, %scan3A_815 : i32
        %scan3A_817 = arith.constant 1 : i32
        %scan3A_818 = scf.for %scan3A_820 = %scan3A_814 to %scan3A_816 step %scan3A_817 iter_args(%scan3A_821 = %scan3A_813) -> (i32)  : i32 {
          %broadcast_in_dim3A = vector.broadcast %add3A_615 : i32 to vector<16xi32>
          %broadcast_in_dim3A_822 = vector.broadcast %scan3A_820 : i32 to vector<16xi32>
          %gather3A = tpu.vector_load_idx %arg5[%broadcast_in_dim3A, %broadcast_in_dim3A_822] : memref<64x16xi32, #tpu.memory_space<vmem>>[vector<16xi32>, vector<16xi32>], vector<16xi32>,
          %min3A_823 = arith.constant 1 : i32
          %min3A_824 = vector.broadcast %min3A_823 : i32 to vector<16xi32>
          %min3A_825 = arith.minsi %gather3A, %min3A_824 : vector<16xi32>
          %convert_element_type3A_826 = arith.sitofp %min3A_825 : vector<16xi32> to vector<16xf32>
          %scan3A_827 = arith.constant 0 : i32
          %scan3A_828 = arith.constant 0 : i32
          %scan3A_829 = arith.constant 64 : i32
          %scan3A_830 = arith.addi %scan3A_828, %scan3A_829 : i32
          %scan3A_831 = arith.constant 1 : i32
          %scan3A_832 = scf.for %scan3A_834 = %scan3A_828 to %scan3A_830 step %scan3A_831 iter_args(%scan3A_835 = %scan3A_827) -> (i32)  : i32 {
            %mul3A_836 = arith.constant 16 : i32
            %mul3A_837 = arith.muli %scan3A_834, %mul3A_836 : i32
            %multiple_of3A_838 = tpu.assume_multiple %mul3A_837, 16 : i32
            %get3A_839 = arith.index_cast %scan3A_820 : i32 to index
            %get3A_840 = arith.index_cast %multiple_of3A_838 : i32 to index
            %get3A_841 = tpu.vector_load %arg9[%get3A_839, %get3A_840] {strides = array<i32>} : memref<16x1024xf32, #tpu.memory_space<vmem>>, vector<16xf32>,
            %mul3A_842 = arith.mulf %get3A_841, %convert_element_type3A_826 : vector<16xf32>
            %swap3A = arith.index_cast %scan3A_820 : i32 to index
            %swap3A_843 = arith.index_cast %multiple_of3A_838 : i32 to index
            %swap3A_844 = tpu.vector_load %arg9[%swap3A, %swap3A_843] {strides = array<i32>} : memref<16x1024xf32, #tpu.memory_space<vmem>>, vector<16xf32>,
            tpu.vector_store %arg9[%swap3A, %swap3A_843], %mul3A_842 {strides = array<i32>} : memref<16x1024xf32, #tpu.memory_space<vmem>>, vector<16xf32>,
            %scan3A_845 = arith.constant 0 : i32
            scf.yield %scan3A_845 : i32
          }
          %scan3A_833 = arith.constant 64 : i32
          scf.yield %scan3A_832 : i32
        }
        %scan3A_819 = arith.constant 16 : i32
      } else {
      }
      %mul3A_638 = arith.constant 16 : i32
      %mul3A_639 = arith.muli %add3A_615, %mul3A_638 : i32
      %add3A_640 = arith.addi %mul3A_2, %mul3A_639 : i32
      %multiple_of3A_641 = tpu.assume_multiple %add3A_640, 16 : i32
      %dma_start3A_642 = arith.constant 0 : i32
      %dma_start3A_643 = tpu.memref_slice %arg4[%multiple_of3A_641, %dma_start3A_642] : memref<32768x1024xf32, #tpu.memory_space<hbm>> -> memref<16x1024xf32, #tpu.memory_space<hbm>>
      %dma_start3A_644 = arith.constant 0 : i32
      %dma_start3A_645 = tpu.memref_slice %arg4[%multiple_of3A_641, %dma_start3A_644] : memref<32768x1024xf32, #tpu.memory_space<hbm>> -> memref<16x1024xf32, #tpu.memory_space<hbm>>
      tpu.enqueue_dma source(%arg9 : memref<16x1024xf32, #tpu.memory_space<vmem>>) target(%dma_start3A_645 : memref<16x1024xf32, #tpu.memory_space<hbm>>) target_semaphore(%arg23 : memref<!tpu.dma_semaphore, #tpu.memory_space<semaphore_mem>>)
      %dma_wait3A_646 = arith.constant 0 : i32
      %dma_wait3A_647 = arith.constant 0 : i32
      %dma_wait3A_648 = tpu.memref_slice %arg4[%dma_wait3A_646, %dma_wait3A_647] : memref<32768x1024xf32, #tpu.memory_space<hbm>> -> memref<16x1024xf32, #tpu.memory_space<hbm>>
      %dma_wait3A_649 = arith.constant 0 : i32
      %dma_wait3A_650 = arith.constant 0 : i32
      %dma_wait3A_651 = tpu.memref_slice %arg4[%dma_wait3A_649, %dma_wait3A_650] : memref<32768x1024xf32, #tpu.memory_space<hbm>> -> memref<16x1024xf32, #tpu.memory_space<hbm>>
      tpu.wait_dma2 semaphore(%arg26 : memref<!tpu.dma_semaphore, #tpu.memory_space<semaphore_mem>>) src(%arg12 : memref<16x1024xf32, #tpu.memory_space<vmem>>) dst(%dma_wait3A_651 : memref<16x1024xf32, #tpu.memory_space<hbm>>)
      %add3A_652 = arith.constant 3 : i32
      %add3A_653 = arith.addi %add3A_615, %add3A_652 : i32
      %min3A_654 = arith.constant 63 : i32
      %min3A_655 = arith.minsi %add3A_653, %min3A_654 : i32
      %dma_start3A_656 = arith.constant 0 : i32
      %dma_start3A_657 = tpu.memref_slice %arg5[%min3A_655, %dma_start3A_656] : memref<64x16xi32, #tpu.memory_space<vmem>> -> memref<1x16xi32, #tpu.memory_space<vmem>>
      %dma_start3A_658 = tpu.memref_squeeze %dma_start3A_657 : memref<1x16xi32, #tpu.memory_space<vmem>> -> memref<16xi32, #tpu.memory_space<vmem>>
      %dma_start3A_659 = arith.constant 0 : i32
      %dma_start3A_660 = arith.constant 0 : i32
      %dma_start3A_661 = tpu.memref_slice %arg2[%dma_start3A_659, %dma_start3A_660] : memref<8193x1024xf32, #tpu.memory_space<hbm>> -> memref<8193x1024xf32, #tpu.memory_space<hbm>>
      tpu.enqueue_indirect_dma source(%dma_start3A_661 : memref<8193x1024xf32, #tpu.memory_space<hbm>>) target(%arg12 : memref<16x1024xf32, #tpu.memory_space<vmem>>) offsets(%dma_start3A_658 : memref<16xi32, #tpu.memory_space<vmem>>) semaphore(%arg19 : memref<!tpu.dma_semaphore, #tpu.memory_space<semaphore_mem>>)
      %mul3A_662 = arith.constant 7 : i32
      %mul3A_663 = arith.muli %scan3A_460, %mul3A_662 : i32
      %add3A_664 = arith.constant 4 : i32
      %add3A_665 = arith.addi %mul3A_663, %add3A_664 : i32
      %dma_wait3A_666 = arith.constant 0 : i32
      %dma_wait3A_667 = arith.constant 0 : i32
      %dma_wait3A_668 = tpu.memref_slice %arg2[%dma_wait3A_666, %dma_wait3A_667] : memref<8193x1024xf32, #tpu.memory_space<hbm>> -> memref<16x1024xf32, #tpu.memory_space<hbm>>
      %dma_wait3A_669 = arith.constant 0 : i32
      %dma_wait3A_670 = arith.constant 0 : i32
      %dma_wait3A_671 = tpu.memref_slice %arg2[%dma_wait3A_669, %dma_wait3A_670] : memref<8193x1024xf32, #tpu.memory_space<hbm>> -> memref<16x1024xf32, #tpu.memory_space<hbm>>
      tpu.wait_dma2 semaphore(%arg17 : memref<!tpu.dma_semaphore, #tpu.memory_space<semaphore_mem>>) src(%dma_wait3A_671 : memref<16x1024xf32, #tpu.memory_space<hbm>>) dst(%arg10 : memref<16x1024xf32, #tpu.memory_space<vmem>>)
      %get3A_672 = arith.index_cast %add3A_665 : i32 to index
      %get3A_673 = arith.constant 0 : index
      %get3A_674 = tpu.vector_load %arg5[%get3A_672, %get3A_673] {strides = array<i32>} : memref<64x16xi32, #tpu.memory_space<vmem>>, vector<16xi32>,
      %reduce_min3A_675 = arith.constant true
      %reduce_min3A_676 = vector.broadcast %reduce_min3A_675 : i1 to vector<16xi1>
      %reduce_min3A_677 = arith.constant -2147483648 : i32
      %reduce_min3A_678 = vector.broadcast %reduce_min3A_677 : i32 to vector<16xi32>
      %reduce_min3A_679 = arith.xori %get3A_674, %reduce_min3A_678 : vector<16xi32>
      %reduce_min3A_680 = tpu.scan <min>, %reduce_min3A_679 masked %reduce_min3A_676 : vector<16xi32>, vector<16xi1> -> vector<16xi32>
      %reduce_min3A_681 = arith.xori %reduce_min3A_680, %reduce_min3A_678 : vector<16xi32>
      %reduce_min3A_682 = vector.extract %reduce_min3A_681[15] : i32 from vector<16xi32>
      %le3A_683 = arith.constant 0 : i32
      %le3A_684 = arith.cmpi sle, %reduce_min3A_682, %le3A_683 : i32
      %convert_element_type3A_685 = arith.extui %le3A_684 : i1 to i32
      %cond3A_686 = arith.constant 0 : i32
      %cond3A_687 = arith.cmpi ne, %convert_element_type3A_685, %cond3A_686 : i32
      scf.if %cond3A_687 {
        %scan3A_813 = arith.constant 0 : i32
        %scan3A_814 = arith.constant 0 : i32
        %scan3A_815 = arith.constant 16 : i32
        %scan3A_816 = arith.addi %scan3A_814, %scan3A_815 : i32
        %scan3A_817 = arith.constant 1 : i32
        %scan3A_818 = scf.for %scan3A_820 = %scan3A_814 to %scan3A_816 step %scan3A_817 iter_args(%scan3A_821 = %scan3A_813) -> (i32)  : i32 {
          %broadcast_in_dim3A = vector.broadcast %add3A_665 : i32 to vector<16xi32>
          %broadcast_in_dim3A_822 = vector.broadcast %scan3A_820 : i32 to vector<16xi32>
          %gather3A = tpu.vector_load_idx %arg5[%broadcast_in_dim3A, %broadcast_in_dim3A_822] : memref<64x16xi32, #tpu.memory_space<vmem>>[vector<16xi32>, vector<16xi32>], vector<16xi32>,
          %min3A_823 = arith.constant 1 : i32
          %min3A_824 = vector.broadcast %min3A_823 : i32 to vector<16xi32>
          %min3A_825 = arith.minsi %gather3A, %min3A_824 : vector<16xi32>
          %convert_element_type3A_826 = arith.sitofp %min3A_825 : vector<16xi32> to vector<16xf32>
          %scan3A_827 = arith.constant 0 : i32
          %scan3A_828 = arith.constant 0 : i32
          %scan3A_829 = arith.constant 64 : i32
          %scan3A_830 = arith.addi %scan3A_828, %scan3A_829 : i32
          %scan3A_831 = arith.constant 1 : i32
          %scan3A_832 = scf.for %scan3A_834 = %scan3A_828 to %scan3A_830 step %scan3A_831 iter_args(%scan3A_835 = %scan3A_827) -> (i32)  : i32 {
            %mul3A_836 = arith.constant 16 : i32
            %mul3A_837 = arith.muli %scan3A_834, %mul3A_836 : i32
            %multiple_of3A_838 = tpu.assume_multiple %mul3A_837, 16 : i32
            %get3A_839 = arith.index_cast %scan3A_820 : i32 to index
            %get3A_840 = arith.index_cast %multiple_of3A_838 : i32 to index
            %get3A_841 = tpu.vector_load %arg10[%get3A_839, %get3A_840] {strides = array<i32>} : memref<16x1024xf32, #tpu.memory_space<vmem>>, vector<16xf32>,
            %mul3A_842 = arith.mulf %get3A_841, %convert_element_type3A_826 : vector<16xf32>
            %swap3A = arith.index_cast %scan3A_820 : i32 to index
            %swap3A_843 = arith.index_cast %multiple_of3A_838 : i32 to index
            %swap3A_844 = tpu.vector_load %arg10[%swap3A, %swap3A_843] {strides = array<i32>} : memref<16x1024xf32, #tpu.memory_space<vmem>>, vector<16xf32>,
            tpu.vector_store %arg10[%swap3A, %swap3A_843], %mul3A_842 {strides = array<i32>} : memref<16x1024xf32, #tpu.memory_space<vmem>>, vector<16xf32>,
            %scan3A_845 = arith.constant 0 : i32
            scf.yield %scan3A_845 : i32
          }
          %scan3A_833 = arith.constant 64 : i32
          scf.yield %scan3A_832 : i32
        }
        %scan3A_819 = arith.constant 16 : i32
      } else {
      }
      %mul3A_688 = arith.constant 16 : i32
      %mul3A_689 = arith.muli %add3A_665, %mul3A_688 : i32
      %add3A_690 = arith.addi %mul3A_2, %mul3A_689 : i32
      %multiple_of3A_691 = tpu.assume_multiple %add3A_690, 16 : i32
      %dma_start3A_692 = arith.constant 0 : i32
      %dma_start3A_693 = tpu.memref_slice %arg4[%multiple_of3A_691, %dma_start3A_692] : memref<32768x1024xf32, #tpu.memory_space<hbm>> -> memref<16x1024xf32, #tpu.memory_space<hbm>>
      %dma_start3A_694 = arith.constant 0 : i32
      %dma_start3A_695 = tpu.memref_slice %arg4[%multiple_of3A_691, %dma_start3A_694] : memref<32768x1024xf32, #tpu.memory_space<hbm>> -> memref<16x1024xf32, #tpu.memory_space<hbm>>
      tpu.enqueue_dma source(%arg10 : memref<16x1024xf32, #tpu.memory_space<vmem>>) target(%dma_start3A_695 : memref<16x1024xf32, #tpu.memory_space<hbm>>) target_semaphore(%arg24 : memref<!tpu.dma_semaphore, #tpu.memory_space<semaphore_mem>>)
      %dma_wait3A_696 = arith.constant 0 : i32
      %dma_wait3A_697 = arith.constant 0 : i32
      %dma_wait3A_698 = tpu.memref_slice %arg4[%dma_wait3A_696, %dma_wait3A_697] : memref<32768x1024xf32, #tpu.memory_space<hbm>> -> memref<16x1024xf32, #tpu.memory_space<hbm>>
      %dma_wait3A_699 = arith.constant 0 : i32
      %dma_wait3A_700 = arith.constant 0 : i32
      %dma_wait3A_701 = tpu.memref_slice %arg4[%dma_wait3A_699, %dma_wait3A_700] : memref<32768x1024xf32, #tpu.memory_space<hbm>> -> memref<16x1024xf32, #tpu.memory_space<hbm>>
      tpu.wait_dma2 semaphore(%arg20 : memref<!tpu.dma_semaphore, #tpu.memory_space<semaphore_mem>>) src(%arg6 : memref<16x1024xf32, #tpu.memory_space<vmem>>) dst(%dma_wait3A_701 : memref<16x1024xf32, #tpu.memory_space<hbm>>)
      %add3A_702 = arith.constant 3 : i32
      %add3A_703 = arith.addi %add3A_665, %add3A_702 : i32
      %min3A_704 = arith.constant 63 : i32
      %min3A_705 = arith.minsi %add3A_703, %min3A_704 : i32
      %dma_start3A_706 = arith.constant 0 : i32
      %dma_start3A_707 = tpu.memref_slice %arg5[%min3A_705, %dma_start3A_706] : memref<64x16xi32, #tpu.memory_space<vmem>> -> memref<1x16xi32, #tpu.memory_space<vmem>>
      %dma_start3A_708 = tpu.memref_squeeze %dma_start3A_707 : memref<1x16xi32, #tpu.memory_space<vmem>> -> memref<16xi32, #tpu.memory_space<vmem>>
      %dma_start3A_709 = arith.constant 0 : i32
      %dma_start3A_710 = arith.constant 0 : i32
      %dma_start3A_711 = tpu.memref_slice %arg2[%dma_start3A_709, %dma_start3A_710] : memref<8193x1024xf32, #tpu.memory_space<hbm>> -> memref<8193x1024xf32, #tpu.memory_space<hbm>>
      tpu.enqueue_indirect_dma source(%dma_start3A_711 : memref<8193x1024xf32, #tpu.memory_space<hbm>>) target(%arg6 : memref<16x1024xf32, #tpu.memory_space<vmem>>) offsets(%dma_start3A_708 : memref<16xi32, #tpu.memory_space<vmem>>) semaphore(%arg13 : memref<!tpu.dma_semaphore, #tpu.memory_space<semaphore_mem>>)
      %mul3A_712 = arith.constant 7 : i32
      %mul3A_713 = arith.muli %scan3A_460, %mul3A_712 : i32
      %add3A_714 = arith.constant 5 : i32
      %add3A_715 = arith.addi %mul3A_713, %add3A_714 : i32
      %dma_wait3A_716 = arith.constant 0 : i32
      %dma_wait3A_717 = arith.constant 0 : i32
      %dma_wait3A_718 = tpu.memref_slice %arg2[%dma_wait3A_716, %dma_wait3A_717] : memref<8193x1024xf32, #tpu.memory_space<hbm>> -> memref<16x1024xf32, #tpu.memory_space<hbm>>
      %dma_wait3A_719 = arith.constant 0 : i32
      %dma_wait3A_720 = arith.constant 0 : i32
      %dma_wait3A_721 = tpu.memref_slice %arg2[%dma_wait3A_719, %dma_wait3A_720] : memref<8193x1024xf32, #tpu.memory_space<hbm>> -> memref<16x1024xf32, #tpu.memory_space<hbm>>
      tpu.wait_dma2 semaphore(%arg18 : memref<!tpu.dma_semaphore, #tpu.memory_space<semaphore_mem>>) src(%dma_wait3A_721 : memref<16x1024xf32, #tpu.memory_space<hbm>>) dst(%arg11 : memref<16x1024xf32, #tpu.memory_space<vmem>>)
      %get3A_722 = arith.index_cast %add3A_715 : i32 to index
      %get3A_723 = arith.constant 0 : index
      %get3A_724 = tpu.vector_load %arg5[%get3A_722, %get3A_723] {strides = array<i32>} : memref<64x16xi32, #tpu.memory_space<vmem>>, vector<16xi32>,
      %reduce_min3A_725 = arith.constant true
      %reduce_min3A_726 = vector.broadcast %reduce_min3A_725 : i1 to vector<16xi1>
      %reduce_min3A_727 = arith.constant -2147483648 : i32
      %reduce_min3A_728 = vector.broadcast %reduce_min3A_727 : i32 to vector<16xi32>
      %reduce_min3A_729 = arith.xori %get3A_724, %reduce_min3A_728 : vector<16xi32>
      %reduce_min3A_730 = tpu.scan <min>, %reduce_min3A_729 masked %reduce_min3A_726 : vector<16xi32>, vector<16xi1> -> vector<16xi32>
      %reduce_min3A_731 = arith.xori %reduce_min3A_730, %reduce_min3A_728 : vector<16xi32>
      %reduce_min3A_732 = vector.extract %reduce_min3A_731[15] : i32 from vector<16xi32>
      %le3A_733 = arith.constant 0 : i32
      %le3A_734 = arith.cmpi sle, %reduce_min3A_732, %le3A_733 : i32
      %convert_element_type3A_735 = arith.extui %le3A_734 : i1 to i32
      %cond3A_736 = arith.constant 0 : i32
      %cond3A_737 = arith.cmpi ne, %convert_element_type3A_735, %cond3A_736 : i32
      scf.if %cond3A_737 {
        %scan3A_813 = arith.constant 0 : i32
        %scan3A_814 = arith.constant 0 : i32
        %scan3A_815 = arith.constant 16 : i32
        %scan3A_816 = arith.addi %scan3A_814, %scan3A_815 : i32
        %scan3A_817 = arith.constant 1 : i32
        %scan3A_818 = scf.for %scan3A_820 = %scan3A_814 to %scan3A_816 step %scan3A_817 iter_args(%scan3A_821 = %scan3A_813) -> (i32)  : i32 {
          %broadcast_in_dim3A = vector.broadcast %add3A_715 : i32 to vector<16xi32>
          %broadcast_in_dim3A_822 = vector.broadcast %scan3A_820 : i32 to vector<16xi32>
          %gather3A = tpu.vector_load_idx %arg5[%broadcast_in_dim3A, %broadcast_in_dim3A_822] : memref<64x16xi32, #tpu.memory_space<vmem>>[vector<16xi32>, vector<16xi32>], vector<16xi32>,
          %min3A_823 = arith.constant 1 : i32
          %min3A_824 = vector.broadcast %min3A_823 : i32 to vector<16xi32>
          %min3A_825 = arith.minsi %gather3A, %min3A_824 : vector<16xi32>
          %convert_element_type3A_826 = arith.sitofp %min3A_825 : vector<16xi32> to vector<16xf32>
          %scan3A_827 = arith.constant 0 : i32
          %scan3A_828 = arith.constant 0 : i32
          %scan3A_829 = arith.constant 64 : i32
          %scan3A_830 = arith.addi %scan3A_828, %scan3A_829 : i32
          %scan3A_831 = arith.constant 1 : i32
          %scan3A_832 = scf.for %scan3A_834 = %scan3A_828 to %scan3A_830 step %scan3A_831 iter_args(%scan3A_835 = %scan3A_827) -> (i32)  : i32 {
            %mul3A_836 = arith.constant 16 : i32
            %mul3A_837 = arith.muli %scan3A_834, %mul3A_836 : i32
            %multiple_of3A_838 = tpu.assume_multiple %mul3A_837, 16 : i32
            %get3A_839 = arith.index_cast %scan3A_820 : i32 to index
            %get3A_840 = arith.index_cast %multiple_of3A_838 : i32 to index
            %get3A_841 = tpu.vector_load %arg11[%get3A_839, %get3A_840] {strides = array<i32>} : memref<16x1024xf32, #tpu.memory_space<vmem>>, vector<16xf32>,
            %mul3A_842 = arith.mulf %get3A_841, %convert_element_type3A_826 : vector<16xf32>
            %swap3A = arith.index_cast %scan3A_820 : i32 to index
            %swap3A_843 = arith.index_cast %multiple_of3A_838 : i32 to index
            %swap3A_844 = tpu.vector_load %arg11[%swap3A, %swap3A_843] {strides = array<i32>} : memref<16x1024xf32, #tpu.memory_space<vmem>>, vector<16xf32>,
            tpu.vector_store %arg11[%swap3A, %swap3A_843], %mul3A_842 {strides = array<i32>} : memref<16x1024xf32, #tpu.memory_space<vmem>>, vector<16xf32>,
            %scan3A_845 = arith.constant 0 : i32
            scf.yield %scan3A_845 : i32
          }
          %scan3A_833 = arith.constant 64 : i32
          scf.yield %scan3A_832 : i32
        }
        %scan3A_819 = arith.constant 16 : i32
      } else {
      }
      %mul3A_738 = arith.constant 16 : i32
      %mul3A_739 = arith.muli %add3A_715, %mul3A_738 : i32
      %add3A_740 = arith.addi %mul3A_2, %mul3A_739 : i32
      %multiple_of3A_741 = tpu.assume_multiple %add3A_740, 16 : i32
      %dma_start3A_742 = arith.constant 0 : i32
      %dma_start3A_743 = tpu.memref_slice %arg4[%multiple_of3A_741, %dma_start3A_742] : memref<32768x1024xf32, #tpu.memory_space<hbm>> -> memref<16x1024xf32, #tpu.memory_space<hbm>>
      %dma_start3A_744 = arith.constant 0 : i32
      %dma_start3A_745 = tpu.memref_slice %arg4[%multiple_of3A_741, %dma_start3A_744] : memref<32768x1024xf32, #tpu.memory_space<hbm>> -> memref<16x1024xf32, #tpu.memory_space<hbm>>
      tpu.enqueue_dma source(%arg11 : memref<16x1024xf32, #tpu.memory_space<vmem>>) target(%dma_start3A_745 : memref<16x1024xf32, #tpu.memory_space<hbm>>) target_semaphore(%arg25 : memref<!tpu.dma_semaphore, #tpu.memory_space<semaphore_mem>>)
      %dma_wait3A_746 = arith.constant 0 : i32
      %dma_wait3A_747 = arith.constant 0 : i32
      %dma_wait3A_748 = tpu.memref_slice %arg4[%dma_wait3A_746, %dma_wait3A_747] : memref<32768x1024xf32, #tpu.memory_space<hbm>> -> memref<16x1024xf32, #tpu.memory_space<hbm>>
      %dma_wait3A_749 = arith.constant 0 : i32
      %dma_wait3A_750 = arith.constant 0 : i32
      %dma_wait3A_751 = tpu.memref_slice %arg4[%dma_wait3A_749, %dma_wait3A_750] : memref<32768x1024xf32, #tpu.memory_space<hbm>> -> memref<16x1024xf32, #tpu.memory_space<hbm>>
      tpu.wait_dma2 semaphore(%arg21 : memref<!tpu.dma_semaphore, #tpu.memory_space<semaphore_mem>>) src(%arg7 : memref<16x1024xf32, #tpu.memory_space<vmem>>) dst(%dma_wait3A_751 : memref<16x1024xf32, #tpu.memory_space<hbm>>)
      %add3A_752 = arith.constant 3 : i32
      %add3A_753 = arith.addi %add3A_715, %add3A_752 : i32
      %min3A_754 = arith.constant 63 : i32
      %min3A_755 = arith.minsi %add3A_753, %min3A_754 : i32
      %dma_start3A_756 = arith.constant 0 : i32
      %dma_start3A_757 = tpu.memref_slice %arg5[%min3A_755, %dma_start3A_756] : memref<64x16xi32, #tpu.memory_space<vmem>> -> memref<1x16xi32, #tpu.memory_space<vmem>>
      %dma_start3A_758 = tpu.memref_squeeze %dma_start3A_757 : memref<1x16xi32, #tpu.memory_space<vmem>> -> memref<16xi32, #tpu.memory_space<vmem>>
      %dma_start3A_759 = arith.constant 0 : i32
      %dma_start3A_760 = arith.constant 0 : i32
      %dma_start3A_761 = tpu.memref_slice %arg2[%dma_start3A_759, %dma_start3A_760] : memref<8193x1024xf32, #tpu.memory_space<hbm>> -> memref<8193x1024xf32, #tpu.memory_space<hbm>>
      tpu.enqueue_indirect_dma source(%dma_start3A_761 : memref<8193x1024xf32, #tpu.memory_space<hbm>>) target(%arg7 : memref<16x1024xf32, #tpu.memory_space<vmem>>) offsets(%dma_start3A_758 : memref<16xi32, #tpu.memory_space<vmem>>) semaphore(%arg14 : memref<!tpu.dma_semaphore, #tpu.memory_space<semaphore_mem>>)
      %mul3A_762 = arith.constant 7 : i32
      %mul3A_763 = arith.muli %scan3A_460, %mul3A_762 : i32
      %add3A_764 = arith.constant 6 : i32
      %add3A_765 = arith.addi %mul3A_763, %add3A_764 : i32
      %dma_wait3A_766 = arith.constant 0 : i32
      %dma_wait3A_767 = arith.constant 0 : i32
      %dma_wait3A_768 = tpu.memref_slice %arg2[%dma_wait3A_766, %dma_wait3A_767] : memref<8193x1024xf32, #tpu.memory_space<hbm>> -> memref<16x1024xf32, #tpu.memory_space<hbm>>
      %dma_wait3A_769 = arith.constant 0 : i32
      %dma_wait3A_770 = arith.constant 0 : i32
      %dma_wait3A_771 = tpu.memref_slice %arg2[%dma_wait3A_769, %dma_wait3A_770] : memref<8193x1024xf32, #tpu.memory_space<hbm>> -> memref<16x1024xf32, #tpu.memory_space<hbm>>
      tpu.wait_dma2 semaphore(%arg19 : memref<!tpu.dma_semaphore, #tpu.memory_space<semaphore_mem>>) src(%dma_wait3A_771 : memref<16x1024xf32, #tpu.memory_space<hbm>>) dst(%arg12 : memref<16x1024xf32, #tpu.memory_space<vmem>>)
      %get3A_772 = arith.index_cast %add3A_765 : i32 to index
      %get3A_773 = arith.constant 0 : index
      %get3A_774 = tpu.vector_load %arg5[%get3A_772, %get3A_773] {strides = array<i32>} : memref<64x16xi32, #tpu.memory_space<vmem>>, vector<16xi32>,
      %reduce_min3A_775 = arith.constant true
      %reduce_min3A_776 = vector.broadcast %reduce_min3A_775 : i1 to vector<16xi1>
      %reduce_min3A_777 = arith.constant -2147483648 : i32
      %reduce_min3A_778 = vector.broadcast %reduce_min3A_777 : i32 to vector<16xi32>
      %reduce_min3A_779 = arith.xori %get3A_774, %reduce_min3A_778 : vector<16xi32>
      %reduce_min3A_780 = tpu.scan <min>, %reduce_min3A_779 masked %reduce_min3A_776 : vector<16xi32>, vector<16xi1> -> vector<16xi32>
      %reduce_min3A_781 = arith.xori %reduce_min3A_780, %reduce_min3A_778 : vector<16xi32>
      %reduce_min3A_782 = vector.extract %reduce_min3A_781[15] : i32 from vector<16xi32>
      %le3A_783 = arith.constant 0 : i32
      %le3A_784 = arith.cmpi sle, %reduce_min3A_782, %le3A_783 : i32
      %convert_element_type3A_785 = arith.extui %le3A_784 : i1 to i32
      %cond3A_786 = arith.constant 0 : i32
      %cond3A_787 = arith.cmpi ne, %convert_element_type3A_785, %cond3A_786 : i32
      scf.if %cond3A_787 {
        %scan3A_813 = arith.constant 0 : i32
        %scan3A_814 = arith.constant 0 : i32
        %scan3A_815 = arith.constant 16 : i32
        %scan3A_816 = arith.addi %scan3A_814, %scan3A_815 : i32
        %scan3A_817 = arith.constant 1 : i32
        %scan3A_818 = scf.for %scan3A_820 = %scan3A_814 to %scan3A_816 step %scan3A_817 iter_args(%scan3A_821 = %scan3A_813) -> (i32)  : i32 {
          %broadcast_in_dim3A = vector.broadcast %add3A_765 : i32 to vector<16xi32>
          %broadcast_in_dim3A_822 = vector.broadcast %scan3A_820 : i32 to vector<16xi32>
          %gather3A = tpu.vector_load_idx %arg5[%broadcast_in_dim3A, %broadcast_in_dim3A_822] : memref<64x16xi32, #tpu.memory_space<vmem>>[vector<16xi32>, vector<16xi32>], vector<16xi32>,
          %min3A_823 = arith.constant 1 : i32
          %min3A_824 = vector.broadcast %min3A_823 : i32 to vector<16xi32>
          %min3A_825 = arith.minsi %gather3A, %min3A_824 : vector<16xi32>
          %convert_element_type3A_826 = arith.sitofp %min3A_825 : vector<16xi32> to vector<16xf32>
          %scan3A_827 = arith.constant 0 : i32
          %scan3A_828 = arith.constant 0 : i32
          %scan3A_829 = arith.constant 64 : i32
          %scan3A_830 = arith.addi %scan3A_828, %scan3A_829 : i32
          %scan3A_831 = arith.constant 1 : i32
          %scan3A_832 = scf.for %scan3A_834 = %scan3A_828 to %scan3A_830 step %scan3A_831 iter_args(%scan3A_835 = %scan3A_827) -> (i32)  : i32 {
            %mul3A_836 = arith.constant 16 : i32
            %mul3A_837 = arith.muli %scan3A_834, %mul3A_836 : i32
            %multiple_of3A_838 = tpu.assume_multiple %mul3A_837, 16 : i32
            %get3A_839 = arith.index_cast %scan3A_820 : i32 to index
            %get3A_840 = arith.index_cast %multiple_of3A_838 : i32 to index
            %get3A_841 = tpu.vector_load %arg12[%get3A_839, %get3A_840] {strides = array<i32>} : memref<16x1024xf32, #tpu.memory_space<vmem>>, vector<16xf32>,
            %mul3A_842 = arith.mulf %get3A_841, %convert_element_type3A_826 : vector<16xf32>
            %swap3A = arith.index_cast %scan3A_820 : i32 to index
            %swap3A_843 = arith.index_cast %multiple_of3A_838 : i32 to index
            %swap3A_844 = tpu.vector_load %arg12[%swap3A, %swap3A_843] {strides = array<i32>} : memref<16x1024xf32, #tpu.memory_space<vmem>>, vector<16xf32>,
            tpu.vector_store %arg12[%swap3A, %swap3A_843], %mul3A_842 {strides = array<i32>} : memref<16x1024xf32, #tpu.memory_space<vmem>>, vector<16xf32>,
            %scan3A_845 = arith.constant 0 : i32
            scf.yield %scan3A_845 : i32
          }
          %scan3A_833 = arith.constant 64 : i32
          scf.yield %scan3A_832 : i32
        }
        %scan3A_819 = arith.constant 16 : i32
      } else {
      }
      %mul3A_788 = arith.constant 16 : i32
      %mul3A_789 = arith.muli %add3A_765, %mul3A_788 : i32
      %add3A_790 = arith.addi %mul3A_2, %mul3A_789 : i32
      %multiple_of3A_791 = tpu.assume_multiple %add3A_790, 16 : i32
      %dma_start3A_792 = arith.constant 0 : i32
      %dma_start3A_793 = tpu.memref_slice %arg4[%multiple_of3A_791, %dma_start3A_792] : memref<32768x1024xf32, #tpu.memory_space<hbm>> -> memref<16x1024xf32, #tpu.memory_space<hbm>>
      %dma_start3A_794 = arith.constant 0 : i32
      %dma_start3A_795 = tpu.memref_slice %arg4[%multiple_of3A_791, %dma_start3A_794] : memref<32768x1024xf32, #tpu.memory_space<hbm>> -> memref<16x1024xf32, #tpu.memory_space<hbm>>
      tpu.enqueue_dma source(%arg12 : memref<16x1024xf32, #tpu.memory_space<vmem>>) target(%dma_start3A_795 : memref<16x1024xf32, #tpu.memory_space<hbm>>) target_semaphore(%arg26 : memref<!tpu.dma_semaphore, #tpu.memory_space<semaphore_mem>>)
      %dma_wait3A_796 = arith.constant 0 : i32
      %dma_wait3A_797 = arith.constant 0 : i32
      %dma_wait3A_798 = tpu.memref_slice %arg4[%dma_wait3A_796, %dma_wait3A_797] : memref<32768x1024xf32, #tpu.memory_space<hbm>> -> memref<16x1024xf32, #tpu.memory_space<hbm>>
      %dma_wait3A_799 = arith.constant 0 : i32
      %dma_wait3A_800 = arith.constant 0 : i32
      %dma_wait3A_801 = tpu.memref_slice %arg4[%dma_wait3A_799, %dma_wait3A_800] : memref<32768x1024xf32, #tpu.memory_space<hbm>> -> memref<16x1024xf32, #tpu.memory_space<hbm>>
      tpu.wait_dma2 semaphore(%arg22 : memref<!tpu.dma_semaphore, #tpu.memory_space<semaphore_mem>>) src(%arg8 : memref<16x1024xf32, #tpu.memory_space<vmem>>) dst(%dma_wait3A_801 : memref<16x1024xf32, #tpu.memory_space<hbm>>)
      %add3A_802 = arith.constant 3 : i32
      %add3A_803 = arith.addi %add3A_765, %add3A_802 : i32
      %min3A_804 = arith.constant 63 : i32
      %min3A_805 = arith.minsi %add3A_803, %min3A_804 : i32
      %dma_start3A_806 = arith.constant 0 : i32
      %dma_start3A_807 = tpu.memref_slice %arg5[%min3A_805, %dma_start3A_806] : memref<64x16xi32, #tpu.memory_space<vmem>> -> memref<1x16xi32, #tpu.memory_space<vmem>>
      %dma_start3A_808 = tpu.memref_squeeze %dma_start3A_807 : memref<1x16xi32, #tpu.memory_space<vmem>> -> memref<16xi32, #tpu.memory_space<vmem>>
      %dma_start3A_809 = arith.constant 0 : i32
      %dma_start3A_810 = arith.constant 0 : i32
      %dma_start3A_811 = tpu.memref_slice %arg2[%dma_start3A_809, %dma_start3A_810] : memref<8193x1024xf32, #tpu.memory_space<hbm>> -> memref<8193x1024xf32, #tpu.memory_space<hbm>>
      tpu.enqueue_indirect_dma source(%dma_start3A_811 : memref<8193x1024xf32, #tpu.memory_space<hbm>>) target(%arg8 : memref<16x1024xf32, #tpu.memory_space<vmem>>) offsets(%dma_start3A_808 : memref<16xi32, #tpu.memory_space<vmem>>) semaphore(%arg15 : memref<!tpu.dma_semaphore, #tpu.memory_space<semaphore_mem>>)
      %scan3A_812 = arith.constant 0 : i32
      scf.yield %scan3A_812 : i32
    }
    %scan3A_372 = arith.constant 8 : i32
    %dma_wait3A_373 = arith.constant 0 : i32
    %dma_wait3A_374 = arith.constant 0 : i32
    %dma_wait3A_375 = tpu.memref_slice %arg2[%dma_wait3A_373, %dma_wait3A_374] : memref<8193x1024xf32, #tpu.memory_space<hbm>> -> memref<16x1024xf32, #tpu.memory_space<hbm>>
    %dma_wait3A_376 = arith.constant 0 : i32
    %dma_wait3A_377 = arith.constant 0 : i32
    %dma_wait3A_378 = tpu.memref_slice %arg2[%dma_wait3A_376, %dma_wait3A_377] : memref<8193x1024xf32, #tpu.memory_space<hbm>> -> memref<16x1024xf32, #tpu.memory_space<hbm>>
    tpu.wait_dma2 semaphore(%arg13 : memref<!tpu.dma_semaphore, #tpu.memory_space<semaphore_mem>>) src(%dma_wait3A_378 : memref<16x1024xf32, #tpu.memory_space<hbm>>) dst(%arg6 : memref<16x1024xf32, #tpu.memory_space<vmem>>)
    %get3A_379 = arith.constant 63 : i32
    %get3A_380 = arith.index_cast %get3A_379 : i32 to index
    %get3A_381 = arith.constant 0 : index
    %get3A_382 = tpu.vector_load %arg5[%get3A_380, %get3A_381] {strides = array<i32>} : memref<64x16xi32, #tpu.memory_space<vmem>>, vector<16xi32>,
    %reduce_min3A_383 = arith.constant true
    %reduce_min3A_384 = vector.broadcast %reduce_min3A_383 : i1 to vector<16xi1>
    %reduce_min3A_385 = arith.constant -2147483648 : i32
    %reduce_min3A_386 = vector.broadcast %reduce_min3A_385 : i32 to vector<16xi32>
    %reduce_min3A_387 = arith.xori %get3A_382, %reduce_min3A_386 : vector<16xi32>
    %reduce_min3A_388 = tpu.scan <min>, %reduce_min3A_387 masked %reduce_min3A_384 : vector<16xi32>, vector<16xi1> -> vector<16xi32>
    %reduce_min3A_389 = arith.xori %reduce_min3A_388, %reduce_min3A_386 : vector<16xi32>
    %reduce_min3A_390 = vector.extract %reduce_min3A_389[15] : i32 from vector<16xi32>
    %le3A_391 = arith.constant 0 : i32
    %le3A_392 = arith.cmpi sle, %reduce_min3A_390, %le3A_391 : i32
    %convert_element_type3A_393 = arith.extui %le3A_392 : i1 to i32
    %cond3A_394 = arith.constant 0 : i32
    %cond3A_395 = arith.cmpi ne, %convert_element_type3A_393, %cond3A_394 : i32
    scf.if %cond3A_395 {
      %scan3A_460 = arith.constant 0 : i32
      %scan3A_461 = arith.constant 0 : i32
      %scan3A_462 = arith.constant 16 : i32
      %scan3A_463 = arith.addi %scan3A_461, %scan3A_462 : i32
      %scan3A_464 = arith.constant 1 : i32
      %scan3A_465 = scf.for %scan3A_467 = %scan3A_461 to %scan3A_463 step %scan3A_464 iter_args(%scan3A_468 = %scan3A_460) -> (i32)  : i32 {
        %broadcast_in_dim3A = arith.constant 63 : i32
        %broadcast_in_dim3A_469 = vector.broadcast %broadcast_in_dim3A : i32 to vector<16xi32>
        %broadcast_in_dim3A_470 = vector.broadcast %scan3A_467 : i32 to vector<16xi32>
        %gather3A = tpu.vector_load_idx %arg5[%broadcast_in_dim3A_469, %broadcast_in_dim3A_470] : memref<64x16xi32, #tpu.memory_space<vmem>>[vector<16xi32>, vector<16xi32>], vector<16xi32>,
        %min3A_471 = arith.constant 1 : i32
        %min3A_472 = vector.broadcast %min3A_471 : i32 to vector<16xi32>
        %min3A_473 = arith.minsi %gather3A, %min3A_472 : vector<16xi32>
        %convert_element_type3A_474 = arith.sitofp %min3A_473 : vector<16xi32> to vector<16xf32>
        %scan3A_475 = arith.constant 0 : i32
        %scan3A_476 = arith.constant 0 : i32
        %scan3A_477 = arith.constant 64 : i32
        %scan3A_478 = arith.addi %scan3A_476, %scan3A_477 : i32
        %scan3A_479 = arith.constant 1 : i32
        %scan3A_480 = scf.for %scan3A_482 = %scan3A_476 to %scan3A_478 step %scan3A_479 iter_args(%scan3A_483 = %scan3A_475) -> (i32)  : i32 {
          %mul3A_484 = arith.constant 16 : i32
          %mul3A_485 = arith.muli %scan3A_482, %mul3A_484 : i32
          %multiple_of3A_486 = tpu.assume_multiple %mul3A_485, 16 : i32
          %get3A_487 = arith.index_cast %scan3A_467 : i32 to index
          %get3A_488 = arith.index_cast %multiple_of3A_486 : i32 to index
          %get3A_489 = tpu.vector_load %arg6[%get3A_487, %get3A_488] {strides = array<i32>} : memref<16x1024xf32, #tpu.memory_space<vmem>>, vector<16xf32>,
          %mul3A_490 = arith.mulf %get3A_489, %convert_element_type3A_474 : vector<16xf32>
          %swap3A = arith.index_cast %scan3A_467 : i32 to index
          %swap3A_491 = arith.index_cast %multiple_of3A_486 : i32 to index
          %swap3A_492 = tpu.vector_load %arg6[%swap3A, %swap3A_491] {strides = array<i32>} : memref<16x1024xf32, #tpu.memory_space<vmem>>, vector<16xf32>,
          tpu.vector_store %arg6[%swap3A, %swap3A_491], %mul3A_490 {strides = array<i32>} : memref<16x1024xf32, #tpu.memory_space<vmem>>, vector<16xf32>,
          %scan3A_493 = arith.constant 0 : i32
          scf.yield %scan3A_493 : i32
        }
        %scan3A_481 = arith.constant 64 : i32
        scf.yield %scan3A_480 : i32
      }
      %scan3A_466 = arith.constant 16 : i32
    } else {
    }
    %add3A_396 = arith.constant 1008 : i32
    %add3A_397 = arith.addi %mul3A_2, %add3A_396 : i32
    %multiple_of3A_398 = tpu.assume_multiple %add3A_397, 16 : i32
    %dma_start3A_399 = arith.constant 0 : i32
    %dma_start3A_400 = tpu.memref_slice %arg4[%multiple_of3A_398, %dma_start3A_399] : memref<32768x1024xf32, #tpu.memory_space<hbm>> -> memref<16x1024xf32, #tpu.memory_space<hbm>>
    %dma_start3A_401 = arith.constant 0 : i32
    %dma_start3A_402 = tpu.memref_slice %arg4[%multiple_of3A_398, %dma_start3A_401] : memref<32768x1024xf32, #tpu.memory_space<hbm>> -> memref<16x1024xf32, #tpu.memory_space<hbm>>
    tpu.enqueue_dma source(%arg6 : memref<16x1024xf32, #tpu.memory_space<vmem>>) target(%dma_start3A_402 : memref<16x1024xf32, #tpu.memory_space<hbm>>) target_semaphore(%arg20 : memref<!tpu.dma_semaphore, #tpu.memory_space<semaphore_mem>>)
    %dma_wait3A_403 = arith.constant 0 : i32
    %dma_wait3A_404 = arith.constant 0 : i32
    %dma_wait3A_405 = tpu.memref_slice %arg4[%dma_wait3A_403, %dma_wait3A_404] : memref<32768x1024xf32, #tpu.memory_space<hbm>> -> memref<16x1024xf32, #tpu.memory_space<hbm>>
    %dma_wait3A_406 = arith.constant 0 : i32
    %dma_wait3A_407 = arith.constant 0 : i32
    %dma_wait3A_408 = tpu.memref_slice %arg4[%dma_wait3A_406, %dma_wait3A_407] : memref<32768x1024xf32, #tpu.memory_space<hbm>> -> memref<16x1024xf32, #tpu.memory_space<hbm>>
    tpu.wait_dma2 semaphore(%arg23 : memref<!tpu.dma_semaphore, #tpu.memory_space<semaphore_mem>>) src(%arg9 : memref<16x1024xf32, #tpu.memory_space<vmem>>) dst(%dma_wait3A_408 : memref<16x1024xf32, #tpu.memory_space<hbm>>)
    %min3A_409 = arith.constant 66 : i32
    %min3A_410 = arith.constant 63 : i32
    %min3A_411 = arith.minsi %min3A_409, %min3A_410 : i32
    %dma_start3A_412 = arith.constant 0 : i32
    %dma_start3A_413 = tpu.memref_slice %arg5[%min3A_411, %dma_start3A_412] : memref<64x16xi32, #tpu.memory_space<vmem>> -> memref<1x16xi32, #tpu.memory_space<vmem>>
    %dma_start3A_414 = tpu.memref_squeeze %dma_start3A_413 : memref<1x16xi32, #tpu.memory_space<vmem>> -> memref<16xi32, #tpu.memory_space<vmem>>
    %dma_start3A_415 = arith.constant 0 : i32
    %dma_start3A_416 = arith.constant 0 : i32
    %dma_start3A_417 = tpu.memref_slice %arg2[%dma_start3A_415, %dma_start3A_416] : memref<8193x1024xf32, #tpu.memory_space<hbm>> -> memref<8193x1024xf32, #tpu.memory_space<hbm>>
    tpu.enqueue_indirect_dma source(%dma_start3A_417 : memref<8193x1024xf32, #tpu.memory_space<hbm>>) target(%arg9 : memref<16x1024xf32, #tpu.memory_space<vmem>>) offsets(%dma_start3A_414 : memref<16xi32, #tpu.memory_space<vmem>>) semaphore(%arg16 : memref<!tpu.dma_semaphore, #tpu.memory_space<semaphore_mem>>)
    %dma_wait3A_418 = arith.constant 0 : i32
    %dma_wait3A_419 = arith.constant 0 : i32
    %dma_wait3A_420 = tpu.memref_slice %arg4[%dma_wait3A_418, %dma_wait3A_419] : memref<32768x1024xf32, #tpu.memory_space<hbm>> -> memref<16x1024xf32, #tpu.memory_space<hbm>>
    %dma_wait3A_421 = arith.constant 0 : i32
    %dma_wait3A_422 = arith.constant 0 : i32
    %dma_wait3A_423 = tpu.memref_slice %arg4[%dma_wait3A_421, %dma_wait3A_422] : memref<32768x1024xf32, #tpu.memory_space<hbm>> -> memref<16x1024xf32, #tpu.memory_space<hbm>>
    tpu.wait_dma2 semaphore(%arg24 : memref<!tpu.dma_semaphore, #tpu.memory_space<semaphore_mem>>) src(%arg10 : memref<16x1024xf32, #tpu.memory_space<vmem>>) dst(%dma_wait3A_423 : memref<16x1024xf32, #tpu.memory_space<hbm>>)
    %dma_wait3A_424 = arith.constant 0 : i32
    %dma_wait3A_425 = arith.constant 0 : i32
    %dma_wait3A_426 = tpu.memref_slice %arg4[%dma_wait3A_424, %dma_wait3A_425] : memref<32768x1024xf32, #tpu.memory_space<hbm>> -> memref<16x1024xf32, #tpu.memory_space<hbm>>
    %dma_wait3A_427 = arith.constant 0 : i32
    %dma_wait3A_428 = arith.constant 0 : i32
    %dma_wait3A_429 = tpu.memref_slice %arg4[%dma_wait3A_427, %dma_wait3A_428] : memref<32768x1024xf32, #tpu.memory_space<hbm>> -> memref<16x1024xf32, #tpu.memory_space<hbm>>
    tpu.wait_dma2 semaphore(%arg25 : memref<!tpu.dma_semaphore, #tpu.memory_space<semaphore_mem>>) src(%arg11 : memref<16x1024xf32, #tpu.memory_space<vmem>>) dst(%dma_wait3A_429 : memref<16x1024xf32, #tpu.memory_space<hbm>>)
    %dma_wait3A_430 = arith.constant 0 : i32
    %dma_wait3A_431 = arith.constant 0 : i32
    %dma_wait3A_432 = tpu.memref_slice %arg4[%dma_wait3A_430, %dma_wait3A_431] : memref<32768x1024xf32, #tpu.memory_space<hbm>> -> memref<16x1024xf32, #tpu.memory_space<hbm>>
    %dma_wait3A_433 = arith.constant 0 : i32
    %dma_wait3A_434 = arith.constant 0 : i32
    %dma_wait3A_435 = tpu.memref_slice %arg4[%dma_wait3A_433, %dma_wait3A_434] : memref<32768x1024xf32, #tpu.memory_space<hbm>> -> memref<16x1024xf32, #tpu.memory_space<hbm>>
    tpu.wait_dma2 semaphore(%arg26 : memref<!tpu.dma_semaphore, #tpu.memory_space<semaphore_mem>>) src(%arg12 : memref<16x1024xf32, #tpu.memory_space<vmem>>) dst(%dma_wait3A_435 : memref<16x1024xf32, #tpu.memory_space<hbm>>)
    %dma_wait3A_436 = arith.constant 0 : i32
    %dma_wait3A_437 = arith.constant 0 : i32
    %dma_wait3A_438 = tpu.memref_slice %arg4[%dma_wait3A_436, %dma_wait3A_437] : memref<32768x1024xf32, #tpu.memory_space<hbm>> -> memref<16x1024xf32, #tpu.memory_space<hbm>>
    %dma_wait3A_439 = arith.constant 0 : i32
    %dma_wait3A_440 = arith.constant 0 : i32
    %dma_wait3A_441 = tpu.memref_slice %arg4[%dma_wait3A_439, %dma_wait3A_440] : memref<32768x1024xf32, #tpu.memory_space<hbm>> -> memref<16x1024xf32, #tpu.memory_space<hbm>>
    tpu.wait_dma2 semaphore(%arg20 : memref<!tpu.dma_semaphore, #tpu.memory_space<semaphore_mem>>) src(%arg6 : memref<16x1024xf32, #tpu.memory_space<vmem>>) dst(%dma_wait3A_441 : memref<16x1024xf32, #tpu.memory_space<hbm>>)
    %dma_wait3A_442 = arith.constant 0 : i32
    %dma_wait3A_443 = arith.constant 0 : i32
    %dma_wait3A_444 = tpu.memref_slice %arg2[%dma_wait3A_442, %dma_wait3A_443] : memref<8193x1024xf32, #tpu.memory_space<hbm>> -> memref<16x1024xf32, #tpu.memory_space<hbm>>
    %dma_wait3A_445 = arith.constant 0 : i32
    %dma_wait3A_446 = arith.constant 0 : i32
    %dma_wait3A_447 = tpu.memref_slice %arg2[%dma_wait3A_445, %dma_wait3A_446] : memref<8193x1024xf32, #tpu.memory_space<hbm>> -> memref<16x1024xf32, #tpu.memory_space<hbm>>
    tpu.wait_dma2 semaphore(%arg14 : memref<!tpu.dma_semaphore, #tpu.memory_space<semaphore_mem>>) src(%dma_wait3A_447 : memref<16x1024xf32, #tpu.memory_space<hbm>>) dst(%arg7 : memref<16x1024xf32, #tpu.memory_space<vmem>>)
    %dma_wait3A_448 = arith.constant 0 : i32
    %dma_wait3A_449 = arith.constant 0 : i32
    %dma_wait3A_450 = tpu.memref_slice %arg2[%dma_wait3A_448, %dma_wait3A_449] : memref<8193x1024xf32, #tpu.memory_space<hbm>> -> memref<16x1024xf32, #tpu.memory_space<hbm>>
    %dma_wait3A_451 = arith.constant 0 : i32
    %dma_wait3A_452 = arith.constant 0 : i32
    %dma_wait3A_453 = tpu.memref_slice %arg2[%dma_wait3A_451, %dma_wait3A_452] : memref<8193x1024xf32, #tpu.memory_space<hbm>> -> memref<16x1024xf32, #tpu.memory_space<hbm>>
    tpu.wait_dma2 semaphore(%arg15 : memref<!tpu.dma_semaphore, #tpu.memory_space<semaphore_mem>>) src(%dma_wait3A_453 : memref<16x1024xf32, #tpu.memory_space<hbm>>) dst(%arg8 : memref<16x1024xf32, #tpu.memory_space<vmem>>)
    %dma_wait3A_454 = arith.constant 0 : i32
    %dma_wait3A_455 = arith.constant 0 : i32
    %dma_wait3A_456 = tpu.memref_slice %arg2[%dma_wait3A_454, %dma_wait3A_455] : memref<8193x1024xf32, #tpu.memory_space<hbm>> -> memref<16x1024xf32, #tpu.memory_space<hbm>>
    %dma_wait3A_457 = arith.constant 0 : i32
    %dma_wait3A_458 = arith.constant 0 : i32
    %dma_wait3A_459 = tpu.memref_slice %arg2[%dma_wait3A_457, %dma_wait3A_458] : memref<8193x1024xf32, #tpu.memory_space<hbm>> -> memref<16x1024xf32, #tpu.memory_space<hbm>>
    tpu.wait_dma2 semaphore(%arg16 : memref<!tpu.dma_semaphore, #tpu.memory_space<semaphore_mem>>) src(%dma_wait3A_459 : memref<16x1024xf32, #tpu.memory_space<hbm>>) dst(%arg9 : memref<16x1024xf32, #tpu.memory_space<vmem>>)
    return
  }
}

</mosaic_0001>

<sc_bundles>
// kernel: kernel.3.cloned.1.call-start
scs
__scs_entry_jumppad:
0x0: {  	(pc) =	sbr.rel $0x88, $3  }
0x1: {  	(tag) =	ssettag $0x0;
	lr =	simm.s32 $0x1  }
0x2: {  	[smem:$0x3F9F] =	sst lr;
	_ =	strace $0xD0000000  }
0x3: {  	_ = 	snop  }
0x4: {  	_ = 	snop  }
0x5: {  	_ = 	snop  }
0x6: {  	_ = 	snop  }
0x7: {  	_ = 	snop  }
__scs_overlays_trampoline_lowered:
0x8: {  	[smem:$0x3FAE] =	sst s0  }
0x9: {  	[smem:$0x3FAF] =	sst s1  }
0xa: {  	[smem:$0x3FB0] =	sst s2  }
0xb: {  	[smem:$0x3FB1] =	sst s3  }
0xc: {  	[smem:$0x3FB2] =	sst s4  }
0xd: {  	[smem:$0x3FB3] =	sst s5  }
0xe: {  	[smem:$0x3FB4] =	sst s6  }
0xf: {  	[smem:$0x3FB5] =	sst s7  }
0x10: {  	[smem:$0x3FB6] =	sst s8  }
0x11: {  	[smem:$0x3FB7] =	sst s9;
	s0 =	simm.s32 @!p0 $0x0  }
0x12: {  	s1 =	sld [smem:$0x3F9D];
	s0 =	simm.s32 @p0 $0x1  }
0x13: {  	[smem:$0x3FB8] =	sst s0;
	s0 =	simm.s32 @!p1 $0x0  }
0x14: {  	s2 =	sld [smem:$0x3F9C];
	s0 =	simm.s32 @p1 $0x1  }
0x15: {  	[smem:$0x3FB9] =	sst s0;
	s0 =	simm.s32 @!p2 $0x0  }
0x16: {  	s3 =	sld [smem:$0x3FDB];
	s0 =	simm.s32 @p2 $0x1  }
0x17: {  	s4 =	simm.s32 $0x1BF5;
	[smem:$0x3FBB] =	sst s0  }
0x18: {  	s0 =	sld [smem:$0x3F9E];
	_ =	swait.ge [sflag:s4], $0x0  }
0x19: {  	s7 =	sld [smem:$0x3F9F]  }
0x1a: {  	s8 =	sadd.s32 $0xFFFFE003, lr  }
0x1b: {  	s9 =	sadd.s32 $0xFFFFFEF7, lr;
	s5 =	simm.s32 $0xFFFFFFFF;
	p2 =	slt.u32 s8, $0xFFFFF086  }
0x1c: {  	p1 =	slt.u32 s9, $0xF7A;
	s5 =	simm.s32 @!p2 $0x0  }
0x1d: {  	s5 =	simm.s32 @p1 $0x1;
	p0 =	seq.s32 s7, s2  }
0x1e: {  	s7 =	smul.u32 @!p0 $0xF7A, s2;
	p2 =	seq.s32 @!p0 s5, $0x0  }
0x1f: {  	s9 =	smul.u32 $0xF7A, s1;
	s8 =	simm.s32 @!p0 $0x1BF5;
	p2 =	por !p2, p0  }
0x20: {  	[sflag:s8] =	ssyncset.s32 @!p0 $0xFFFFF086;
	s6 =	sadd.s32 @!p0 s3, s7;
	s7 =	simm.s32 @!p0 $0x108  }
0x21: {  	s3 =	sadd.s32 s3, s9;
	s6 =	sadd.s32 @!p0 $0x88, s6;
	s7 =	simm.s32 @p2 $0x1082  }
0x22: {  	[simem:s7], [sflag:s8] =	dma.local @!p0 [hbm:s6], $0xF7A  }
0x23: {  	s9 =	sor.u32 $0xD0000000, s2;
	s6 =	simm.s32 $0x108;
	_ =	swait.ge @!p0 [sflag:s8], $0x0  }
0x24: {  	s3 =	sadd.s32 $0x88, s3;
	s6 =	simm.s32 @!p1 $0x1082;
	[sflag:s4] =	ssyncset.s32 $0xFFFFF086  }
0x25: {  	[simem:s6], [sflag:s4] =	dma.local [hbm:s3], $0xF7A  }
0x26: {  	[smem:$0x3F9F] =	sst s1;
	(tag) =	ssettag s2;
	_ =	strace s9  }
0x27: {  	s1 =	sld [smem:$0x3FAF]  }
0x28: {  	s2 =	sld [smem:$0x3FB0]  }
0x29: {  	s4 =	sld [smem:$0x3FB2]  }
0x2a: {  	p0 =	seq.s32 s5, $0x0;
	s5 =	sld [smem:$0x3FB3]  }
0x2b: {  	s6 =	sld [smem:$0x3FB4]  }
0x2c: {  	s7 =	sld [smem:$0x3FB5]  }
0x2d: {  	s3 =	simm.s32 $0x108;
	s8 =	sld [smem:$0x3FB6]  }
0x2e: {  	s3 =	simm.s32 @!p0 $0x1082;
	s9 =	sld [smem:$0x3FB7]  }
0x2f: {  	lr =	sadd.s32 s0, s3;
	s0 =	sld [smem:$0x3FAE]  }
0x30: {  	s3 =	sld [smem:$0x3FB1]  }
0x31: {  	[smem:$0x3FBA] =	sst s10  }
0x32: {  	s10 =	sld [smem:$0x3FB8];
	_ =	sdelay $0x3  }
0x33: {  	p0 =	seq.s32 s10, $0x1;
	s10 =	sld [smem:$0x3FBA];
	_ =	sdelay $0x3  }
0x34: {  	[smem:$0x3FBA] =	sst s10  }
0x35: {  	s10 =	sld [smem:$0x3FB9];
	_ =	sdelay $0x3  }
0x36: {  	p1 =	seq.s32 s10, $0x1;
	s10 =	sld [smem:$0x3FBA];
	_ =	sdelay $0x3  }
0x37: {  	[smem:$0x3FBA] =	sst s10  }
0x38: {  	s10 =	sld [smem:$0x3FBB]  }
0x39: {  	_ = 	snop;
	(pc) =	sbr.ind lr, $3  }
0x3a: {  	_ = 	snop  }
0x3b: {  	_ = 	snop  }
0x3c: {  	p2 =	seq.s32 s10, $0x1;
	s10 =	sld [smem:$0x3FBA]  }
0x3d: {  	_ =	shalt  }
0x3e: {  	_ =	shalt  }
0x3f: {  	_ =	shalt  }
0x40: {  	_ =	shalt  }
0x41: {  	_ =	shalt  }
0x42: {  	_ =	shalt  }
0x43: {  	_ =	shalt  }
0x44: {  	_ =	shalt  }
0x45: {  	_ =	shalt  }
0x46: {  	_ =	shalt  }
0x47: {  	_ =	shalt  }
0x48: {  	_ =	shalt  }
0x49: {  	_ =	shalt  }
0x4a: {  	_ =	shalt  }
0x4b: {  	_ =	shalt  }
0x4c: {  	_ =	shalt  }
0x4d: {  	_ =	shalt  }
0x4e: {  	_ =	shalt  }
0x4f: {  	_ =	shalt  }
0x50: {  	_ =	shalt  }
0x51: {  	_ =	shalt  }
0x52: {  	_ =	shalt  }
0x53: {  	_ =	shalt  }
0x54: {  	_ =	shalt  }
0x55: {  	_ =	shalt  }
0x56: {  	_ =	shalt  }
0x57: {  	_ =	shalt  }
0x58: {  	_ =	shalt  }
0x59: {  	_ =	shalt  }
0x5a: {  	_ =	shalt  }
0x5b: {  	_ =	shalt  }
0x5c: {  	_ =	shalt  }
0x5d: {  	_ =	shalt  }
0x5e: {  	_ =	shalt  }
0x5f: {  	_ =	shalt  }
0x60: {  	_ =	shalt  }
0x61: {  	_ =	shalt  }
0x62: {  	_ =	shalt  }
0x63: {  	_ =	shalt  }
0x64: {  	_ =	shalt  }
0x65: {  	_ =	shalt  }
0x66: {  	_ =	shalt  }
0x67: {  	_ =	shalt  }
0x68: {  	_ =	shalt  }
0x69: {  	_ =	shalt  }
0x6a: {  	_ =	shalt  }
0x6b: {  	_ =	shalt  }
0x6c: {  	_ =	shalt  }
0x6d: {  	_ =	shalt  }
0x6e: {  	_ =	shalt  }
0x6f: {  	_ =	shalt  }
0x70: {  	_ =	shalt  }
0x71: {  	_ =	shalt  }
0x72: {  	_ =	shalt  }
0x73: {  	_ =	shalt  }
0x74: {  	_ =	shalt  }
0x75: {  	_ =	shalt  }
0x76: {  	_ =	shalt  }
0x77: {  	_ =	shalt  }
0x78: {  	_ =	shalt  }
0x79: {  	_ =	shalt  }
0x7a: {  	_ =	shalt  }
0x7b: {  	_ =	shalt  }
0x7c: {  	_ =	shalt  }
0x7d: {  	_ =	shalt  }
0x7e: {  	_ =	shalt  }
0x7f: {  	_ =	shalt  }
0x80: {  	_ =	shalt  }
0x81: {  	_ =	shalt  }
0x82: {  	_ =	shalt  }
0x83: {  	_ =	shalt  }
0x84: {  	_ =	shalt  }
0x85: {  	_ =	shalt  }
0x86: {  	_ =	shalt  }
0x87: {  	_ =	shalt  }
.Lfunc_end0:
.L_simem_size_0:
called_computation_lowered:
.L_overlay_start_0:
0x88: {  	s2 =	sld [smem:$0x3FD9]  }
0x89: {  	s3 =	sld [smem:$0x3FFE];
	_ =	sdelay $0x1  }
0x8a: {  	s1 =	srdreg.scid  }
0x8b: {  	s0 =	sand.u32 $0x1, s1  }
0x8c: {  	s17 =	sshll.u32 s0, $0xA;
	s2 =	sadd.s32 s3, s2  }
0x8d: {  	s2 =	sadd.s32 s2, s17  }
0x8e: {  	[smem:$0x3FC6] =	sst s2  }
0x8f: {  	_ = 	snop  }
0x90: {  	s2 =	sld [smem:$0x3FC8]  }
0x91: {  	s18 =	sld [smem:$0x3FD0];
	(tm) =	ssettm $0x1  }
0x92: {  	s4 =	sld [smem:$0x3FFB];
	_ =	sdelay $0x3  }
0x93: {  	_ =	strace s4  }
0x94: {  	s4 =	sld [smem:$0x3FFC];
	_ =	sdelay $0x3  }
0x95: {  	_ =	strace s4  }
0x96: {  	s4 =	sld [smem:$0x3FFD];
	_ =	sdelay $0x3  }
0x97: {  	_ =	strace s4  }
0x98: {  	_ =	strace $0x8FFFFFFF  }
0x99: {  	s19 =	sld [smem:$0x3FDB];
	_ =	sdelay $0x1  }
0x9a: {  	s5 =	simm.s32 $_scs_section_size  }
0x9b: {  	s6 =	simm.s32 $_size__tile_overlayer_lowered;
	s7 =	simm.s32 $_tile_overlayer_lowered  }
0x9c: {  	s22 =	simm.s32 $0x1BFF;
	s21 =	sshll.u32 s7, $0x1;
	s4 =	sadd.s32 s5, s19  }
0x9d: {  	s8 =	simm.s32 $0x0;
	s20 =	sshll.u32 s6, $0x1;
	s6 =	sadd.s32 s21, s4  }
0x9e: {  	[timem:s8], [sflag:s22] =	dma.local [hbm:s6], s20  }
0x9f: {  	_ =	swait.ge [sflag:s22], s20  }
0xa0: {  	s5 =	ssub.s32 $0x0, s20;
	[sflag:s22] =	ssyncset.done $0x0  }
0xa1: {  	[sflag:s22] =	ssyncadd.s32 s5;
	_ =	sdelay $0x1  }
0xa2: {  	s23 =	simm.s32 $0x1B8B  }
0xa3: {  	_ =	swait.ge [sflag:s23], $0x1  }
0xa4: {  	[sflag:s23] =	ssyncset.done $0x0  }
0xa5: {  	s25 =	simm.s32 $0x1B8E;
	s24 =	sld [smem:$0x3FFE];
	[sflag:s23] =	ssyncadd.s32 $0xFFFFFFFF  }
0xa6: {  	s26 =	simm.s32 $execute0_lowered;
	[smem:$0x3FD2] =	sst s25  }
0xa7: {  	s6 =	sshll.u32 s26, $0x1;
	_ =	strace $0x80000046;
	[dreg:$0x1] =	wrdreg $0xFFFFFFFF  }
0xa8: {  	s28 =	simm.s32 $_size_execute0_lowered;
	s4 =	sadd.s32 s4, s6;
	[dreg:$0x0] =	wrdreg $0x0  }
0xa9: {  	s6 =	sshll.u32 s28, $0x1;
	[dreg:$0x2] =	wrdreg s4  }
0xaa: {  	[dreg:$0x3] =	wrdreg s6  }
0xab: {  	[dreg:$0x4] =	wrdreg $0xC0  }
0xac: {  	_ =	task [dreg:s8], $0x5FFFF  }
0xad: {  	[dreg:$0x1] =	wrdreg $0xFFFFFFFF  }
0xae: {  	[dreg:$0x0] =	wrdreg $0x60  }
0xaf: {  	[dreg:$0x2] =	wrdreg s2  }
0xb0: {  	[dreg:$0x3] =	wrdreg s24  }
0xb1: {  	[dreg:$0x4] =	wrdreg s18  }
0xb2: {  	[dreg:$0x5] =	wrdreg $0x9  }
0xb3: {  	_ =	task.clear_ibuf [dreg:s8], $0x6FFFF;
	_ =	strace $0x90000046  }
0xb4: {  	s29 =	simm.s32 $0x9;
	_ =	strace $0x80000048  }
0xb5: {  	_ =	swait.ge [sflag:s29], $0x1  }
0xb6: {  	[sflag:s29] =	ssyncadd.s32 $0xFFFFFFFF  }
0xb7: {  	_ =	strace $0x90000048  }
0xb8: {  	_ =	sfence  }
0xb9: {  	s30 =	sld [smem:$0x0];
	_ =	sdelay $0x2  }
0xba: {  	s31 =	sshll.u32 s1, $0xD;
	s1 =	sshrl.u32 s1, $0x2  }
0xbb: {  	s3 =	sand.u32 $0x4000, s31;
	s1 =	sadd.s32 s1, s30  }
0xbc: {  	s0 =	sor.u32 s3, s0;
	s1 =	sshll.u32 s1, $0x11  }
0xbd: {  	s0 =	sor.u32 s1, s0  }
0xbe: {  	s0 =	sadd.s32 $0x8F2B, s0  }
0xbf: {  	[sflag:s0] =	ssyncadd.remote.s32 $0x1  }
0xc0: {  	_ =	sfence.sel $0xFFFF  }
0xc1: {  	[dreg:$0x0] =	wrdreg $0xFFFFFFFF;
	(pc) =	sbr.abs _section_cstart, $3  }
0xc2: {  	[dreg:$0x1] =	wrdreg $0xFFFFFFFF  }
0xc3: {  	_ =	task.clear_ibuf [dreg:s8], $0x2FFFF;
	_ =	strace $0x9FFFFFFF  }
0xc4: {  	(tm) =	ssettm $0x7FFFFFFF  }
0xc5: {  	_ =	shalt  }
tec
execute0_lowered:
.L_overlay_start_1:
0x0: {  	(tag) =	ssettag $0x1  }
0x1: {  	s1 =	rddreg [dreg:$0x0]  }
0x2: {  	s0 =	rddreg [dreg:$0x1]  }
0x3: {  	s2 =	srdreg.scid;
	s3 =	stileid.u32  }
0x4: {  	s4 =	rddreg [dreg:$0x2];
	s30 =	simm.s32 $0x6000;
	s17 =	simm.s32 $0x1  }
0x5: {  	s29 =	simm.s32 $0x2;
	s31 =	simm.s32 $0x3;
	s11 =	simm.s32 $0x8  }
0x6: {  	s16 =	simm.s32 $0xB;
	s2 =	sand.u32 $0x1, s2;
	s5 =	sshll.u32 s3, $0x1  }
0x7: {  	s3 =	simm.s32 $0x0;
	s8 =	sadd.s32 $0x300, s1;
	s5 =	sor.u32 s2, s5  }
0x8: {  	[smem:$0x7FF] =	sst s3;
	s2 =	ssub.s32 $0x2, s2;
	s6 =	sshll.u32 s5, $0xA  }
0x9: {  	_ =	strace $0x80000047;
	s20 =	sshll.u32 s5, $0x11;
	s0 =	sadd.s32 s6, s0  }
0xa: {  	s19 =	sshrl.u32 s2, $0x1;
	s7 =	sadd.s32 s4, s20;
	s0 =	sadd.s32 $0x400, s0  }
0xb: {  	s5 =	sadd.s32 $0x100, s1;
	s21 =	sadd.s32 $0x1000, s7;
	[dreg:$0x4] =	wrdreg s0  }
0xc: {  	s2 =	ssub.s32 s2, s19;
	s22 =	sadd.s32 $0x1800, s7;
	[dreg:$0x6] =	wrdreg s21  }
0xd: {  	s6 =	sadd.s32 $0x200, s1;
	s23 =	sadd.s32 $0x2000, s7;
	[dreg:$0x7] =	wrdreg s22  }
0xe: {  	s19 =	simm.s32 $0x2000;
	s24 =	sadd.s32 $0x2800, s7;
	[dreg:$0x8] =	wrdreg s23  }
.Ltmp0:
0xf: {  	s25 =	sadd.s32 $0x3000, s7;
	[dreg:$0x9] =	wrdreg s24;
	(pc) =	sbr.rel .LBB2_1-.Ltmp0, $4  }
0x10: {  	s20 =	simm.s32 $0xC;
	s26 =	sadd.s32 $0x1F800, s7;
	[dreg:$0xa] =	wrdreg s25  }
0x11: {  	v2 =	vlaneseq.u32;
	s4 =	simm.s32 $0x0;
	s28 =	smax.u32 s2, $0x1;
	[dreg:$0xb] =	wrdreg s26  }
0x12: {  	vm0 =	vmmov $0xffff;
	v1 =	vshrl.u32 v2, $0x3;
	s0 =	sadd.s32 $0x800, s7;
	[dreg:$0xc] =	wrdreg s28;
	s21 =	simm.s32 $0xD  }
0x13: {  	v0 =	vand.u32 $0x7, v2;
	v2 =	vor.u32 $0x8, v2;
	v1 =	vmul.u32 $0x8, v1;
	s22 =	simm.s32 $0xE;
	[dreg:$0x5] =	wrdreg s0;
	s0 =	simm.s32 $0x4  }
.LBB2_70:
0x14: {  	s2 =	rddreg [dreg:$0xb]  }
0x15: {  	[hbm4b:s2+s3] =	stream.linear.scatter [tilespmem:s19], [sflag:$0x8], $0x4000, $0x38;
	[tilespmem:$0x1E000] =	vst v63  }
0x16: {  	_ =	swait.ge [sflag:s16], $0x4000  }
0x17: {  	[sflag:s16] =	ssyncset.done $0x0  }
0x18: {  	[sflag:s16] =	ssyncadd.s32 $0xFFFFC000  }
0x19: {  	v3 =	vld [tilespmem:$0x1F80];
	_ =	sdelay $0x4  }
0x1a: {  	v4 =	vshll.u32 v3, $0x3  }
0x1b: {  	v3 =	vand.u32 $0x7, v3;
	v4 =	vand.u32 $0xFFFFFFC0, v4  }
0x1c: {  	v3 =	vor.u32 v3, v4  }
0x1d: {  	v4 =	vperm.xlane v3, v0;
	_ =	sdelay $0x1  }
0x1e: {  	v4 =	vadd.s32 v1, v4;
	_ =	sdelay $0x3  }
0x1f: {  	s13 =	simm.s32 $0xE000  }
0x20: {  	[tilespmem:s13], [sflag:$0x4] =	stream.indirect_vreg.gather [hbm4b:s1+s3], $0x80, v4, vm0, $0xb8;
	[tilespmem:$0x1E000] =	vst v63  }
0x21: {  	s14 =	simm.s32 $0xE800;
	v3 =	vperm.xlane v3, v2  }
0x22: {  	[tilespmem:s14], [sflag:$0x4] =	stream.indirect_vreg.gather [hbm4b:s5+s3], $0x80, v4, vm0, $0xb8;
	[tilespmem:$0x1E000] =	vst v63  }
0x23: {  	s15 =	simm.s32 $0xF000;
	v3 =	vadd.s32 v1, v3  }
0x24: {  	[tilespmem:s15], [sflag:$0x4] =	stream.indirect_vreg.gather [hbm4b:s6+s3], $0x80, v4, vm0, $0xb8;
	[tilespmem:$0x1E000] =	vst v63  }
0x25: {  	s18 =	simm.s32 $0xF800  }
0x26: {  	[tilespmem:s18], [sflag:$0x4] =	stream.indirect_vreg.gather [hbm4b:s8+s3], $0x80, v4, vm0, $0xb8;
	[tilespmem:$0x1E000] =	vst v63  }
0x27: {  	s23 =	simm.s32 $0x10000  }
0x28: {  	[tilespmem:s23], [sflag:$0x4] =	stream.indirect_vreg.gather [hbm4b:s1+s3], $0x80, v3, vm0, $0xb8;
	[tilespmem:$0x1E000] =	vst v63  }
0x29: {  	s24 =	simm.s32 $0x10800  }
0x2a: {  	[tilespmem:s24], [sflag:$0x4] =	stream.indirect_vreg.gather [hbm4b:s5+s3], $0x80, v3, vm0, $0xb8;
	[tilespmem:$0x1E000] =	vst v63  }
0x2b: {  	s25 =	simm.s32 $0x11000  }
0x2c: {  	[tilespmem:s25], [sflag:$0x4] =	stream.indirect_vreg.gather [hbm4b:s6+s3], $0x80, v3, vm0, $0xb8;
	[tilespmem:$0x1E000] =	vst v63  }
0x2d: {  	s26 =	simm.s32 $0x11800  }
0x2e: {  	[tilespmem:s26], [sflag:$0x4] =	stream.indirect_vreg.gather [hbm4b:s8+s3], $0x80, v3, vm0, $0xb8;
	[tilespmem:$0x1E000] =	vst v63  }
0x2f: {  	_ =	swait.ge [sflag:s20], $0x4000  }
0x30: {  	[sflag:s20] =	ssyncset.done $0x0  }
0x31: {  	[sflag:s20] =	ssyncadd.s32 $0xFFFFC000  }
0x32: {  	_ =	swait.ge [sflag:s21], $0x4000  }
0x33: {  	[sflag:s21] =	ssyncset.done $0x0  }
0x34: {  	[sflag:s21] =	ssyncadd.s32 $0xFFFFC000  }
0x35: {  	_ =	swait.ge [sflag:s22], $0x4000  }
0x36: {  	[sflag:s22] =	ssyncset.done $0x0  }
0x37: {  	[sflag:s22] =	ssyncadd.s32 $0xFFFFC000  }
0x38: {  	_ =	swait.ge [sflag:s11], $0x4000  }
0x39: {  	[sflag:s11] =	ssyncset.done $0x0  }
0x3a: {  	[sflag:s11] =	ssyncadd.s32 $0xFFFFC000  }
0x3b: {  	_ =	swait.ge [sflag:s29], $0x4000  }
0x3c: {  	[sflag:s29] =	ssyncset.done $0x0  }
0x3d: {  	[sflag:s29] =	ssyncadd.s32 $0xFFFFC000  }
0x3e: {  	_ =	swait.ge [sflag:s31], $0x4000  }
0x3f: {  	[sflag:s31] =	ssyncset.done $0x0  }
0x40: {  	[sflag:s31] =	ssyncadd.s32 $0xFFFFC000  }
0x41: {  	_ =	swait.ge [sflag:s0], $0x4000  }
0x42: {  	s4 =	rddreg [dreg:$0xd]  }
0x43: {  	s28 =	rddreg [dreg:$0xc];
	s4 =	sadd.s32 $0x1, s4  }
0x44: {  	p0 =	sne.s32 s4, s28  }
.Ltmp1:
0x45: {  	_ = 	snop;
	(pc) =	sbr.rel @!p0 .LBB2_71-.Ltmp1, $3  }
0x46: {  	_ =	sdelay $0x1  }
0x47: {  	[sflag:s0] =	ssyncset.done $0x0  }
0x48: {  	[sflag:s0] =	ssyncadd.s32 $0xFFFFC000  }
.LBB2_1:
0x49: {  	[dreg:$0xd] =	wrdreg s4  }
0x4a: {  	s2 =	rddreg [dreg:$0x4];
	s10 =	simm.s32 $0xF  }
0x4b: {  	[tilespmem:s3], [sflag:$0xF] =	stream.linear.gather [hbm4b:s2+s3], $0x2000, $0x38;
	[tilespmem:$0x1E000] =	vst v63  }
0x4c: {  	_ =	swait.ge [sflag:s10], $0x2000  }
0x4d: {  	[sflag:s10] =	ssyncset.done $0x0  }
0x4e: {  	[sflag:s10] =	ssyncadd.s32 $0xFFFFE000  }
0x4f: {  	v3 =	vld [tilespmem:$0x0];
	_ =	sdelay $0x4  }
0x50: {  	v4 =	vshll.u32 v3, $0x3  }
0x51: {  	v3 =	vand.u32 $0x7, v3;
	v4 =	vand.u32 $0xFFFFFFC0, v4  }
0x52: {  	v3 =	vor.u32 v3, v4  }
0x53: {  	v4 =	vperm.xlane v3, v0;
	_ =	sdelay $0x1  }
0x54: {  	v4 =	vadd.s32 v1, v4;
	_ =	sdelay $0x4  }
0x55: {  	[tilespmem:s19], [sflag:$0x1] =	stream.indirect_vreg.gather [hbm4b:s1+s3], $0x80, v4, vm0, $0xb8;
	[tilespmem:$0x1E000] =	vst v63  }
0x56: {  	s12 =	simm.s32 $0x2800;
	v3 =	vperm.xlane v3, v2  }
0x57: {  	[tilespmem:s12], [sflag:$0x1] =	stream.indirect_vreg.gather [hbm4b:s5+s3], $0x80, v4, vm0, $0xb8;
	[tilespmem:$0x1E000] =	vst v63  }
0x58: {  	s13 =	simm.s32 $0x3000;
	v3 =	vadd.s32 v1, v3  }
0x59: {  	[tilespmem:s13], [sflag:$0x1] =	stream.indirect_vreg.gather [hbm4b:s6+s3], $0x80, v4, vm0, $0xb8;
	[tilespmem:$0x1E000] =	vst v63  }
0x5a: {  	s14 =	simm.s32 $0x3800  }
0x5b: {  	[tilespmem:s14], [sflag:$0x1] =	stream.indirect_vreg.gather [hbm4b:s8+s3], $0x80, v4, vm0, $0xb8;
	[tilespmem:$0x1E000] =	vst v63  }
0x5c: {  	s15 =	simm.s32 $0x4000  }
0x5d: {  	[tilespmem:s15], [sflag:$0x1] =	stream.indirect_vreg.gather [hbm4b:s1+s3], $0x80, v3, vm0, $0xb8;
	[tilespmem:$0x1E000] =	vst v63  }
0x5e: {  	s18 =	simm.s32 $0x4800  }
0x5f: {  	[tilespmem:s18], [sflag:$0x1] =	stream.indirect_vreg.gather [hbm4b:s5+s3], $0x80, v3, vm0, $0xb8;
	[tilespmem:$0x1E000] =	vst v63  }
0x60: {  	s23 =	simm.s32 $0x5000  }
0x61: {  	[tilespmem:s23], [sflag:$0x1] =	stream.indirect_vreg.gather [hbm4b:s6+s3], $0x80, v3, vm0, $0xb8;
	[tilespmem:$0x1E000] =	vst v63  }
0x62: {  	s24 =	simm.s32 $0x5800  }
0x63: {  	[tilespmem:s24], [sflag:$0x1] =	stream.indirect_vreg.gather [hbm4b:s8+s3], $0x80, v3, vm0, $0xb8;
	[tilespmem:$0x1E000] =	vst v63  }
0x64: {  	v3 =	vld [tilespmem:$0x80];
	_ =	sdelay $0x4  }
0x65: {  	v62 =	vshll.u32 v3, $0x3  }
0x66: {  	v3 =	vand.u32 $0x7, v3;
	v4 =	vand.u32 $0xFFFFFFC0, v62  }
0x67: {  	v3 =	vor.u32 v3, v4  }
0x68: {  	v4 =	vperm.xlane v3, v0;
	_ =	sdelay $0x1  }
0x69: {  	v4 =	vadd.s32 v1, v4;
	_ =	sdelay $0x4  }
0x6a: {  	[tilespmem:s30], [sflag:$0x2] =	stream.indirect_vreg.gather [hbm4b:s1+s3], $0x80, v4, vm0, $0xb8;
	[tilespmem:$0x1E000] =	vst v63  }
0x6b: {  	s25 =	simm.s32 $0x6800;
	v3 =	vperm.xlane v3, v2  }
0x6c: {  	[tilespmem:s25], [sflag:$0x2] =	stream.indirect_vreg.gather [hbm4b:s5+s3], $0x80, v4, vm0, $0xb8;
	[tilespmem:$0x1E000] =	vst v63  }
0x6d: {  	s26 =	simm.s32 $0x7000;
	v3 =	vadd.s32 v1, v3  }
0x6e: {  	[tilespmem:s26], [sflag:$0x2] =	stream.indirect_vreg.gather [hbm4b:s6+s3], $0x80, v4, vm0, $0xb8;
	[tilespmem:$0x1E000] =	vst v63  }
0x6f: {  	s28 =	simm.s32 $0x7800  }
0x70: {  	[tilespmem:s28], [sflag:$0x2] =	stream.indirect_vreg.gather [hbm4b:s8+s3], $0x80, v4, vm0, $0xb8;
	[tilespmem:$0x1E000] =	vst v63  }
0x71: {  	s4 =	simm.s32 $0x8000  }
0x72: {  	[tilespmem:s4], [sflag:$0x2] =	stream.indirect_vreg.gather [hbm4b:s1+s3], $0x80, v3, vm0, $0xb8;
	[tilespmem:$0x1E000] =	vst v63  }
0x73: {  	s9 =	simm.s32 $0x8800  }
0x74: {  	[tilespmem:s9], [sflag:$0x2] =	stream.indirect_vreg.gather [hbm4b:s5+s3], $0x80, v3, vm0, $0xb8;
	[tilespmem:$0x1E000] =	vst v63  }
0x75: {  	s10 =	simm.s32 $0x9000  }
0x76: {  	[tilespmem:s10], [sflag:$0x2] =	stream.indirect_vreg.gather [hbm4b:s6+s3], $0x80, v3, vm0, $0xb8;
	[tilespmem:$0x1E000] =	vst v63  }
0x77: {  	s12 =	simm.s32 $0x9800  }
0x78: {  	[tilespmem:s12], [sflag:$0x2] =	stream.indirect_vreg.gather [hbm4b:s8+s3], $0x80, v3, vm0, $0xb8;
	[tilespmem:$0x1E000] =	vst v63  }
0x79: {  	v3 =	vld [tilespmem:$0x100];
	_ =	sdelay $0x4  }
0x7a: {  	v63 =	vshll.u32 v3, $0x3  }
0x7b: {  	v3 =	vand.u32 $0x7, v3;
	v4 =	vand.u32 $0xFFFFFFC0, v63  }
0x7c: {  	v3 =	vor.u32 v3, v4  }
0x7d: {  	v4 =	vperm.xlane v3, v0;
	_ =	sdelay $0x1  }
0x7e: {  	v4 =	vadd.s32 v1, v4;
	_ =	sdelay $0x3  }
0x7f: {  	s13 =	simm.s32 $0xA000  }
0x80: {  	[tilespmem:s13], [sflag:$0x3] =	stream.indirect_vreg.gather [hbm4b:s1+s3], $0x80, v4, vm0, $0xb8;
	[tilespmem:$0x1E000] =	vst v63  }
0x81: {  	s14 =	simm.s32 $0xA800;
	v3 =	vperm.xlane v3, v2  }
0x82: {  	[tilespmem:s14], [sflag:$0x3] =	stream.indirect_vreg.gather [hbm4b:s5+s3], $0x80, v4, vm0, $0xb8;
	[tilespmem:$0x1E000] =	vst v63  }
0x83: {  	s15 =	simm.s32 $0xB000;
	v3 =	vadd.s32 v1, v3  }
0x84: {  	[tilespmem:s15], [sflag:$0x3] =	stream.indirect_vreg.gather [hbm4b:s6+s3], $0x80, v4, vm0, $0xb8;
	[tilespmem:$0x1E000] =	vst v63  }
0x85: {  	s18 =	simm.s32 $0xB800  }
0x86: {  	[tilespmem:s18], [sflag:$0x3] =	stream.indirect_vreg.gather [hbm4b:s8+s3], $0x80, v4, vm0, $0xb8;
	[tilespmem:$0x1E000] =	vst v63  }
0x87: {  	s23 =	simm.s32 $0xC000  }
0x88: {  	[tilespmem:s23], [sflag:$0x3] =	stream.indirect_vreg.gather [hbm4b:s1+s3], $0x80, v3, vm0, $0xb8;
	[tilespmem:$0x1E000] =	vst v63  }
0x89: {  	s24 =	simm.s32 $0xC800  }
0x8a: {  	[tilespmem:s24], [sflag:$0x3] =	stream.indirect_vreg.gather [hbm4b:s5+s3], $0x80, v3, vm0, $0xb8;
	[tilespmem:$0x1E000] =	vst v63  }
0x8b: {  	s25 =	simm.s32 $0xD000  }
0x8c: {  	[tilespmem:s25], [sflag:$0x3] =	stream.indirect_vreg.gather [hbm4b:s6+s3], $0x80, v3, vm0, $0xb8;
	[tilespmem:$0x1E000] =	vst v63  }
0x8d: {  	s26 =	simm.s32 $0xD800  }
0x8e: {  	[tilespmem:s26], [sflag:$0x3] =	stream.indirect_vreg.gather [hbm4b:s8+s3], $0x80, v3, vm0, $0xb8;
	[tilespmem:$0x1E000] =	vst v63  }
0x8f: {  	_ =	swait.ge [sflag:s17], $0x4000  }
0x90: {  	[sflag:s17] =	ssyncset.done $0x0  }
0x91: {  	[sflag:s17] =	ssyncadd.s32 $0xFFFFC000  }
0x92: {  	v3 =	vld [tilespmem:$0x0];
	_ =	sdelay $0x4  }
0x93: {  	v3 =	vxor.u32 $0x80000000, v3  }
0x94: {  	(xrf0) =	vmin.scan.msk.u32 $0xffff, v3;
	_ =	sdelay $0x5  }
0x95: {  	v3, _, _ =	vpop (xrf0)  }
0x96: {  	(v2sf) =	vpush v3, $0xF;
	_ =	sdelay $0xe  }
0x97: {  	s28 =	spop (v2sf)  }
0x98: {  	p0 =	sgt.u32 s28, $0x80000000  }
.Ltmp2:
0x99: {  	_ = 	snop;
	(pc) =	sbr.rel @p0 .LBB2_5-.Ltmp2, $2  }
0x9a: {  	_ =	sdelay $0x2  }
0x9b: {  	s2 =	simm.s32 $0x0  }
.LBB2_2:
0x9c: {  	v3 =	vmov s2;
	_ =	sdelay $0x2  }
0x9d: {  	s4 =	sshll.u32 s2, $0xA;
	s9 =	sshll.u32 s2, $0x7  }
0x9e: {  	s10 =	simm.s32 $0x0;
	s4 =	sand.u32 $0x2000, s4;
	s9 =	sand.u32 $0x380, s9  }
0x9f: {  	s4 =	sor.u32 s9, s4;
	v3 =	vld.idx.msk [tilespmem:v3+s10+$0x0], $0xffff  }
0xa0: {  	s28 =	sand.u32 $0x1C00, s10;
	s9 =	sadd.s32 $0x2000, s4  }
0xa1: {  	s4 =	sadd.s32 s28, s9;
	s10 =	sand.u32 $0x70, s10  }
0xa2: {  	s4 =	sadd.s32 s10, s4  }
0xa3: {  	v4 =	vld [tilespmem:s4+$0x0]  }
0xa4: {  	vm1 =	vlt.s32 v3, $0x1  }
0xa5: {  	v3 =	vnsel vm1, $0x1, v3  }
0xa6: {  	v3 =	vcvt.s32.f32 v3  }
0xa7: {  	s10 =	simm.s32 $0x80  }
0xa8: {  	s13 =	simm.s32 $0x10;
	s12 =	simm.s32 $0x20;
	s14 =	sand.u32 $0x1C00, s10;
	v4 =	vmul.f32 v3, v4  }
.LBB2_3:
0xa9: {  	p0 =	sne.s32 s12, $0x3F0;
	s13 =	sand.u32 $0x70, s13;
	s14 =	sadd.s32 s14, s9  }
0xaa: {  	[tilespmem:s4+$0x0] =	vst v4;
	s4 =	sadd.s32 s13, s14;
	s13 =	smov.u32 s12  }
0xab: {  	v4 =	vld [tilespmem:s4+$0x0]  }
.Ltmp3:
0xac: {  	(pc) =	sbr.rel @p0 .LBB2_3-.Ltmp3, $3  }
0xad: {  	_ =	sdelay $0x1  }
0xae: {  	s10 =	sadd.s32 $0x80, s10  }
0xaf: {  	s14 =	sand.u32 $0x1C00, s10;
	s12 =	sadd.s32 $0x10, s12;
	v4 =	vmul.f32 v3, v4  }
0xb0: {  	s10 =	sand.u32 $0x70, s13;
	s9 =	sadd.s32 s14, s9  }
0xb1: {  	s9 =	sadd.s32 s10, s9;
	[tilespmem:s4+$0x0] =	vst v4  }
0xb2: {  	v4 =	vld [tilespmem:s9+$0x0]  }
0xb3: {  	s2 =	sadd.s32 $0x1, s2  }
0xb4: {  	p0 =	sne.s32 s2, $0x10  }
.Ltmp4:
0xb5: {  	_ = 	snop;
	(pc) =	sbr.rel @p0 .LBB2_2-.Ltmp4, $3  }
0xb6: {  	_ = 	snop  }
0xb7: {  	v3 =	vmul.f32 v3, v4;
	_ =	sdelay $0x1  }
0xb8: {  	[tilespmem:s9+$0x0] =	vst v3  }
.LBB2_5:
0xb9: {  	s2 =	simm.s32 $0x0  }
0xba: {  	[hbm4b:s7+s2] =	stream.linear.scatter [tilespmem:s19], [sflag:$0x8], $0x4000, $0x38;
	[tilespmem:$0x1E000] =	vst v63  }
0xbb: {  	v3 =	vld [tilespmem:$0x180];
	_ =	sdelay $0x4  }
0xbc: {  	v4 =	vshll.u32 v3, $0x3  }
0xbd: {  	v3 =	vand.u32 $0x7, v3;
	v4 =	vand.u32 $0xFFFFFFC0, v4  }
0xbe: {  	v3 =	vor.u32 v3, v4  }
0xbf: {  	v4 =	vperm.xlane v3, v0;
	_ =	sdelay $0x1  }
0xc0: {  	v4 =	vadd.s32 v1, v4;
	_ =	sdelay $0x3  }
0xc1: {  	s4 =	simm.s32 $0xE000  }
0xc2: {  	[tilespmem:s4], [sflag:$0x4] =	stream.indirect_vreg.gather [hbm4b:s1+s2], $0x80, v4, vm0, $0xb8;
	[tilespmem:$0x1E000] =	vst v63  }
0xc3: {  	s14 =	simm.s32 $0xE800;
	v3 =	vperm.xlane v3, v2  }
0xc4: {  	[tilespmem:s14], [sflag:$0x4] =	stream.indirect_vreg.gather [hbm4b:s5+s2], $0x80, v4, vm0, $0xb8;
	[tilespmem:$0x1E000] =	vst v63  }
0xc5: {  	s15 =	simm.s32 $0xF000;
	v3 =	vadd.s32 v1, v3  }
0xc6: {  	[tilespmem:s15], [sflag:$0x4] =	stream.indirect_vreg.gather [hbm4b:s6+s2], $0x80, v4, vm0, $0xb8;
	[tilespmem:$0x1E000] =	vst v63  }
0xc7: {  	s18 =	simm.s32 $0xF800  }
0xc8: {  	[tilespmem:s18], [sflag:$0x4] =	stream.indirect_vreg.gather [hbm4b:s8+s2], $0x80, v4, vm0, $0xb8;
	[tilespmem:$0x1E000] =	vst v63  }
0xc9: {  	s23 =	simm.s32 $0x10000  }
0xca: {  	[tilespmem:s23], [sflag:$0x4] =	stream.indirect_vreg.gather [hbm4b:s1+s2], $0x80, v3, vm0, $0xb8;
	[tilespmem:$0x1E000] =	vst v63  }
0xcb: {  	s24 =	simm.s32 $0x10800  }
0xcc: {  	[tilespmem:s24], [sflag:$0x4] =	stream.indirect_vreg.gather [hbm4b:s5+s2], $0x80, v3, vm0, $0xb8;
	[tilespmem:$0x1E000] =	vst v63  }
0xcd: {  	s25 =	simm.s32 $0x11000  }
0xce: {  	[tilespmem:s25], [sflag:$0x4] =	stream.indirect_vreg.gather [hbm4b:s6+s2], $0x80, v3, vm0, $0xb8;
	[tilespmem:$0x1E000] =	vst v63  }
0xcf: {  	s26 =	simm.s32 $0x11800  }
0xd0: {  	[tilespmem:s26], [sflag:$0x4] =	stream.indirect_vreg.gather [hbm4b:s8+s2], $0x80, v3, vm0, $0xb8;
	[tilespmem:$0x1E000] =	vst v63  }
0xd1: {  	_ =	swait.ge [sflag:s29], $0x4000  }
0xd2: {  	[sflag:s29] =	ssyncset.done $0x0  }
0xd3: {  	[sflag:s29] =	ssyncadd.s32 $0xFFFFC000  }
0xd4: {  	v3 =	vld [tilespmem:$0x80];
	_ =	sdelay $0x4  }
0xd5: {  	v3 =	vxor.u32 $0x80000000, v3  }
0xd6: {  	(xrf0) =	vmin.scan.msk.u32 $0xffff, v3;
	_ =	sdelay $0x5  }
0xd7: {  	v3, _, _ =	vpop (xrf0)  }
0xd8: {  	(v2sf) =	vpush v3, $0xF;
	_ =	sdelay $0xe  }
0xd9: {  	s28 =	spop (v2sf)  }
0xda: {  	p0 =	sgt.u32 s28, $0x80000000  }
.Ltmp5:
0xdb: {  	_ = 	snop;
	(pc) =	sbr.rel @p0 .LBB2_9-.Ltmp5, $2  }
0xdc: {  	_ =	sdelay $0x2  }
0xdd: {  	s9 =	simm.s32 $0x0  }
.LBB2_6:
0xde: {  	v3 =	vmov s9  }
0xdf: {  	v3 =	vand.u32 $0x7F, v3  }
0xe0: {  	v3 =	vor.u32 $0x80, v3  }
0xe1: {  	v3 =	vbroadcast v3, $0x0;
	_ =	sdelay $0x3  }
0xe2: {  	s4 =	sshll.u32 s9, $0xA;
	s10 =	sshll.u32 s9, $0x7  }
0xe3: {  	s4 =	sand.u32 $0x2000, s4;
	s10 =	sand.u32 $0x380, s10  }
0xe4: {  	s4 =	sor.u32 s10, s4;
	v3 =	vld.idx.msk [tilespmem:v3+s2+$0x0], $0xffff  }
0xe5: {  	s26 =	sand.u32 $0x1C00, s2;
	s18 =	sadd.s32 $0x6000, s4  }
0xe6: {  	s28 =	sand.u32 $0x70, s2;
	s4 =	sadd.s32 s26, s18  }
0xe7: {  	s4 =	sadd.s32 s28, s4  }
0xe8: {  	v4 =	vld [tilespmem:s4+$0x0]  }
0xe9: {  	vm1 =	vlt.s32 v3, $0x1  }
0xea: {  	v3 =	vnsel vm1, $0x1, v3  }
0xeb: {  	v3 =	vcvt.s32.f32 v3  }
0xec: {  	s10 =	simm.s32 $0x80  }
0xed: {  	s13 =	simm.s32 $0x10;
	s12 =	simm.s32 $0x20;
	s14 =	sand.u32 $0x1C00, s10;
	v4 =	vmul.f32 v3, v4  }
.LBB2_7:
0xee: {  	p0 =	sne.s32 s12, $0x3F0;
	s13 =	sand.u32 $0x70, s13;
	s14 =	sadd.s32 s14, s18  }
0xef: {  	[tilespmem:s4+$0x0] =	vst v4;
	s4 =	sadd.s32 s13, s14;
	s13 =	smov.u32 s12  }
0xf0: {  	v4 =	vld [tilespmem:s4+$0x0]  }
.Ltmp6:
0xf1: {  	(pc) =	sbr.rel @p0 .LBB2_7-.Ltmp6, $3  }
0xf2: {  	_ =	sdelay $0x1  }
0xf3: {  	s10 =	sadd.s32 $0x80, s10  }
0xf4: {  	s14 =	sand.u32 $0x1C00, s10;
	s12 =	sadd.s32 $0x10, s12;
	v4 =	vmul.f32 v3, v4  }
0xf5: {  	s10 =	sand.u32 $0x70, s13;
	s12 =	sadd.s32 s14, s18  }
0xf6: {  	s10 =	sadd.s32 s10, s12;
	[tilespmem:s4+$0x0] =	vst v4  }
0xf7: {  	v4 =	vld [tilespmem:s10+$0x0]  }
0xf8: {  	s9 =	sadd.s32 $0x1, s9  }
0xf9: {  	p0 =	sne.s32 s9, $0x10  }
.Ltmp7:
0xfa: {  	_ = 	snop;
	(pc) =	sbr.rel @p0 .LBB2_6-.Ltmp7, $3  }
0xfb: {  	_ = 	snop  }
0xfc: {  	v3 =	vmul.f32 v3, v4;
	_ =	sdelay $0x1  }
0xfd: {  	[tilespmem:s10+$0x0] =	vst v3  }
.LBB2_9:
0xfe: {  	s2 =	simm.s32 $0x0;
	s4 =	rddreg [dreg:$0x5]  }
0xff: {  	[hbm4b:s4+s2] =	stream.linear.scatter [tilespmem:s30], [sflag:$0x9], $0x4000, $0x38;
	[tilespmem:$0x1E000] =	vst v63  }
0x100: {  	v3 =	vld [tilespmem:$0x200];
	_ =	sdelay $0x4  }
0x101: {  	v4 =	vshll.u32 v3, $0x3  }
0x102: {  	v3 =	vand.u32 $0x7, v3;
	v4 =	vand.u32 $0xFFFFFFC0, v4  }
0x103: {  	v3 =	vor.u32 v3, v4  }
0x104: {  	v4 =	vperm.xlane v3, v0;
	_ =	sdelay $0x1  }
0x105: {  	v4 =	vadd.s32 v1, v4;
	_ =	sdelay $0x3  }
0x106: {  	s13 =	simm.s32 $0x12000  }
0x107: {  	[tilespmem:s13], [sflag:$0x5] =	stream.indirect_vreg.gather [hbm4b:s1+s2], $0x80, v4, vm0, $0xb8;
	[tilespmem:$0x1E000] =	vst v63  }
0x108: {  	s14 =	simm.s32 $0x12800;
	v3 =	vperm.xlane v3, v2  }
0x109: {  	[tilespmem:s14], [sflag:$0x5] =	stream.indirect_vreg.gather [hbm4b:s5+s2], $0x80, v4, vm0, $0xb8;
	[tilespmem:$0x1E000] =	vst v63  }
0x10a: {  	s15 =	simm.s32 $0x13000;
	v3 =	vadd.s32 v1, v3  }
0x10b: {  	[tilespmem:s15], [sflag:$0x5] =	stream.indirect_vreg.gather [hbm4b:s6+s2], $0x80, v4, vm0, $0xb8;
	[tilespmem:$0x1E000] =	vst v63  }
0x10c: {  	s18 =	simm.s32 $0x13800  }
0x10d: {  	[tilespmem:s18], [sflag:$0x5] =	stream.indirect_vreg.gather [hbm4b:s8+s2], $0x80, v4, vm0, $0xb8;
	[tilespmem:$0x1E000] =	vst v63  }
0x10e: {  	s23 =	simm.s32 $0x14000  }
0x10f: {  	[tilespmem:s23], [sflag:$0x5] =	stream.indirect_vreg.gather [hbm4b:s1+s2], $0x80, v3, vm0, $0xb8;
	[tilespmem:$0x1E000] =	vst v63  }
0x110: {  	s24 =	simm.s32 $0x14800  }
0x111: {  	[tilespmem:s24], [sflag:$0x5] =	stream.indirect_vreg.gather [hbm4b:s5+s2], $0x80, v3, vm0, $0xb8;
	[tilespmem:$0x1E000] =	vst v63  }
0x112: {  	s25 =	simm.s32 $0x15000  }
0x113: {  	[tilespmem:s25], [sflag:$0x5] =	stream.indirect_vreg.gather [hbm4b:s6+s2], $0x80, v3, vm0, $0xb8;
	[tilespmem:$0x1E000] =	vst v63  }
0x114: {  	s26 =	simm.s32 $0x15800  }
0x115: {  	[tilespmem:s26], [sflag:$0x5] =	stream.indirect_vreg.gather [hbm4b:s8+s2], $0x80, v3, vm0, $0xb8;
	[tilespmem:$0x1E000] =	vst v63  }
0x116: {  	_ =	swait.ge [sflag:s31], $0x4000  }
0x117: {  	[sflag:s31] =	ssyncset.done $0x0  }
0x118: {  	[sflag:s31] =	ssyncadd.s32 $0xFFFFC000  }
0x119: {  	v3 =	vld [tilespmem:$0x100];
	_ =	sdelay $0x4  }
0x11a: {  	v3 =	vxor.u32 $0x80000000, v3  }
0x11b: {  	(xrf0) =	vmin.scan.msk.u32 $0xffff, v3;
	_ =	sdelay $0x5  }
0x11c: {  	v3, _, _ =	vpop (xrf0)  }
0x11d: {  	(v2sf) =	vpush v3, $0xF;
	_ =	sdelay $0xe  }
0x11e: {  	s28 =	spop (v2sf)  }
0x11f: {  	p0 =	sgt.u32 s28, $0x80000000  }
.Ltmp8:
0x120: {  	_ = 	snop;
	(pc) =	sbr.rel @p0 .LBB2_13-.Ltmp8, $2  }
0x121: {  	_ =	sdelay $0x2  }
0x122: {  	s9 =	simm.s32 $0x0  }
.LBB2_10:
0x123: {  	v3 =	vmov s9  }
0x124: {  	v3 =	vand.u32 $0x7F, v3  }
0x125: {  	v3 =	vor.u32 $0x100, v3  }
0x126: {  	v3 =	vbroadcast v3, $0x0;
	_ =	sdelay $0x3  }
0x127: {  	s4 =	sshll.u32 s9, $0xA;
	s10 =	sshll.u32 s9, $0x7  }
0x128: {  	s4 =	sand.u32 $0x2000, s4;
	s10 =	sand.u32 $0x380, s10  }
0x129: {  	s4 =	sor.u32 s10, s4;
	v3 =	vld.idx.msk [tilespmem:v3+s2+$0x0], $0xffff  }
0x12a: {  	s26 =	sand.u32 $0x1C00, s2;
	s18 =	sadd.s32 $0xA000, s4  }
0x12b: {  	s28 =	sand.u32 $0x70, s2;
	s4 =	sadd.s32 s26, s18  }
0x12c: {  	s4 =	sadd.s32 s28, s4  }
0x12d: {  	v4 =	vld [tilespmem:s4+$0x0]  }
0x12e: {  	vm1 =	vlt.s32 v3, $0x1  }
0x12f: {  	v3 =	vnsel vm1, $0x1, v3  }
0x130: {  	v3 =	vcvt.s32.f32 v3  }
0x131: {  	s10 =	simm.s32 $0x80  }
0x132: {  	s13 =	simm.s32 $0x10;
	s12 =	simm.s32 $0x20;
	s14 =	sand.u32 $0x1C00, s10;
	v4 =	vmul.f32 v3, v4  }
.LBB2_11:
0x133: {  	p0 =	sne.s32 s12, $0x3F0;
	s13 =	sand.u32 $0x70, s13;
	s14 =	sadd.s32 s14, s18  }
0x134: {  	[tilespmem:s4+$0x0] =	vst v4;
	s4 =	sadd.s32 s13, s14;
	s13 =	smov.u32 s12  }
0x135: {  	v4 =	vld [tilespmem:s4+$0x0]  }
.Ltmp9:
0x136: {  	(pc) =	sbr.rel @p0 .LBB2_11-.Ltmp9, $3  }
0x137: {  	_ =	sdelay $0x1  }
0x138: {  	s10 =	sadd.s32 $0x80, s10  }
0x139: {  	s14 =	sand.u32 $0x1C00, s10;
	s12 =	sadd.s32 $0x10, s12;
	v4 =	vmul.f32 v3, v4  }
0x13a: {  	s10 =	sand.u32 $0x70, s13;
	s12 =	sadd.s32 s14, s18  }
0x13b: {  	s10 =	sadd.s32 s10, s12;
	[tilespmem:s4+$0x0] =	vst v4  }
0x13c: {  	v4 =	vld [tilespmem:s10+$0x0]  }
0x13d: {  	s9 =	sadd.s32 $0x1, s9  }
0x13e: {  	p0 =	sne.s32 s9, $0x10  }
.Ltmp10:
0x13f: {  	_ = 	snop;
	(pc) =	sbr.rel @p0 .LBB2_10-.Ltmp10, $3  }
0x140: {  	_ = 	snop  }
0x141: {  	v3 =	vmul.f32 v3, v4;
	_ =	sdelay $0x1  }
0x142: {  	[tilespmem:s10+$0x0] =	vst v3  }
.LBB2_13:
0x143: {  	s2 =	simm.s32 $0x0;
	s4 =	rddreg [dreg:$0x6];
	s9 =	simm.s32 $0xA000  }
0x144: {  	[hbm4b:s4+s2] =	stream.linear.scatter [tilespmem:s9], [sflag:$0xA], $0x4000, $0x38;
	[tilespmem:$0x1E000] =	vst v63  }
0x145: {  	v3 =	vld [tilespmem:$0x280];
	_ =	sdelay $0x4  }
0x146: {  	v4 =	vshll.u32 v3, $0x3  }
0x147: {  	v3 =	vand.u32 $0x7, v3;
	v4 =	vand.u32 $0xFFFFFFC0, v4  }
0x148: {  	v3 =	vor.u32 v3, v4  }
0x149: {  	v4 =	vperm.xlane v3, v0;
	_ =	sdelay $0x1  }
0x14a: {  	v4 =	vadd.s32 v1, v4;
	_ =	sdelay $0x3  }
0x14b: {  	s13 =	simm.s32 $0x16000  }
0x14c: {  	[tilespmem:s13], [sflag:$0x6] =	stream.indirect_vreg.gather [hbm4b:s1+s2], $0x80, v4, vm0, $0xb8;
	[tilespmem:$0x1E000] =	vst v63  }
0x14d: {  	s14 =	simm.s32 $0x16800;
	v3 =	vperm.xlane v3, v2  }
0x14e: {  	[tilespmem:s14], [sflag:$0x6] =	stream.indirect_vreg.gather [hbm4b:s5+s2], $0x80, v4, vm0, $0xb8;
	[tilespmem:$0x1E000] =	vst v63  }
0x14f: {  	s15 =	simm.s32 $0x17000;
	v3 =	vadd.s32 v1, v3  }
0x150: {  	[tilespmem:s15], [sflag:$0x6] =	stream.indirect_vreg.gather [hbm4b:s6+s2], $0x80, v4, vm0, $0xb8;
	[tilespmem:$0x1E000] =	vst v63  }
0x151: {  	s18 =	simm.s32 $0x17800  }
0x152: {  	[tilespmem:s18], [sflag:$0x6] =	stream.indirect_vreg.gather [hbm4b:s8+s2], $0x80, v4, vm0, $0xb8;
	[tilespmem:$0x1E000] =	vst v63  }
0x153: {  	s23 =	simm.s32 $0x18000  }
0x154: {  	[tilespmem:s23], [sflag:$0x6] =	stream.indirect_vreg.gather [hbm4b:s1+s2], $0x80, v3, vm0, $0xb8;
	[tilespmem:$0x1E000] =	vst v63  }
0x155: {  	s24 =	simm.s32 $0x18800  }
0x156: {  	[tilespmem:s24], [sflag:$0x6] =	stream.indirect_vreg.gather [hbm4b:s5+s2], $0x80, v3, vm0, $0xb8;
	[tilespmem:$0x1E000] =	vst v63  }
0x157: {  	s25 =	simm.s32 $0x19000  }
0x158: {  	[tilespmem:s25], [sflag:$0x6] =	stream.indirect_vreg.gather [hbm4b:s6+s2], $0x80, v3, vm0, $0xb8;
	[tilespmem:$0x1E000] =	vst v63  }
0x159: {  	s26 =	simm.s32 $0x19800  }
0x15a: {  	[tilespmem:s26], [sflag:$0x6] =	stream.indirect_vreg.gather [hbm4b:s8+s2], $0x80, v3, vm0, $0xb8;
	[tilespmem:$0x1E000] =	vst v63  }
0x15b: {  	_ =	swait.ge [sflag:s0], $0x4000  }
0x15c: {  	[sflag:s0] =	ssyncset.done $0x0  }
0x15d: {  	[sflag:s0] =	ssyncadd.s32 $0xFFFFC000  }
0x15e: {  	v3 =	vld [tilespmem:$0x180];
	_ =	sdelay $0x4  }
0x15f: {  	v3 =	vxor.u32 $0x80000000, v3  }
0x160: {  	(xrf0) =	vmin.scan.msk.u32 $0xffff, v3;
	_ =	sdelay $0x5  }
0x161: {  	v3, _, _ =	vpop (xrf0)  }
0x162: {  	(v2sf) =	vpush v3, $0xF;
	_ =	sdelay $0xe  }
0x163: {  	s28 =	spop (v2sf)  }
0x164: {  	p0 =	sgt.u32 s28, $0x80000000  }
.Ltmp11:
0x165: {  	_ = 	snop;
	(pc) =	sbr.rel @p0 .LBB2_17-.Ltmp11, $2  }
0x166: {  	_ =	sdelay $0x2  }
0x167: {  	s9 =	simm.s32 $0x0  }
.LBB2_14:
0x168: {  	v3 =	vmov s9  }
0x169: {  	v3 =	vand.u32 $0x7F, v3  }
0x16a: {  	v3 =	vor.u32 $0x180, v3  }
0x16b: {  	v3 =	vbroadcast v3, $0x0;
	_ =	sdelay $0x3  }
0x16c: {  	s4 =	sshll.u32 s9, $0xA;
	s10 =	sshll.u32 s9, $0x7  }
0x16d: {  	s4 =	sand.u32 $0x2000, s4;
	s10 =	sand.u32 $0x380, s10  }
0x16e: {  	s4 =	sor.u32 s10, s4;
	v3 =	vld.idx.msk [tilespmem:v3+s2+$0x0], $0xffff  }
0x16f: {  	s26 =	sand.u32 $0x1C00, s2;
	s18 =	sadd.s32 $0xE000, s4  }
0x170: {  	s28 =	sand.u32 $0x70, s2;
	s4 =	sadd.s32 s26, s18  }
0x171: {  	s4 =	sadd.s32 s28, s4  }
0x172: {  	v4 =	vld [tilespmem:s4+$0x0]  }
0x173: {  	vm1 =	vlt.s32 v3, $0x1  }
0x174: {  	v3 =	vnsel vm1, $0x1, v3  }
0x175: {  	v3 =	vcvt.s32.f32 v3  }
0x176: {  	s10 =	simm.s32 $0x80  }
0x177: {  	s13 =	simm.s32 $0x10;
	s12 =	simm.s32 $0x20;
	s14 =	sand.u32 $0x1C00, s10;
	v4 =	vmul.f32 v3, v4  }
.LBB2_15:
0x178: {  	p0 =	sne.s32 s12, $0x3F0;
	s13 =	sand.u32 $0x70, s13;
	s14 =	sadd.s32 s14, s18  }
0x179: {  	[tilespmem:s4+$0x0] =	vst v4;
	s4 =	sadd.s32 s13, s14;
	s13 =	smov.u32 s12  }
0x17a: {  	v4 =	vld [tilespmem:s4+$0x0]  }
.Ltmp12:
0x17b: {  	(pc) =	sbr.rel @p0 .LBB2_15-.Ltmp12, $3  }
0x17c: {  	_ =	sdelay $0x1  }
0x17d: {  	s10 =	sadd.s32 $0x80, s10  }
0x17e: {  	s14 =	sand.u32 $0x1C00, s10;
	s12 =	sadd.s32 $0x10, s12;
	v4 =	vmul.f32 v3, v4  }
0x17f: {  	s10 =	sand.u32 $0x70, s13;
	s12 =	sadd.s32 s14, s18  }
0x180: {  	s10 =	sadd.s32 s10, s12;
	[tilespmem:s4+$0x0] =	vst v4  }
0x181: {  	v4 =	vld [tilespmem:s10+$0x0]  }
0x182: {  	s9 =	sadd.s32 $0x1, s9  }
0x183: {  	p0 =	sne.s32 s9, $0x10  }
.Ltmp13:
0x184: {  	_ = 	snop;
	(pc) =	sbr.rel @p0 .LBB2_14-.Ltmp13, $3  }
0x185: {  	_ = 	snop  }
0x186: {  	v3 =	vmul.f32 v3, v4;
	_ =	sdelay $0x1  }
0x187: {  	[tilespmem:s10+$0x0] =	vst v3  }
.LBB2_17:
0x188: {  	s2 =	simm.s32 $0x0;
	s4 =	rddreg [dreg:$0x7];
	s9 =	simm.s32 $0xE000  }
0x189: {  	[hbm4b:s4+s2] =	stream.linear.scatter [tilespmem:s9], [sflag:$0xB], $0x4000, $0x38;
	[tilespmem:$0x1E000] =	vst v63  }
0x18a: {  	v3 =	vld [tilespmem:$0x300];
	_ =	sdelay $0x4  }
0x18b: {  	v4 =	vshll.u32 v3, $0x3  }
0x18c: {  	v3 =	vand.u32 $0x7, v3;
	v4 =	vand.u32 $0xFFFFFFC0, v4  }
0x18d: {  	v3 =	vor.u32 v3, v4  }
0x18e: {  	v4 =	vperm.xlane v3, v0;
	_ =	sdelay $0x1  }
0x18f: {  	v4 =	vadd.s32 v1, v4;
	_ =	sdelay $0x3  }
0x190: {  	s12 =	simm.s32 $0x1A000  }
0x191: {  	[tilespmem:s12], [sflag:$0x7] =	stream.indirect_vreg.gather [hbm4b:s1+s2], $0x80, v4, vm0, $0xb8;
	[tilespmem:$0x1E000] =	vst v63  }
0x192: {  	s13 =	simm.s32 $0x1A800;
	v3 =	vperm.xlane v3, v2  }
0x193: {  	[tilespmem:s13], [sflag:$0x7] =	stream.indirect_vreg.gather [hbm4b:s5+s2], $0x80, v4, vm0, $0xb8;
	[tilespmem:$0x1E000] =	vst v63  }
0x194: {  	s14 =	simm.s32 $0x1B000;
	v3 =	vadd.s32 v1, v3  }
0x195: {  	[tilespmem:s14], [sflag:$0x7] =	stream.indirect_vreg.gather [hbm4b:s6+s2], $0x80, v4, vm0, $0xb8;
	[tilespmem:$0x1E000] =	vst v63  }
0x196: {  	s15 =	simm.s32 $0x1B800  }
0x197: {  	[tilespmem:s15], [sflag:$0x7] =	stream.indirect_vreg.gather [hbm4b:s8+s2], $0x80, v4, vm0, $0xb8;
	[tilespmem:$0x1E000] =	vst v63  }
0x198: {  	s18 =	simm.s32 $0x1C000  }
0x199: {  	[tilespmem:s18], [sflag:$0x7] =	stream.indirect_vreg.gather [hbm4b:s1+s2], $0x80, v3, vm0, $0xb8;
	[tilespmem:$0x1E000] =	vst v63  }
0x19a: {  	s23 =	simm.s32 $0x1C800  }
0x19b: {  	[tilespmem:s23], [sflag:$0x7] =	stream.indirect_vreg.gather [hbm4b:s5+s2], $0x80, v3, vm0, $0xb8;
	[tilespmem:$0x1E000] =	vst v63  }
0x19c: {  	s24 =	simm.s32 $0x1D000  }
0x19d: {  	[tilespmem:s24], [sflag:$0x7] =	stream.indirect_vreg.gather [hbm4b:s6+s2], $0x80, v3, vm0, $0xb8;
	[tilespmem:$0x1E000] =	vst v63  }
0x19e: {  	s25 =	simm.s32 $0x1D800;
	s26 =	simm.s32 $0x5  }
0x19f: {  	[tilespmem:s25], [sflag:$0x7] =	stream.indirect_vreg.gather [hbm4b:s8+s2], $0x80, v3, vm0, $0xb8;
	[tilespmem:$0x1E000] =	vst v63  }
0x1a0: {  	_ =	swait.ge [sflag:s26], $0x4000  }
0x1a1: {  	[sflag:s26] =	ssyncset.done $0x0  }
0x1a2: {  	[sflag:s26] =	ssyncadd.s32 $0xFFFFC000  }
0x1a3: {  	v3 =	vld [tilespmem:$0x200];
	_ =	sdelay $0x4  }
0x1a4: {  	v3 =	vxor.u32 $0x80000000, v3  }
0x1a5: {  	(xrf0) =	vmin.scan.msk.u32 $0xffff, v3;
	_ =	sdelay $0x5  }
0x1a6: {  	v3, _, _ =	vpop (xrf0)  }
0x1a7: {  	(v2sf) =	vpush v3, $0xF;
	_ =	sdelay $0xe  }
0x1a8: {  	s28 =	spop (v2sf)  }
0x1a9: {  	p0 =	sgt.u32 s28, $0x80000000  }
.Ltmp14:
0x1aa: {  	_ = 	snop;
	(pc) =	sbr.rel @p0 .LBB2_21-.Ltmp14, $2  }
0x1ab: {  	_ =	sdelay $0x2  }
0x1ac: {  	s9 =	simm.s32 $0x0  }
.LBB2_18:
0x1ad: {  	v3 =	vmov s9  }
0x1ae: {  	v3 =	vand.u32 $0x7F, v3  }
0x1af: {  	v3 =	vor.u32 $0x200, v3  }
0x1b0: {  	v3 =	vbroadcast v3, $0x0;
	_ =	sdelay $0x3  }
0x1b1: {  	s4 =	sshll.u32 s9, $0xA;
	s10 =	sshll.u32 s9, $0x7  }
0x1b2: {  	s4 =	sand.u32 $0x2000, s4;
	s10 =	sand.u32 $0x380, s10  }
0x1b3: {  	s4 =	sor.u32 s10, s4;
	v3 =	vld.idx.msk [tilespmem:v3+s2+$0x0], $0xffff  }
0x1b4: {  	s26 =	sand.u32 $0x1C00, s2;
	s18 =	sadd.s32 $0x12000, s4  }
0x1b5: {  	s28 =	sand.u32 $0x70, s2;
	s4 =	sadd.s32 s26, s18  }
0x1b6: {  	s4 =	sadd.s32 s28, s4  }
0x1b7: {  	v4 =	vld [tilespmem:s4+$0x0]  }
0x1b8: {  	vm1 =	vlt.s32 v3, $0x1  }
0x1b9: {  	v3 =	vnsel vm1, $0x1, v3  }
0x1ba: {  	v3 =	vcvt.s32.f32 v3  }
0x1bb: {  	s10 =	simm.s32 $0x80  }
0x1bc: {  	s13 =	simm.s32 $0x10;
	s12 =	simm.s32 $0x20;
	s14 =	sand.u32 $0x1C00, s10;
	v4 =	vmul.f32 v3, v4  }
.LBB2_19:
0x1bd: {  	p0 =	sne.s32 s12, $0x3F0;
	s13 =	sand.u32 $0x70, s13;
	s14 =	sadd.s32 s14, s18  }
0x1be: {  	[tilespmem:s4+$0x0] =	vst v4;
	s4 =	sadd.s32 s13, s14;
	s13 =	smov.u32 s12  }
0x1bf: {  	v4 =	vld [tilespmem:s4+$0x0]  }
.Ltmp15:
0x1c0: {  	(pc) =	sbr.rel @p0 .LBB2_19-.Ltmp15, $3  }
0x1c1: {  	_ =	sdelay $0x1  }
0x1c2: {  	s10 =	sadd.s32 $0x80, s10  }
0x1c3: {  	s14 =	sand.u32 $0x1C00, s10;
	s12 =	sadd.s32 $0x10, s12;
	v4 =	vmul.f32 v3, v4  }
0x1c4: {  	s10 =	sand.u32 $0x70, s13;
	s12 =	sadd.s32 s14, s18  }
0x1c5: {  	s10 =	sadd.s32 s10, s12;
	[tilespmem:s4+$0x0] =	vst v4  }
0x1c6: {  	v4 =	vld [tilespmem:s10+$0x0]  }
0x1c7: {  	s9 =	sadd.s32 $0x1, s9  }
0x1c8: {  	p0 =	sne.s32 s9, $0x10  }
.Ltmp16:
0x1c9: {  	_ = 	snop;
	(pc) =	sbr.rel @p0 .LBB2_18-.Ltmp16, $3  }
0x1ca: {  	_ = 	snop  }
0x1cb: {  	v3 =	vmul.f32 v3, v4;
	_ =	sdelay $0x1  }
0x1cc: {  	[tilespmem:s10+$0x0] =	vst v3  }
.LBB2_21:
0x1cd: {  	s2 =	simm.s32 $0x0;
	s4 =	rddreg [dreg:$0x8];
	s9 =	simm.s32 $0x12000  }
0x1ce: {  	[hbm4b:s4+s2] =	stream.linear.scatter [tilespmem:s9], [sflag:$0xC], $0x4000, $0x38;
	[tilespmem:$0x1E000] =	vst v63  }
0x1cf: {  	_ =	swait.ge [sflag:s11], $0x4000  }
0x1d0: {  	[sflag:s11] =	ssyncset.done $0x0  }
0x1d1: {  	[sflag:s11] =	ssyncadd.s32 $0xFFFFC000  }
0x1d2: {  	v3 =	vld [tilespmem:$0x380];
	_ =	sdelay $0x4  }
0x1d3: {  	v4 =	vshll.u32 v3, $0x3  }
0x1d4: {  	v3 =	vand.u32 $0x7, v3;
	v4 =	vand.u32 $0xFFFFFFC0, v4  }
0x1d5: {  	v3 =	vor.u32 v3, v4  }
0x1d6: {  	v4 =	vperm.xlane v3, v0;
	_ =	sdelay $0x1  }
0x1d7: {  	v4 =	vadd.s32 v1, v4;
	_ =	sdelay $0x4  }
0x1d8: {  	[tilespmem:s19], [sflag:$0x1] =	stream.indirect_vreg.gather [hbm4b:s1+s2], $0x80, v4, vm0, $0xb8;
	[tilespmem:$0x1E000] =	vst v63  }
0x1d9: {  	s13 =	simm.s32 $0x2800;
	v3 =	vperm.xlane v3, v2  }
0x1da: {  	[tilespmem:s13], [sflag:$0x1] =	stream.indirect_vreg.gather [hbm4b:s5+s2], $0x80, v4, vm0, $0xb8;
	[tilespmem:$0x1E000] =	vst v63  }
0x1db: {  	s14 =	simm.s32 $0x3000;
	v3 =	vadd.s32 v1, v3  }
0x1dc: {  	[tilespmem:s14], [sflag:$0x1] =	stream.indirect_vreg.gather [hbm4b:s6+s2], $0x80, v4, vm0, $0xb8;
	[tilespmem:$0x1E000] =	vst v63  }
0x1dd: {  	s15 =	simm.s32 $0x3800  }
0x1de: {  	[tilespmem:s15], [sflag:$0x1] =	stream.indirect_vreg.gather [hbm4b:s8+s2], $0x80, v4, vm0, $0xb8;
	[tilespmem:$0x1E000] =	vst v63  }
0x1df: {  	s18 =	simm.s32 $0x4000  }
0x1e0: {  	[tilespmem:s18], [sflag:$0x1] =	stream.indirect_vreg.gather [hbm4b:s1+s2], $0x80, v3, vm0, $0xb8;
	[tilespmem:$0x1E000] =	vst v63  }
0x1e1: {  	s23 =	simm.s32 $0x4800  }
0x1e2: {  	[tilespmem:s23], [sflag:$0x1] =	stream.indirect_vreg.gather [hbm4b:s5+s2], $0x80, v3, vm0, $0xb8;
	[tilespmem:$0x1E000] =	vst v63  }
0x1e3: {  	s24 =	simm.s32 $0x5000  }
0x1e4: {  	[tilespmem:s24], [sflag:$0x1] =	stream.indirect_vreg.gather [hbm4b:s6+s2], $0x80, v3, vm0, $0xb8;
	[tilespmem:$0x1E000] =	vst v63  }
0x1e5: {  	s25 =	simm.s32 $0x5800;
	s26 =	simm.s32 $0x6  }
0x1e6: {  	[tilespmem:s25], [sflag:$0x1] =	stream.indirect_vreg.gather [hbm4b:s8+s2], $0x80, v3, vm0, $0xb8;
	[tilespmem:$0x1E000] =	vst v63  }
0x1e7: {  	_ =	swait.ge [sflag:s26], $0x4000  }
0x1e8: {  	[sflag:s26] =	ssyncset.done $0x0  }
0x1e9: {  	[sflag:s26] =	ssyncadd.s32 $0xFFFFC000  }
0x1ea: {  	v3 =	vld [tilespmem:$0x280];
	_ =	sdelay $0x4  }
0x1eb: {  	v3 =	vxor.u32 $0x80000000, v3  }
0x1ec: {  	(xrf0) =	vmin.scan.msk.u32 $0xffff, v3;
	_ =	sdelay $0x5  }
0x1ed: {  	v3, _, _ =	vpop (xrf0)  }
0x1ee: {  	(v2sf) =	vpush v3, $0xF;
	_ =	sdelay $0xe  }
0x1ef: {  	s28 =	spop (v2sf)  }
0x1f0: {  	p0 =	sgt.u32 s28, $0x80000000  }
.Ltmp17:
0x1f1: {  	_ = 	snop;
	(pc) =	sbr.rel @p0 .LBB2_25-.Ltmp17, $2  }
0x1f2: {  	_ =	sdelay $0x2  }
0x1f3: {  	s9 =	simm.s32 $0x0  }
.LBB2_22:
0x1f4: {  	v3 =	vmov s9  }
0x1f5: {  	v3 =	vand.u32 $0x7F, v3  }
0x1f6: {  	v3 =	vor.u32 $0x280, v3  }
0x1f7: {  	v3 =	vbroadcast v3, $0x0;
	_ =	sdelay $0x3  }
0x1f8: {  	s4 =	sshll.u32 s9, $0xA;
	s10 =	sshll.u32 s9, $0x7  }
0x1f9: {  	s4 =	sand.u32 $0x2000, s4;
	s10 =	sand.u32 $0x380, s10  }
0x1fa: {  	s4 =	sor.u32 s10, s4;
	v3 =	vld.idx.msk [tilespmem:v3+s2+$0x0], $0xffff  }
0x1fb: {  	s26 =	sand.u32 $0x1C00, s2;
	s18 =	sadd.s32 $0x16000, s4  }
0x1fc: {  	s28 =	sand.u32 $0x70, s2;
	s4 =	sadd.s32 s26, s18  }
0x1fd: {  	s4 =	sadd.s32 s28, s4  }
0x1fe: {  	v4 =	vld [tilespmem:s4+$0x0]  }
0x1ff: {  	vm1 =	vlt.s32 v3, $0x1  }
0x200: {  	v3 =	vnsel vm1, $0x1, v3  }
0x201: {  	v3 =	vcvt.s32.f32 v3  }
0x202: {  	s10 =	simm.s32 $0x80  }
0x203: {  	s13 =	simm.s32 $0x10;
	s12 =	simm.s32 $0x20;
	s14 =	sand.u32 $0x1C00, s10;
	v4 =	vmul.f32 v3, v4  }
.LBB2_23:
0x204: {  	p0 =	sne.s32 s12, $0x3F0;
	s13 =	sand.u32 $0x70, s13;
	s14 =	sadd.s32 s14, s18  }
0x205: {  	[tilespmem:s4+$0x0] =	vst v4;
	s4 =	sadd.s32 s13, s14;
	s13 =	smov.u32 s12  }
0x206: {  	v4 =	vld [tilespmem:s4+$0x0]  }
.Ltmp18:
0x207: {  	(pc) =	sbr.rel @p0 .LBB2_23-.Ltmp18, $3  }
0x208: {  	_ =	sdelay $0x1  }
0x209: {  	s10 =	sadd.s32 $0x80, s10  }
0x20a: {  	s14 =	sand.u32 $0x1C00, s10;
	s12 =	sadd.s32 $0x10, s12;
	v4 =	vmul.f32 v3, v4  }
0x20b: {  	s10 =	sand.u32 $0x70, s13;
	s12 =	sadd.s32 s14, s18  }
0x20c: {  	s10 =	sadd.s32 s10, s12;
	[tilespmem:s4+$0x0] =	vst v4  }
0x20d: {  	v4 =	vld [tilespmem:s10+$0x0]  }
0x20e: {  	s9 =	sadd.s32 $0x1, s9  }
0x20f: {  	p0 =	sne.s32 s9, $0x10  }
.Ltmp19:
0x210: {  	_ = 	snop;
	(pc) =	sbr.rel @p0 .LBB2_22-.Ltmp19, $3  }
0x211: {  	_ = 	snop  }
0x212: {  	v3 =	vmul.f32 v3, v4;
	_ =	sdelay $0x1  }
0x213: {  	[tilespmem:s10+$0x0] =	vst v3  }
.LBB2_25:
0x214: {  	s2 =	simm.s32 $0x0  }
0x215: {  	s4 =	rddreg [dreg:$0x9];
	s9 =	simm.s32 $0x16000;
	s12 =	simm.s32 $0x9  }
0x216: {  	[hbm4b:s4+s2] =	stream.linear.scatter [tilespmem:s9], [sflag:$0xD], $0x4000, $0x38;
	[tilespmem:$0x1E000] =	vst v63  }
0x217: {  	_ =	swait.ge [sflag:s12], $0x4000  }
0x218: {  	[sflag:s12] =	ssyncset.done $0x0  }
0x219: {  	[sflag:s12] =	ssyncadd.s32 $0xFFFFC000  }
0x21a: {  	v3 =	vld [tilespmem:$0x400];
	_ =	sdelay $0x4  }
0x21b: {  	v4 =	vshll.u32 v3, $0x3  }
0x21c: {  	v3 =	vand.u32 $0x7, v3;
	v4 =	vand.u32 $0xFFFFFFC0, v4  }
0x21d: {  	v3 =	vor.u32 v3, v4  }
0x21e: {  	v4 =	vperm.xlane v3, v0;
	_ =	sdelay $0x1  }
0x21f: {  	v4 =	vadd.s32 v1, v4;
	_ =	sdelay $0x4  }
0x220: {  	[tilespmem:s30], [sflag:$0x2] =	stream.indirect_vreg.gather [hbm4b:s1+s2], $0x80, v4, vm0, $0xb8;
	[tilespmem:$0x1E000] =	vst v63  }
0x221: {  	s13 =	simm.s32 $0x6800;
	v3 =	vperm.xlane v3, v2  }
0x222: {  	[tilespmem:s13], [sflag:$0x2] =	stream.indirect_vreg.gather [hbm4b:s5+s2], $0x80, v4, vm0, $0xb8;
	[tilespmem:$0x1E000] =	vst v63  }
0x223: {  	s14 =	simm.s32 $0x7000;
	v3 =	vadd.s32 v1, v3  }
0x224: {  	[tilespmem:s14], [sflag:$0x2] =	stream.indirect_vreg.gather [hbm4b:s6+s2], $0x80, v4, vm0, $0xb8;
	[tilespmem:$0x1E000] =	vst v63  }
0x225: {  	s15 =	simm.s32 $0x7800  }
0x226: {  	[tilespmem:s15], [sflag:$0x2] =	stream.indirect_vreg.gather [hbm4b:s8+s2], $0x80, v4, vm0, $0xb8;
	[tilespmem:$0x1E000] =	vst v63  }
0x227: {  	s18 =	simm.s32 $0x8000  }
0x228: {  	[tilespmem:s18], [sflag:$0x2] =	stream.indirect_vreg.gather [hbm4b:s1+s2], $0x80, v3, vm0, $0xb8;
	[tilespmem:$0x1E000] =	vst v63  }
0x229: {  	s23 =	simm.s32 $0x8800  }
0x22a: {  	[tilespmem:s23], [sflag:$0x2] =	stream.indirect_vreg.gather [hbm4b:s5+s2], $0x80, v3, vm0, $0xb8;
	[tilespmem:$0x1E000] =	vst v63  }
0x22b: {  	s24 =	simm.s32 $0x9000  }
0x22c: {  	[tilespmem:s24], [sflag:$0x2] =	stream.indirect_vreg.gather [hbm4b:s6+s2], $0x80, v3, vm0, $0xb8;
	[tilespmem:$0x1E000] =	vst v63  }
0x22d: {  	s25 =	simm.s32 $0x9800;
	s26 =	simm.s32 $0x7  }
0x22e: {  	[tilespmem:s25], [sflag:$0x2] =	stream.indirect_vreg.gather [hbm4b:s8+s2], $0x80, v3, vm0, $0xb8;
	[tilespmem:$0x1E000] =	vst v63  }
0x22f: {  	_ =	swait.ge [sflag:s26], $0x4000  }
0x230: {  	[sflag:s26] =	ssyncset.done $0x0  }
0x231: {  	[sflag:s26] =	ssyncadd.s32 $0xFFFFC000  }
0x232: {  	v3 =	vld [tilespmem:$0x300];
	_ =	sdelay $0x4  }
0x233: {  	v3 =	vxor.u32 $0x80000000, v3  }
0x234: {  	(xrf0) =	vmin.scan.msk.u32 $0xffff, v3;
	_ =	sdelay $0x5  }
0x235: {  	v3, _, _ =	vpop (xrf0)  }
0x236: {  	(v2sf) =	vpush v3, $0xF;
	_ =	sdelay $0xe  }
0x237: {  	s28 =	spop (v2sf)  }
0x238: {  	p0 =	sgt.u32 s28, $0x80000000  }
.Ltmp20:
0x239: {  	_ = 	snop;
	(pc) =	sbr.rel @p0 .LBB2_29-.Ltmp20, $2  }
0x23a: {  	_ =	sdelay $0x2  }
0x23b: {  	s9 =	simm.s32 $0x0  }
.LBB2_26:
0x23c: {  	v3 =	vmov s9  }
0x23d: {  	v3 =	vand.u32 $0x7F, v3  }
0x23e: {  	v3 =	vor.u32 $0x300, v3  }
0x23f: {  	v3 =	vbroadcast v3, $0x0;
	_ =	sdelay $0x3  }
0x240: {  	s4 =	sshll.u32 s9, $0xA;
	s10 =	sshll.u32 s9, $0x7  }
0x241: {  	s4 =	sand.u32 $0x2000, s4;
	s10 =	sand.u32 $0x380, s10  }
0x242: {  	s4 =	sor.u32 s10, s4;
	v3 =	vld.idx.msk [tilespmem:v3+s2+$0x0], $0xffff  }
0x243: {  	s26 =	sand.u32 $0x1C00, s2;
	s18 =	sadd.s32 $0x1A000, s4  }
0x244: {  	s28 =	sand.u32 $0x70, s2;
	s4 =	sadd.s32 s26, s18  }
0x245: {  	s4 =	sadd.s32 s28, s4  }
0x246: {  	v4 =	vld [tilespmem:s4+$0x0]  }
0x247: {  	vm1 =	vlt.s32 v3, $0x1  }
0x248: {  	v3 =	vnsel vm1, $0x1, v3  }
0x249: {  	v3 =	vcvt.s32.f32 v3  }
0x24a: {  	s10 =	simm.s32 $0x80  }
0x24b: {  	s13 =	simm.s32 $0x10;
	s12 =	simm.s32 $0x20;
	s14 =	sand.u32 $0x1C00, s10;
	v4 =	vmul.f32 v3, v4  }
.LBB2_27:
0x24c: {  	p0 =	sne.s32 s12, $0x3F0;
	s13 =	sand.u32 $0x70, s13;
	s14 =	sadd.s32 s14, s18  }
0x24d: {  	[tilespmem:s4+$0x0] =	vst v4;
	s4 =	sadd.s32 s13, s14;
	s13 =	smov.u32 s12  }
0x24e: {  	v4 =	vld [tilespmem:s4+$0x0]  }
.Ltmp21:
0x24f: {  	(pc) =	sbr.rel @p0 .LBB2_27-.Ltmp21, $3  }
0x250: {  	_ =	sdelay $0x1  }
0x251: {  	s10 =	sadd.s32 $0x80, s10  }
0x252: {  	s14 =	sand.u32 $0x1C00, s10;
	s12 =	sadd.s32 $0x10, s12;
	v4 =	vmul.f32 v3, v4  }
0x253: {  	s10 =	sand.u32 $0x70, s13;
	s12 =	sadd.s32 s14, s18  }
0x254: {  	s10 =	sadd.s32 s10, s12;
	[tilespmem:s4+$0x0] =	vst v4  }
0x255: {  	v4 =	vld [tilespmem:s10+$0x0]  }
0x256: {  	s9 =	sadd.s32 $0x1, s9  }
0x257: {  	p0 =	sne.s32 s9, $0x10  }
.Ltmp22:
0x258: {  	_ = 	snop;
	(pc) =	sbr.rel @p0 .LBB2_26-.Ltmp22, $3  }
0x259: {  	_ = 	snop  }
0x25a: {  	v3 =	vmul.f32 v3, v4;
	_ =	sdelay $0x1  }
0x25b: {  	[tilespmem:s10+$0x0] =	vst v3  }
.LBB2_29:
0x25c: {  	s2 =	rddreg [dreg:$0xa];
	s4 =	simm.s32 $0x1A000;
	s13 =	simm.s32 $0xA  }
0x25d: {  	[hbm4b:s2+s3] =	stream.linear.scatter [tilespmem:s4], [sflag:$0xE], $0x4000, $0x38;
	[tilespmem:$0x1E000] =	vst v63  }
0x25e: {  	_ =	swait.ge [sflag:s13], $0x4000  }
0x25f: {  	[sflag:s13] =	ssyncset.done $0x0  }
0x260: {  	[sflag:s13] =	ssyncadd.s32 $0xFFFFC000  }
0x261: {  	v3 =	vld [tilespmem:$0x480];
	_ =	sdelay $0x4  }
0x262: {  	v4 =	vshll.u32 v3, $0x3  }
0x263: {  	v3 =	vand.u32 $0x7, v3;
	v4 =	vand.u32 $0xFFFFFFC0, v4  }
0x264: {  	v3 =	vor.u32 v3, v4  }
0x265: {  	v4 =	vperm.xlane v3, v0;
	_ =	sdelay $0x1  }
0x266: {  	v4 =	vadd.s32 v1, v4;
	_ =	sdelay $0x3  }
0x267: {  	s14 =	simm.s32 $0xA000  }
0x268: {  	[tilespmem:s14], [sflag:$0x3] =	stream.indirect_vreg.gather [hbm4b:s1+s3], $0x80, v4, vm0, $0xb8;
	[tilespmem:$0x1E000] =	vst v63  }
0x269: {  	s15 =	simm.s32 $0xA800;
	v3 =	vperm.xlane v3, v2  }
0x26a: {  	[tilespmem:s15], [sflag:$0x3] =	stream.indirect_vreg.gather [hbm4b:s5+s3], $0x80, v4, vm0, $0xb8;
	[tilespmem:$0x1E000] =	vst v63  }
0x26b: {  	s18 =	simm.s32 $0xB000;
	v3 =	vadd.s32 v1, v3  }
0x26c: {  	[tilespmem:s18], [sflag:$0x3] =	stream.indirect_vreg.gather [hbm4b:s6+s3], $0x80, v4, vm0, $0xb8;
	[tilespmem:$0x1E000] =	vst v63  }
0x26d: {  	s23 =	simm.s32 $0xB800  }
0x26e: {  	[tilespmem:s23], [sflag:$0x3] =	stream.indirect_vreg.gather [hbm4b:s8+s3], $0x80, v4, vm0, $0xb8;
	[tilespmem:$0x1E000] =	vst v63  }
0x26f: {  	s24 =	simm.s32 $0xC000  }
0x270: {  	[tilespmem:s24], [sflag:$0x3] =	stream.indirect_vreg.gather [hbm4b:s1+s3], $0x80, v3, vm0, $0xb8;
	[tilespmem:$0x1E000] =	vst v63  }
0x271: {  	s25 =	simm.s32 $0xC800  }
0x272: {  	[tilespmem:s25], [sflag:$0x3] =	stream.indirect_vreg.gather [hbm4b:s5+s3], $0x80, v3, vm0, $0xb8;
	[tilespmem:$0x1E000] =	vst v63  }
.Ltmp23:
0x273: {  	_ = 	snop;
	(pc) =	sbr.rel .LBB2_30-.Ltmp23, $4  }
0x274: {  	s26 =	simm.s32 $0xD000  }
0x275: {  	[tilespmem:s26], [sflag:$0x3] =	stream.indirect_vreg.gather [hbm4b:s6+s3], $0x80, v3, vm0, $0xb8;
	[tilespmem:$0x1E000] =	vst v63  }
0x276: {  	s28 =	simm.s32 $0xD800;
	s23 =	simm.s32 $0x1  }
0x277: {  	[tilespmem:s28], [sflag:$0x3] =	stream.indirect_vreg.gather [hbm4b:s8+s3], $0x80, v3, vm0, $0xb8;
	[tilespmem:$0x1E000] =	vst v63  }
.LBB2_65:
0x278: {  	s2 =	sshll.u32 s28, $0xB;
	s4 =	simm.s32 $0x1A000  }
0x279: {  	p0 =	slt.s32 s24, $0x36;
	s10 =	simm.s32 $0xA;
	s2 =	sadd.s32 s2, s7  }
0x27a: {  	[hbm4b:s2+s3] =	stream.linear.scatter [tilespmem:s4], [sflag:$0xE], $0x4000, $0x38;
	[tilespmem:$0x1E000] =	vst v63  }
0x27b: {  	s24 =	simm.s32 @!p0 $0x36;
	_ =	swait.ge [sflag:s10], $0x4000  }
0x27c: {  	s12 =	sshll.u32 s24, $0x7;
	[sflag:s10] =	ssyncset.done $0x0  }
0x27d: {  	s2 =	sand.u32 $0x3FFFFF80, s12;
	[sflag:s10] =	ssyncadd.s32 $0xFFFFC000  }
0x27e: {  	v3 =	vld [tilespmem:s2+$0x480];
	_ =	sdelay $0x4  }
0x27f: {  	v4 =	vshll.u32 v3, $0x3  }
0x280: {  	v3 =	vand.u32 $0x7, v3;
	v4 =	vand.u32 $0xFFFFFFC0, v4  }
0x281: {  	v3 =	vor.u32 v3, v4  }
0x282: {  	v4 =	vperm.xlane v3, v0;
	_ =	sdelay $0x1  }
0x283: {  	v4 =	vadd.s32 v1, v4;
	_ =	sdelay $0x3  }
0x284: {  	s13 =	simm.s32 $0xA000  }
0x285: {  	[tilespmem:s13], [sflag:$0x3] =	stream.indirect_vreg.gather [hbm4b:s1+s3], $0x80, v4, vm0, $0xb8;
	[tilespmem:$0x1E000] =	vst v63  }
0x286: {  	s14 =	simm.s32 $0xA800;
	v3 =	vperm.xlane v3, v2  }
0x287: {  	[tilespmem:s14], [sflag:$0x3] =	stream.indirect_vreg.gather [hbm4b:s5+s3], $0x80, v4, vm0, $0xb8;
	[tilespmem:$0x1E000] =	vst v63  }
0x288: {  	s15 =	simm.s32 $0xB000;
	v3 =	vadd.s32 v1, v3  }
0x289: {  	[tilespmem:s15], [sflag:$0x3] =	stream.indirect_vreg.gather [hbm4b:s6+s3], $0x80, v4, vm0, $0xb8;
	[tilespmem:$0x1E000] =	vst v63  }
0x28a: {  	s18 =	simm.s32 $0xB800  }
0x28b: {  	[tilespmem:s18], [sflag:$0x3] =	stream.indirect_vreg.gather [hbm4b:s8+s3], $0x80, v4, vm0, $0xb8;
	[tilespmem:$0x1E000] =	vst v63  }
0x28c: {  	s23 =	sadd.s32 $0x1, s23;
	s24 =	simm.s32 $0xC000  }
0x28d: {  	[tilespmem:s24], [sflag:$0x3] =	stream.indirect_vreg.gather [hbm4b:s1+s3], $0x80, v3, vm0, $0xb8;
	[tilespmem:$0x1E000] =	vst v63  }
0x28e: {  	s25 =	simm.s32 $0xC800;
	p0 =	sne.s32 s23, $0x9  }
0x28f: {  	[tilespmem:s25], [sflag:$0x3] =	stream.indirect_vreg.gather [hbm4b:s5+s3], $0x80, v3, vm0, $0xb8;
	[tilespmem:$0x1E000] =	vst v63  }
.Ltmp24:
0x290: {  	_ = 	snop;
	(pc) =	sbr.rel @!p0 .LBB2_66-.Ltmp24, $4  }
0x291: {  	s26 =	simm.s32 $0xD000  }
0x292: {  	[tilespmem:s26], [sflag:$0x3] =	stream.indirect_vreg.gather [hbm4b:s6+s3], $0x80, v3, vm0, $0xb8;
	[tilespmem:$0x1E000] =	vst v63  }
0x293: {  	s28 =	simm.s32 $0xD800  }
0x294: {  	[tilespmem:s28], [sflag:$0x3] =	stream.indirect_vreg.gather [hbm4b:s8+s3], $0x80, v3, vm0, $0xb8;
	[tilespmem:$0x1E000] =	vst v63  }
.LBB2_30:
0x295: {  	_ =	swait.ge [sflag:s17], $0x4000;
	s2 =	smul.u32 $0xE00, s23  }
0x296: {  	[sflag:s17] =	ssyncset.done $0x0  }
0x297: {  	[sflag:s17] =	ssyncadd.s32 $0xFFFFC000;
	s25 =	sshra.s32 s2, $0x2  }
0x298: {  	v3 =	vld [tilespmem:s25+$0x0];
	_ =	sdelay $0x4  }
0x299: {  	v3 =	vxor.u32 $0x80000000, v3  }
0x29a: {  	(xrf0) =	vmin.scan.msk.u32 $0xffff, v3;
	_ =	sdelay $0x5  }
0x29b: {  	v3, _, _ =	vpop (xrf0)  }
0x29c: {  	(v2sf) =	vpush v3, $0xF;
	_ =	sdelay $0xe  }
0x29d: {  	s28 =	spop (v2sf)  }
0x29e: {  	p0 =	sgt.u32 s28, $0x80000000  }
.Ltmp25:
0x29f: {  	_ = 	snop;
	(pc) =	sbr.rel @p0 .LBB2_35-.Ltmp25, $2  }
0x2a0: {  	_ =	sdelay $0x2  }
0x2a1: {  	s24 =	smul.u32 $0x7, s23  }
0x2a2: {  	_ = 	snop  }
0x2a3: {  	s2 =	sshll.u32 s24, $0x7  }
0x2a4: {  	s9 =	simm.s32 $0x0;
	v3 =	vmov s2;
	s2 =	simm.s32 $0x0  }
.LBB2_32:
0x2a5: {  	v4 =	vmov s9  }
0x2a6: {  	v4 =	vand.u32 $0x7F, v4  }
0x2a7: {  	v4 =	vadd.s32 v3, v4  }
0x2a8: {  	v4 =	vbroadcast v4, $0x0;
	_ =	sdelay $0x3  }
0x2a9: {  	s4 =	sshll.u32 s9, $0xA;
	s10 =	sshll.u32 s9, $0x7  }
0x2aa: {  	s4 =	sand.u32 $0x2000, s4;
	s10 =	sand.u32 $0x380, s10  }
0x2ab: {  	s4 =	sor.u32 s10, s4;
	v4 =	vld.idx.msk [tilespmem:v4+s2+$0x0], $0xffff  }
0x2ac: {  	s26 =	sand.u32 $0x1C00, s2;
	s18 =	sadd.s32 $0x2000, s4  }
0x2ad: {  	s28 =	sand.u32 $0x70, s2;
	s4 =	sadd.s32 s26, s18  }
0x2ae: {  	s4 =	sadd.s32 s28, s4  }
0x2af: {  	v5 =	vld [tilespmem:s4+$0x0]  }
0x2b0: {  	vm1 =	vlt.s32 v4, $0x1  }
0x2b1: {  	v4 =	vnsel vm1, $0x1, v4  }
0x2b2: {  	v4 =	vcvt.s32.f32 v4  }
0x2b3: {  	s10 =	simm.s32 $0x80  }
0x2b4: {  	s13 =	simm.s32 $0x10;
	s12 =	simm.s32 $0x20;
	s14 =	sand.u32 $0x1C00, s10;
	v5 =	vmul.f32 v4, v5  }
.LBB2_33:
0x2b5: {  	p0 =	sne.s32 s12, $0x3F0;
	s13 =	sand.u32 $0x70, s13;
	s14 =	sadd.s32 s14, s18  }
0x2b6: {  	[tilespmem:s4+$0x0] =	vst v5;
	s4 =	sadd.s32 s13, s14;
	s13 =	smov.u32 s12  }
0x2b7: {  	v5 =	vld [tilespmem:s4+$0x0]  }
.Ltmp26:
0x2b8: {  	(pc) =	sbr.rel @p0 .LBB2_33-.Ltmp26, $3  }
0x2b9: {  	_ =	sdelay $0x1  }
0x2ba: {  	s10 =	sadd.s32 $0x80, s10  }
0x2bb: {  	s14 =	sand.u32 $0x1C00, s10;
	s12 =	sadd.s32 $0x10, s12;
	v5 =	vmul.f32 v4, v5  }
0x2bc: {  	s10 =	sand.u32 $0x70, s13;
	s12 =	sadd.s32 s14, s18  }
0x2bd: {  	s10 =	sadd.s32 s10, s12;
	[tilespmem:s4+$0x0] =	vst v5  }
0x2be: {  	v5 =	vld [tilespmem:s10+$0x0]  }
0x2bf: {  	s9 =	sadd.s32 $0x1, s9  }
0x2c0: {  	p0 =	sne.s32 s9, $0x10  }
.Ltmp27:
0x2c1: {  	_ = 	snop;
	(pc) =	sbr.rel @p0 .LBB2_32-.Ltmp27, $3  }
0x2c2: {  	_ = 	snop  }
0x2c3: {  	v4 =	vmul.f32 v4, v5;
	_ =	sdelay $0x1  }
0x2c4: {  	[tilespmem:s10+$0x0] =	vst v4  }
.LBB2_35:
0x2c5: {  	s2 =	smul.u32 $0x3800, s23;
	_ =	sdelay $0x1  }
0x2c6: {  	s2 =	sadd.s32 s2, s7  }
0x2c7: {  	[hbm4b:s2+s3] =	stream.linear.scatter [tilespmem:s19], [sflag:$0x8], $0x4000, $0x38;
	[tilespmem:$0x1E000] =	vst v63  }
0x2c8: {  	s28 =	sadd.s32 $0x3, s24;
	_ =	swait.ge [sflag:s16], $0x4000  }
0x2c9: {  	s26 =	sshll.u32 s28, $0x9;
	[sflag:s16] =	ssyncset.done $0x0  }
0x2ca: {  	s9 =	sshrl.u32 s26, $0x2;
	[sflag:s16] =	ssyncadd.s32 $0xFFFFC000  }
0x2cb: {  	v3 =	vld [tilespmem:s9+$0x0];
	_ =	sdelay $0x4  }
0x2cc: {  	v4 =	vshll.u32 v3, $0x3  }
0x2cd: {  	v3 =	vand.u32 $0x7, v3;
	v4 =	vand.u32 $0xFFFFFFC0, v4  }
0x2ce: {  	v3 =	vor.u32 v3, v4  }
0x2cf: {  	v4 =	vperm.xlane v3, v0;
	_ =	sdelay $0x1  }
0x2d0: {  	v4 =	vadd.s32 v1, v4;
	_ =	sdelay $0x3  }
0x2d1: {  	s4 =	simm.s32 $0xE000  }
0x2d2: {  	[tilespmem:s4], [sflag:$0x4] =	stream.indirect_vreg.gather [hbm4b:s1+s3], $0x80, v4, vm0, $0xb8;
	[tilespmem:$0x1E000] =	vst v63  }
0x2d3: {  	s10 =	simm.s32 $0xE800;
	v3 =	vperm.xlane v3, v2  }
0x2d4: {  	[tilespmem:s10], [sflag:$0x4] =	stream.indirect_vreg.gather [hbm4b:s5+s3], $0x80, v4, vm0, $0xb8;
	[tilespmem:$0x1E000] =	vst v63  }
0x2d5: {  	s12 =	simm.s32 $0xF000;
	v3 =	vadd.s32 v1, v3  }
0x2d6: {  	[tilespmem:s12], [sflag:$0x4] =	stream.indirect_vreg.gather [hbm4b:s6+s3], $0x80, v4, vm0, $0xb8;
	[tilespmem:$0x1E000] =	vst v63  }
0x2d7: {  	s13 =	simm.s32 $0xF800  }
0x2d8: {  	[tilespmem:s13], [sflag:$0x4] =	stream.indirect_vreg.gather [hbm4b:s8+s3], $0x80, v4, vm0, $0xb8;
	[tilespmem:$0x1E000] =	vst v63  }
0x2d9: {  	s14 =	simm.s32 $0x10000  }
0x2da: {  	[tilespmem:s14], [sflag:$0x4] =	stream.indirect_vreg.gather [hbm4b:s1+s3], $0x80, v3, vm0, $0xb8;
	[tilespmem:$0x1E000] =	vst v63  }
0x2db: {  	s15 =	simm.s32 $0x10800  }
0x2dc: {  	[tilespmem:s15], [sflag:$0x4] =	stream.indirect_vreg.gather [hbm4b:s5+s3], $0x80, v3, vm0, $0xb8;
	[tilespmem:$0x1E000] =	vst v63  }
0x2dd: {  	s18 =	simm.s32 $0x11000  }
0x2de: {  	[tilespmem:s18], [sflag:$0x4] =	stream.indirect_vreg.gather [hbm4b:s6+s3], $0x80, v3, vm0, $0xb8;
	[tilespmem:$0x1E000] =	vst v63  }
0x2df: {  	s19 =	simm.s32 $0x11800  }
0x2e0: {  	[tilespmem:s19], [sflag:$0x4] =	stream.indirect_vreg.gather [hbm4b:s8+s3], $0x80, v3, vm0, $0xb8;
	[tilespmem:$0x1E000] =	vst v63  }
0x2e1: {  	s2 =	sadd.s32 $0x1, s24;
	_ =	swait.ge [sflag:s29], $0x4000  }
0x2e2: {  	s4 =	sshll.u32 s2, $0x7;
	[sflag:s29] =	ssyncset.done $0x0  }
0x2e3: {  	s10 =	sand.u32 $0x3FFFFF80, s4;
	[sflag:s29] =	ssyncadd.s32 $0xFFFFC000  }
0x2e4: {  	v3 =	vld [tilespmem:s10+$0x0];
	_ =	sdelay $0x4  }
0x2e5: {  	v3 =	vxor.u32 $0x80000000, v3  }
0x2e6: {  	(xrf0) =	vmin.scan.msk.u32 $0xffff, v3;
	_ =	sdelay $0x5  }
0x2e7: {  	v3, _, _ =	vpop (xrf0)  }
0x2e8: {  	(v2sf) =	vpush v3, $0xF;
	_ =	sdelay $0xe  }
0x2e9: {  	s26 =	spop (v2sf)  }
0x2ea: {  	p0 =	sgt.u32 s26, $0x80000000  }
.Ltmp28:
0x2eb: {  	_ = 	snop;
	(pc) =	sbr.rel @p0 .LBB2_40-.Ltmp28, $1  }
0x2ec: {  	_ =	sdelay $0x3  }
0x2ed: {  	v3 =	vmov s4;
	s18 =	simm.s32 $0x0;
	s26 =	simm.s32 $0x0  }
.LBB2_37:
0x2ee: {  	v4 =	vmov s26  }
0x2ef: {  	v4 =	vand.u32 $0x7F, v4  }
0x2f0: {  	v4 =	vadd.s32 v3, v4  }
0x2f1: {  	v4 =	vbroadcast v4, $0x0;
	_ =	sdelay $0x3  }
0x2f2: {  	s4 =	sshll.u32 s26, $0xA;
	s10 =	sshll.u32 s26, $0x7  }
0x2f3: {  	s4 =	sand.u32 $0x2000, s4;
	s10 =	sand.u32 $0x380, s10  }
0x2f4: {  	s4 =	sor.u32 s10, s4;
	v4 =	vld.idx.msk [tilespmem:v4+s18+$0x0], $0xffff  }
0x2f5: {  	s14 =	sand.u32 $0x1C00, s18;
	s19 =	sadd.s32 $0x6000, s4  }
0x2f6: {  	s15 =	sand.u32 $0x70, s18;
	s4 =	sadd.s32 s14, s19  }
0x2f7: {  	s4 =	sadd.s32 s15, s4  }
0x2f8: {  	v5 =	vld [tilespmem:s4+$0x0]  }
0x2f9: {  	vm1 =	vlt.s32 v4, $0x1  }
0x2fa: {  	v4 =	vnsel vm1, $0x1, v4  }
0x2fb: {  	v4 =	vcvt.s32.f32 v4  }
0x2fc: {  	s10 =	simm.s32 $0x80  }
0x2fd: {  	s13 =	simm.s32 $0x10;
	s12 =	simm.s32 $0x20;
	s14 =	sand.u32 $0x1C00, s10;
	v5 =	vmul.f32 v4, v5  }
.LBB2_38:
0x2fe: {  	p0 =	sne.s32 s12, $0x3F0;
	s13 =	sand.u32 $0x70, s13;
	s14 =	sadd.s32 s14, s19  }
0x2ff: {  	[tilespmem:s4+$0x0] =	vst v5;
	s4 =	sadd.s32 s13, s14;
	s13 =	smov.u32 s12  }
0x300: {  	v5 =	vld [tilespmem:s4+$0x0]  }
.Ltmp29:
0x301: {  	(pc) =	sbr.rel @p0 .LBB2_38-.Ltmp29, $3  }
0x302: {  	_ =	sdelay $0x1  }
0x303: {  	s10 =	sadd.s32 $0x80, s10  }
0x304: {  	s14 =	sand.u32 $0x1C00, s10;
	s12 =	sadd.s32 $0x10, s12;
	v5 =	vmul.f32 v4, v5  }
0x305: {  	s10 =	sand.u32 $0x70, s13;
	s12 =	sadd.s32 s14, s19  }
0x306: {  	s10 =	sadd.s32 s10, s12;
	[tilespmem:s4+$0x0] =	vst v5  }
0x307: {  	v5 =	vld [tilespmem:s10+$0x0]  }
0x308: {  	s26 =	sadd.s32 $0x1, s26  }
0x309: {  	p0 =	sne.s32 s26, $0x10  }
.Ltmp30:
0x30a: {  	_ = 	snop;
	(pc) =	sbr.rel @p0 .LBB2_37-.Ltmp30, $3  }
0x30b: {  	_ = 	snop  }
0x30c: {  	v4 =	vmul.f32 v4, v5;
	_ =	sdelay $0x1  }
0x30d: {  	[tilespmem:s10+$0x0] =	vst v4  }
.LBB2_40:
0x30e: {  	s2 =	sshll.u32 s2, $0xB  }
0x30f: {  	s2 =	sadd.s32 s2, s7  }
0x310: {  	[hbm4b:s2+s3] =	stream.linear.scatter [tilespmem:s30], [sflag:$0x9], $0x4000, $0x38;
	[tilespmem:$0x1E000] =	vst v63  }
0x311: {  	s26 =	sadd.s32 $0x4, s24;
	_ =	swait.ge [sflag:s20], $0x4000  }
0x312: {  	s4 =	sshll.u32 s26, $0x9;
	[sflag:s20] =	ssyncset.done $0x0  }
0x313: {  	s2 =	sshrl.u32 s4, $0x2;
	[sflag:s20] =	ssyncadd.s32 $0xFFFFC000  }
0x314: {  	v3 =	vld [tilespmem:s2+$0x0];
	_ =	sdelay $0x4  }
0x315: {  	v4 =	vshll.u32 v3, $0x3  }
0x316: {  	v3 =	vand.u32 $0x7, v3;
	v4 =	vand.u32 $0xFFFFFFC0, v4  }
0x317: {  	v3 =	vor.u32 v3, v4  }
0x318: {  	v4 =	vperm.xlane v3, v0;
	_ =	sdelay $0x1  }
0x319: {  	v4 =	vadd.s32 v1, v4;
	_ =	sdelay $0x3  }
0x31a: {  	s4 =	simm.s32 $0x12000  }
0x31b: {  	[tilespmem:s4], [sflag:$0x5] =	stream.indirect_vreg.gather [hbm4b:s1+s3], $0x80, v4, vm0, $0xb8;
	[tilespmem:$0x1E000] =	vst v63  }
0x31c: {  	s10 =	simm.s32 $0x12800;
	v3 =	vperm.xlane v3, v2  }
0x31d: {  	[tilespmem:s10], [sflag:$0x5] =	stream.indirect_vreg.gather [hbm4b:s5+s3], $0x80, v4, vm0, $0xb8;
	[tilespmem:$0x1E000] =	vst v63  }
0x31e: {  	s12 =	simm.s32 $0x13000;
	v3 =	vadd.s32 v1, v3  }
0x31f: {  	[tilespmem:s12], [sflag:$0x5] =	stream.indirect_vreg.gather [hbm4b:s6+s3], $0x80, v4, vm0, $0xb8;
	[tilespmem:$0x1E000] =	vst v63  }
0x320: {  	s13 =	simm.s32 $0x13800  }
0x321: {  	[tilespmem:s13], [sflag:$0x5] =	stream.indirect_vreg.gather [hbm4b:s8+s3], $0x80, v4, vm0, $0xb8;
	[tilespmem:$0x1E000] =	vst v63  }
0x322: {  	s14 =	simm.s32 $0x14000  }
0x323: {  	[tilespmem:s14], [sflag:$0x5] =	stream.indirect_vreg.gather [hbm4b:s1+s3], $0x80, v3, vm0, $0xb8;
	[tilespmem:$0x1E000] =	vst v63  }
0x324: {  	s15 =	simm.s32 $0x14800  }
0x325: {  	[tilespmem:s15], [sflag:$0x5] =	stream.indirect_vreg.gather [hbm4b:s5+s3], $0x80, v3, vm0, $0xb8;
	[tilespmem:$0x1E000] =	vst v63  }
0x326: {  	s18 =	simm.s32 $0x15000  }
0x327: {  	[tilespmem:s18], [sflag:$0x5] =	stream.indirect_vreg.gather [hbm4b:s6+s3], $0x80, v3, vm0, $0xb8;
	[tilespmem:$0x1E000] =	vst v63  }
0x328: {  	s19 =	simm.s32 $0x15800  }
0x329: {  	[tilespmem:s19], [sflag:$0x5] =	stream.indirect_vreg.gather [hbm4b:s8+s3], $0x80, v3, vm0, $0xb8;
	[tilespmem:$0x1E000] =	vst v63  }
0x32a: {  	s18 =	sadd.s32 $0x2, s24;
	_ =	swait.ge [sflag:s31], $0x4000  }
0x32b: {  	s4 =	sshll.u32 s18, $0x7;
	[sflag:s31] =	ssyncset.done $0x0  }
0x32c: {  	s10 =	sand.u32 $0x3FFFFF80, s4;
	[sflag:s31] =	ssyncadd.s32 $0xFFFFC000  }
0x32d: {  	v3 =	vld [tilespmem:s10+$0x0];
	_ =	sdelay $0x4  }
0x32e: {  	v3 =	vxor.u32 $0x80000000, v3  }
0x32f: {  	(xrf0) =	vmin.scan.msk.u32 $0xffff, v3;
	_ =	sdelay $0x5  }
0x330: {  	v3, _, _ =	vpop (xrf0)  }
0x331: {  	(v2sf) =	vpush v3, $0xF;
	_ =	sdelay $0xe  }
0x332: {  	s30 =	spop (v2sf)  }
0x333: {  	p0 =	sgt.u32 s30, $0x80000000  }
.Ltmp31:
0x334: {  	_ = 	snop;
	(pc) =	sbr.rel @p0 .LBB2_45-.Ltmp31, $1  }
0x335: {  	_ =	sdelay $0x3  }
0x336: {  	v3 =	vmov s4;
	s30 =	simm.s32 $0x0;
	s19 =	simm.s32 $0x0  }
.LBB2_42:
0x337: {  	v4 =	vmov s19  }
0x338: {  	v4 =	vand.u32 $0x7F, v4  }
0x339: {  	v4 =	vadd.s32 v3, v4  }
0x33a: {  	v4 =	vbroadcast v4, $0x0;
	_ =	sdelay $0x3  }
0x33b: {  	s4 =	sshll.u32 s19, $0xA;
	s10 =	sshll.u32 s19, $0x7  }
0x33c: {  	s4 =	sand.u32 $0x2000, s4;
	s10 =	sand.u32 $0x380, s10  }
0x33d: {  	s4 =	sor.u32 s10, s4;
	v4 =	vld.idx.msk [tilespmem:v4+s30+$0x0], $0xffff  }
0x33e: {  	s15 =	sand.u32 $0x1C00, s30;
	s4 =	sadd.s32 $0xA000, s4  }
0x33f: {  	s12 =	sand.u32 $0x70, s30;
	s10 =	sadd.s32 s15, s4  }
0x340: {  	s10 =	sadd.s32 s12, s10  }
0x341: {  	v5 =	vld [tilespmem:s10+$0x0]  }
0x342: {  	vm1 =	vlt.s32 v4, $0x1  }
0x343: {  	v4 =	vnsel vm1, $0x1, v4  }
0x344: {  	v4 =	vcvt.s32.f32 v4  }
0x345: {  	s12 =	simm.s32 $0x80  }
0x346: {  	s14 =	simm.s32 $0x10;
	s13 =	simm.s32 $0x20;
	s15 =	sand.u32 $0x1C00, s12;
	v5 =	vmul.f32 v4, v5  }
.LBB2_43:
0x347: {  	p0 =	sne.s32 s13, $0x3F0;
	s14 =	sand.u32 $0x70, s14;
	s15 =	sadd.s32 s15, s4  }
0x348: {  	[tilespmem:s10+$0x0] =	vst v5;
	s10 =	sadd.s32 s14, s15;
	s14 =	smov.u32 s13  }
0x349: {  	v5 =	vld [tilespmem:s10+$0x0]  }
.Ltmp32:
0x34a: {  	(pc) =	sbr.rel @p0 .LBB2_43-.Ltmp32, $3  }
0x34b: {  	_ =	sdelay $0x1  }
0x34c: {  	s12 =	sadd.s32 $0x80, s12  }
0x34d: {  	s15 =	sand.u32 $0x1C00, s12;
	s13 =	sadd.s32 $0x10, s13;
	v5 =	vmul.f32 v4, v5  }
0x34e: {  	s12 =	sand.u32 $0x70, s14;
	s4 =	sadd.s32 s15, s4  }
0x34f: {  	s4 =	sadd.s32 s12, s4;
	[tilespmem:s10+$0x0] =	vst v5  }
0x350: {  	v5 =	vld [tilespmem:s4+$0x0]  }
0x351: {  	s19 =	sadd.s32 $0x1, s19  }
0x352: {  	p0 =	sne.s32 s19, $0x10  }
.Ltmp33:
0x353: {  	_ = 	snop;
	(pc) =	sbr.rel @p0 .LBB2_42-.Ltmp33, $3  }
0x354: {  	_ = 	snop  }
0x355: {  	v4 =	vmul.f32 v4, v5;
	_ =	sdelay $0x1  }
0x356: {  	[tilespmem:s4+$0x0] =	vst v4  }
.LBB2_45:
0x357: {  	s4 =	sshll.u32 s18, $0xB  }
0x358: {  	s10 =	simm.s32 $0xA000;
	s4 =	sadd.s32 s4, s7  }
0x359: {  	[hbm4b:s4+s3] =	stream.linear.scatter [tilespmem:s10], [sflag:$0xA], $0x4000, $0x38;
	[tilespmem:$0x1E000] =	vst v63  }
0x35a: {  	s30 =	sadd.s32 $0x5, s24;
	_ =	swait.ge [sflag:s21], $0x4000  }
0x35b: {  	s13 =	sshll.u32 s30, $0x9;
	[sflag:s21] =	ssyncset.done $0x0  }
0x35c: {  	s18 =	sshrl.u32 s13, $0x2;
	[sflag:s21] =	ssyncadd.s32 $0xFFFFC000  }
0x35d: {  	v3 =	vld [tilespmem:s18+$0x0];
	_ =	sdelay $0x4  }
0x35e: {  	v4 =	vshll.u32 v3, $0x3  }
0x35f: {  	v3 =	vand.u32 $0x7, v3;
	v4 =	vand.u32 $0xFFFFFFC0, v4  }
0x360: {  	v3 =	vor.u32 v3, v4  }
0x361: {  	v4 =	vperm.xlane v3, v0;
	_ =	sdelay $0x1  }
0x362: {  	v4 =	vadd.s32 v1, v4;
	_ =	sdelay $0x3  }
0x363: {  	s14 =	simm.s32 $0x16000  }
0x364: {  	[tilespmem:s14], [sflag:$0x6] =	stream.indirect_vreg.gather [hbm4b:s1+s3], $0x80, v4, vm0, $0xb8;
	[tilespmem:$0x1E000] =	vst v63  }
0x365: {  	s15 =	simm.s32 $0x16800;
	v3 =	vperm.xlane v3, v2  }
0x366: {  	[tilespmem:s15], [sflag:$0x6] =	stream.indirect_vreg.gather [hbm4b:s5+s3], $0x80, v4, vm0, $0xb8;
	[tilespmem:$0x1E000] =	vst v63  }
0x367: {  	s19 =	simm.s32 $0x17000;
	v3 =	vadd.s32 v1, v3  }
0x368: {  	[tilespmem:s19], [sflag:$0x6] =	stream.indirect_vreg.gather [hbm4b:s6+s3], $0x80, v4, vm0, $0xb8;
	[tilespmem:$0x1E000] =	vst v63  }
0x369: {  	s10 =	simm.s32 $0x17800  }
0x36a: {  	[tilespmem:s10], [sflag:$0x6] =	stream.indirect_vreg.gather [hbm4b:s8+s3], $0x80, v4, vm0, $0xb8;
	[tilespmem:$0x1E000] =	vst v63  }
0x36b: {  	s12 =	simm.s32 $0x18000  }
0x36c: {  	[tilespmem:s12], [sflag:$0x6] =	stream.indirect_vreg.gather [hbm4b:s1+s3], $0x80, v3, vm0, $0xb8;
	[tilespmem:$0x1E000] =	vst v63  }
0x36d: {  	s13 =	simm.s32 $0x18800  }
0x36e: {  	[tilespmem:s13], [sflag:$0x6] =	stream.indirect_vreg.gather [hbm4b:s5+s3], $0x80, v3, vm0, $0xb8;
	[tilespmem:$0x1E000] =	vst v63  }
0x36f: {  	s14 =	simm.s32 $0x19000  }
0x370: {  	[tilespmem:s14], [sflag:$0x6] =	stream.indirect_vreg.gather [hbm4b:s6+s3], $0x80, v3, vm0, $0xb8;
	[tilespmem:$0x1E000] =	vst v63  }
0x371: {  	s15 =	simm.s32 $0x19800  }
0x372: {  	[tilespmem:s15], [sflag:$0x6] =	stream.indirect_vreg.gather [hbm4b:s8+s3], $0x80, v3, vm0, $0xb8;
	[tilespmem:$0x1E000] =	vst v63  }
0x373: {  	_ =	swait.ge [sflag:s0], $0x4000  }
0x374: {  	[sflag:s0] =	ssyncset.done $0x0  }
0x375: {  	[sflag:s0] =	ssyncadd.s32 $0xFFFFC000  }
0x376: {  	v3 =	vld [tilespmem:s9+$0x0];
	_ =	sdelay $0x4  }
0x377: {  	v3 =	vxor.u32 $0x80000000, v3  }
0x378: {  	(xrf0) =	vmin.scan.msk.u32 $0xffff, v3;
	_ =	sdelay $0x5  }
0x379: {  	v3, _, _ =	vpop (xrf0)  }
0x37a: {  	(v2sf) =	vpush v3, $0xF;
	_ =	sdelay $0xe  }
0x37b: {  	s19 =	spop (v2sf)  }
0x37c: {  	p0 =	sgt.u32 s19, $0x80000000  }
.Ltmp34:
0x37d: {  	_ = 	snop;
	(pc) =	sbr.rel @p0 .LBB2_50-.Ltmp34, $1  }
0x37e: {  	_ =	sdelay $0x3  }
0x37f: {  	s4 =	sshll.u32 s28, $0x7  }
0x380: {  	s9 =	simm.s32 $0x0;
	s19 =	simm.s32 $0x0;
	v3 =	vmov s4  }
.LBB2_47:
0x381: {  	v4 =	vmov s19  }
0x382: {  	v4 =	vand.u32 $0x7F, v4  }
0x383: {  	v4 =	vadd.s32 v3, v4  }
0x384: {  	v4 =	vbroadcast v4, $0x0;
	_ =	sdelay $0x3  }
0x385: {  	s4 =	sshll.u32 s19, $0xA;
	s10 =	sshll.u32 s19, $0x7  }
0x386: {  	s4 =	sand.u32 $0x2000, s4;
	s10 =	sand.u32 $0x380, s10  }
0x387: {  	s4 =	sor.u32 s10, s4;
	v4 =	vld.idx.msk [tilespmem:v4+s9+$0x0], $0xffff  }
0x388: {  	s15 =	sand.u32 $0x1C00, s9;
	s4 =	sadd.s32 $0xE000, s4  }
0x389: {  	s12 =	sand.u32 $0x70, s9;
	s10 =	sadd.s32 s15, s4  }
0x38a: {  	s10 =	sadd.s32 s12, s10  }
0x38b: {  	v5 =	vld [tilespmem:s10+$0x0]  }
0x38c: {  	vm1 =	vlt.s32 v4, $0x1  }
0x38d: {  	v4 =	vnsel vm1, $0x1, v4  }
0x38e: {  	v4 =	vcvt.s32.f32 v4  }
0x38f: {  	s12 =	simm.s32 $0x80  }
0x390: {  	s14 =	simm.s32 $0x10;
	s13 =	simm.s32 $0x20;
	s15 =	sand.u32 $0x1C00, s12;
	v5 =	vmul.f32 v4, v5  }
.LBB2_48:
0x391: {  	p0 =	sne.s32 s13, $0x3F0;
	s14 =	sand.u32 $0x70, s14;
	s15 =	sadd.s32 s15, s4  }
0x392: {  	[tilespmem:s10+$0x0] =	vst v5;
	s10 =	sadd.s32 s14, s15;
	s14 =	smov.u32 s13  }
0x393: {  	v5 =	vld [tilespmem:s10+$0x0]  }
.Ltmp35:
0x394: {  	(pc) =	sbr.rel @p0 .LBB2_48-.Ltmp35, $3  }
0x395: {  	_ =	sdelay $0x1  }
0x396: {  	s12 =	sadd.s32 $0x80, s12  }
0x397: {  	s15 =	sand.u32 $0x1C00, s12;
	s13 =	sadd.s32 $0x10, s13;
	v5 =	vmul.f32 v4, v5  }
0x398: {  	s12 =	sand.u32 $0x70, s14;
	s4 =	sadd.s32 s15, s4  }
0x399: {  	s4 =	sadd.s32 s12, s4;
	[tilespmem:s10+$0x0] =	vst v5  }
0x39a: {  	v5 =	vld [tilespmem:s4+$0x0]  }
0x39b: {  	s19 =	sadd.s32 $0x1, s19  }
0x39c: {  	p0 =	sne.s32 s19, $0x10  }
.Ltmp36:
0x39d: {  	_ = 	snop;
	(pc) =	sbr.rel @p0 .LBB2_47-.Ltmp36, $3  }
0x39e: {  	_ = 	snop  }
0x39f: {  	v4 =	vmul.f32 v4, v5;
	_ =	sdelay $0x1  }
0x3a0: {  	[tilespmem:s4+$0x0] =	vst v4  }
.LBB2_50:
0x3a1: {  	s4 =	sshll.u32 s28, $0xB  }
0x3a2: {  	s9 =	simm.s32 $0xE000;
	s4 =	sadd.s32 s4, s7  }
0x3a3: {  	[hbm4b:s4+s3] =	stream.linear.scatter [tilespmem:s9], [sflag:$0xB], $0x4000, $0x38;
	[tilespmem:$0x1E000] =	vst v63  }
0x3a4: {  	s28 =	sadd.s32 $0x6, s24;
	_ =	swait.ge [sflag:s22], $0x4000  }
0x3a5: {  	s12 =	sshll.u32 s28, $0x9;
	[sflag:s22] =	ssyncset.done $0x0  }
0x3a6: {  	s9 =	sshrl.u32 s12, $0x2;
	[sflag:s22] =	ssyncadd.s32 $0xFFFFC000  }
0x3a7: {  	v3 =	vld [tilespmem:s9+$0x0];
	_ =	sdelay $0x4  }
0x3a8: {  	v4 =	vshll.u32 v3, $0x3  }
0x3a9: {  	v3 =	vand.u32 $0x7, v3;
	v4 =	vand.u32 $0xFFFFFFC0, v4  }
0x3aa: {  	v3 =	vor.u32 v3, v4  }
0x3ab: {  	v4 =	vperm.xlane v3, v0;
	_ =	sdelay $0x1  }
0x3ac: {  	v4 =	vadd.s32 v1, v4;
	_ =	sdelay $0x3  }
0x3ad: {  	s13 =	simm.s32 $0x1A000  }
0x3ae: {  	[tilespmem:s13], [sflag:$0x7] =	stream.indirect_vreg.gather [hbm4b:s1+s3], $0x80, v4, vm0, $0xb8;
	[tilespmem:$0x1E000] =	vst v63  }
0x3af: {  	s14 =	simm.s32 $0x1A800;
	v3 =	vperm.xlane v3, v2  }
0x3b0: {  	[tilespmem:s14], [sflag:$0x7] =	stream.indirect_vreg.gather [hbm4b:s5+s3], $0x80, v4, vm0, $0xb8;
	[tilespmem:$0x1E000] =	vst v63  }
0x3b1: {  	s15 =	simm.s32 $0x1B000;
	v3 =	vadd.s32 v1, v3  }
0x3b2: {  	[tilespmem:s15], [sflag:$0x7] =	stream.indirect_vreg.gather [hbm4b:s6+s3], $0x80, v4, vm0, $0xb8;
	[tilespmem:$0x1E000] =	vst v63  }
0x3b3: {  	s19 =	simm.s32 $0x1B800  }
0x3b4: {  	[tilespmem:s19], [sflag:$0x7] =	stream.indirect_vreg.gather [hbm4b:s8+s3], $0x80, v4, vm0, $0xb8;
	[tilespmem:$0x1E000] =	vst v63  }
0x3b5: {  	s10 =	simm.s32 $0x1C000  }
0x3b6: {  	[tilespmem:s10], [sflag:$0x7] =	stream.indirect_vreg.gather [hbm4b:s1+s3], $0x80, v3, vm0, $0xb8;
	[tilespmem:$0x1E000] =	vst v63  }
0x3b7: {  	s12 =	simm.s32 $0x1C800  }
0x3b8: {  	[tilespmem:s12], [sflag:$0x7] =	stream.indirect_vreg.gather [hbm4b:s5+s3], $0x80, v3, vm0, $0xb8;
	[tilespmem:$0x1E000] =	vst v63  }
0x3b9: {  	s13 =	simm.s32 $0x1D000  }
0x3ba: {  	[tilespmem:s13], [sflag:$0x7] =	stream.indirect_vreg.gather [hbm4b:s6+s3], $0x80, v3, vm0, $0xb8;
	[tilespmem:$0x1E000] =	vst v63  }
0x3bb: {  	s14 =	simm.s32 $0x1D800;
	s15 =	simm.s32 $0x5  }
0x3bc: {  	[tilespmem:s14], [sflag:$0x7] =	stream.indirect_vreg.gather [hbm4b:s8+s3], $0x80, v3, vm0, $0xb8;
	[tilespmem:$0x1E000] =	vst v63  }
0x3bd: {  	_ =	swait.ge [sflag:s15], $0x4000  }
0x3be: {  	[sflag:s15] =	ssyncset.done $0x0  }
0x3bf: {  	[sflag:s15] =	ssyncadd.s32 $0xFFFFC000  }
0x3c0: {  	v3 =	vld [tilespmem:s2+$0x0];
	_ =	sdelay $0x4  }
0x3c1: {  	v3 =	vxor.u32 $0x80000000, v3  }
0x3c2: {  	(xrf0) =	vmin.scan.msk.u32 $0xffff, v3;
	_ =	sdelay $0x5  }
0x3c3: {  	v3, _, _ =	vpop (xrf0)  }
0x3c4: {  	(v2sf) =	vpush v3, $0xF;
	_ =	sdelay $0xe  }
0x3c5: {  	s19 =	spop (v2sf)  }
0x3c6: {  	p0 =	sgt.u32 s19, $0x80000000  }
.Ltmp37:
0x3c7: {  	_ = 	snop;
	(pc) =	sbr.rel @p0 .LBB2_55-.Ltmp37, $1  }
0x3c8: {  	_ =	sdelay $0x3  }
0x3c9: {  	s2 =	sshll.u32 s26, $0x7  }
0x3ca: {  	s19 =	simm.s32 $0x0;
	v3 =	vmov s2;
	s2 =	simm.s32 $0x0  }
.LBB2_52:
0x3cb: {  	v4 =	vmov s19  }
0x3cc: {  	v4 =	vand.u32 $0x7F, v4  }
0x3cd: {  	v4 =	vadd.s32 v3, v4  }
0x3ce: {  	v4 =	vbroadcast v4, $0x0;
	_ =	sdelay $0x3  }
0x3cf: {  	s4 =	sshll.u32 s19, $0xA;
	s10 =	sshll.u32 s19, $0x7  }
0x3d0: {  	s4 =	sand.u32 $0x2000, s4;
	s10 =	sand.u32 $0x380, s10  }
0x3d1: {  	s4 =	sor.u32 s10, s4;
	v4 =	vld.idx.msk [tilespmem:v4+s2+$0x0], $0xffff  }
0x3d2: {  	s15 =	sand.u32 $0x1C00, s2;
	s4 =	sadd.s32 $0x12000, s4  }
0x3d3: {  	s12 =	sand.u32 $0x70, s2;
	s10 =	sadd.s32 s15, s4  }
0x3d4: {  	s10 =	sadd.s32 s12, s10  }
0x3d5: {  	v5 =	vld [tilespmem:s10+$0x0]  }
0x3d6: {  	vm1 =	vlt.s32 v4, $0x1  }
0x3d7: {  	v4 =	vnsel vm1, $0x1, v4  }
0x3d8: {  	v4 =	vcvt.s32.f32 v4  }
0x3d9: {  	s12 =	simm.s32 $0x80  }
0x3da: {  	s14 =	simm.s32 $0x10;
	s13 =	simm.s32 $0x20;
	s15 =	sand.u32 $0x1C00, s12;
	v5 =	vmul.f32 v4, v5  }
.LBB2_53:
0x3db: {  	p0 =	sne.s32 s13, $0x3F0;
	s14 =	sand.u32 $0x70, s14;
	s15 =	sadd.s32 s15, s4  }
0x3dc: {  	[tilespmem:s10+$0x0] =	vst v5;
	s10 =	sadd.s32 s14, s15;
	s14 =	smov.u32 s13  }
0x3dd: {  	v5 =	vld [tilespmem:s10+$0x0]  }
.Ltmp38:
0x3de: {  	(pc) =	sbr.rel @p0 .LBB2_53-.Ltmp38, $3  }
0x3df: {  	_ =	sdelay $0x1  }
0x3e0: {  	s12 =	sadd.s32 $0x80, s12  }
0x3e1: {  	s15 =	sand.u32 $0x1C00, s12;
	s13 =	sadd.s32 $0x10, s13;
	v5 =	vmul.f32 v4, v5  }
0x3e2: {  	s12 =	sand.u32 $0x70, s14;
	s4 =	sadd.s32 s15, s4  }
0x3e3: {  	s4 =	sadd.s32 s12, s4;
	[tilespmem:s10+$0x0] =	vst v5  }
0x3e4: {  	v5 =	vld [tilespmem:s4+$0x0]  }
0x3e5: {  	s19 =	sadd.s32 $0x1, s19  }
0x3e6: {  	p0 =	sne.s32 s19, $0x10  }
.Ltmp39:
0x3e7: {  	_ = 	snop;
	(pc) =	sbr.rel @p0 .LBB2_52-.Ltmp39, $3  }
0x3e8: {  	_ = 	snop  }
0x3e9: {  	v4 =	vmul.f32 v4, v5;
	_ =	sdelay $0x1  }
0x3ea: {  	[tilespmem:s4+$0x0] =	vst v4  }
.LBB2_55:
0x3eb: {  	s2 =	sshll.u32 s26, $0xB  }
0x3ec: {  	s4 =	simm.s32 $0x12000;
	s2 =	sadd.s32 s2, s7  }
0x3ed: {  	[hbm4b:s2+s3] =	stream.linear.scatter [tilespmem:s4], [sflag:$0xC], $0x4000, $0x38;
	[tilespmem:$0x1E000] =	vst v63  }
0x3ee: {  	_ =	swait.ge [sflag:s11], $0x4000  }
0x3ef: {  	[sflag:s11] =	ssyncset.done $0x0  }
0x3f0: {  	[sflag:s11] =	ssyncadd.s32 $0xFFFFC000  }
0x3f1: {  	v3 =	vld [tilespmem:s25+$0x380];
	_ =	sdelay $0x4  }
0x3f2: {  	v4 =	vshll.u32 v3, $0x3  }
0x3f3: {  	v3 =	vand.u32 $0x7, v3;
	v4 =	vand.u32 $0xFFFFFFC0, v4  }
0x3f4: {  	v3 =	vor.u32 v3, v4  }
0x3f5: {  	v4 =	vperm.xlane v3, v0;
	_ =	sdelay $0x1  }
0x3f6: {  	v4 =	vadd.s32 v1, v4;
	_ =	sdelay $0x3  }
0x3f7: {  	s19 =	simm.s32 $0x2000  }
0x3f8: {  	[tilespmem:s19], [sflag:$0x1] =	stream.indirect_vreg.gather [hbm4b:s1+s3], $0x80, v4, vm0, $0xb8;
	[tilespmem:$0x1E000] =	vst v63  }
0x3f9: {  	s26 =	simm.s32 $0x2800;
	v3 =	vperm.xlane v3, v2  }
0x3fa: {  	[tilespmem:s26], [sflag:$0x1] =	stream.indirect_vreg.gather [hbm4b:s5+s3], $0x80, v4, vm0, $0xb8;
	[tilespmem:$0x1E000] =	vst v63  }
0x3fb: {  	s4 =	simm.s32 $0x3000;
	v3 =	vadd.s32 v1, v3  }
0x3fc: {  	[tilespmem:s4], [sflag:$0x1] =	stream.indirect_vreg.gather [hbm4b:s6+s3], $0x80, v4, vm0, $0xb8;
	[tilespmem:$0x1E000] =	vst v63  }
0x3fd: {  	s10 =	simm.s32 $0x3800  }
0x3fe: {  	[tilespmem:s10], [sflag:$0x1] =	stream.indirect_vreg.gather [hbm4b:s8+s3], $0x80, v4, vm0, $0xb8;
	[tilespmem:$0x1E000] =	vst v63  }
0x3ff: {  	s12 =	simm.s32 $0x4000  }
0x400: {  	[tilespmem:s12], [sflag:$0x1] =	stream.indirect_vreg.gather [hbm4b:s1+s3], $0x80, v3, vm0, $0xb8;
	[tilespmem:$0x1E000] =	vst v63  }
0x401: {  	s13 =	simm.s32 $0x4800  }
0x402: {  	[tilespmem:s13], [sflag:$0x1] =	stream.indirect_vreg.gather [hbm4b:s5+s3], $0x80, v3, vm0, $0xb8;
	[tilespmem:$0x1E000] =	vst v63  }
0x403: {  	s14 =	simm.s32 $0x5000  }
0x404: {  	[tilespmem:s14], [sflag:$0x1] =	stream.indirect_vreg.gather [hbm4b:s6+s3], $0x80, v3, vm0, $0xb8;
	[tilespmem:$0x1E000] =	vst v63  }
0x405: {  	s15 =	simm.s32 $0x5800;
	s25 =	simm.s32 $0x6  }
0x406: {  	[tilespmem:s15], [sflag:$0x1] =	stream.indirect_vreg.gather [hbm4b:s8+s3], $0x80, v3, vm0, $0xb8;
	[tilespmem:$0x1E000] =	vst v63  }
0x407: {  	_ =	swait.ge [sflag:s25], $0x4000  }
0x408: {  	[sflag:s25] =	ssyncset.done $0x0  }
0x409: {  	[sflag:s25] =	ssyncadd.s32 $0xFFFFC000  }
0x40a: {  	v3 =	vld [tilespmem:s18+$0x0];
	_ =	sdelay $0x4  }
0x40b: {  	v3 =	vxor.u32 $0x80000000, v3  }
0x40c: {  	(xrf0) =	vmin.scan.msk.u32 $0xffff, v3;
	_ =	sdelay $0x5  }
0x40d: {  	v3, _, _ =	vpop (xrf0)  }
0x40e: {  	(v2sf) =	vpush v3, $0xF;
	_ =	sdelay $0xe  }
0x40f: {  	s26 =	spop (v2sf)  }
0x410: {  	p0 =	sgt.u32 s26, $0x80000000  }
.Ltmp40:
0x411: {  	_ = 	snop;
	(pc) =	sbr.rel @p0 .LBB2_60-.Ltmp40, $1  }
0x412: {  	_ =	sdelay $0x3  }
0x413: {  	s2 =	sshll.u32 s30, $0x7  }
0x414: {  	s18 =	simm.s32 $0x0;
	v3 =	vmov s2;
	s2 =	simm.s32 $0x0  }
.LBB2_57:
0x415: {  	v4 =	vmov s18  }
0x416: {  	v4 =	vand.u32 $0x7F, v4  }
0x417: {  	v4 =	vadd.s32 v3, v4  }
0x418: {  	v4 =	vbroadcast v4, $0x0;
	_ =	sdelay $0x3  }
0x419: {  	s4 =	sshll.u32 s18, $0xA;
	s10 =	sshll.u32 s18, $0x7  }
0x41a: {  	s4 =	sand.u32 $0x2000, s4;
	s10 =	sand.u32 $0x380, s10  }
0x41b: {  	s4 =	sor.u32 s10, s4;
	v4 =	vld.idx.msk [tilespmem:v4+s2+$0x0], $0xffff  }
0x41c: {  	s26 =	sand.u32 $0x1C00, s2;
	s4 =	sadd.s32 $0x16000, s4  }
0x41d: {  	s12 =	sand.u32 $0x70, s2;
	s10 =	sadd.s32 s26, s4  }
0x41e: {  	s10 =	sadd.s32 s12, s10  }
0x41f: {  	v5 =	vld [tilespmem:s10+$0x0]  }
0x420: {  	vm1 =	vlt.s32 v4, $0x1  }
0x421: {  	v4 =	vnsel vm1, $0x1, v4  }
0x422: {  	v4 =	vcvt.s32.f32 v4  }
0x423: {  	s12 =	simm.s32 $0x80  }
0x424: {  	s14 =	simm.s32 $0x10;
	s13 =	simm.s32 $0x20;
	s15 =	sand.u32 $0x1C00, s12;
	v5 =	vmul.f32 v4, v5  }
.LBB2_58:
0x425: {  	p0 =	sne.s32 s13, $0x3F0;
	s14 =	sand.u32 $0x70, s14;
	s15 =	sadd.s32 s15, s4  }
0x426: {  	[tilespmem:s10+$0x0] =	vst v5;
	s10 =	sadd.s32 s14, s15;
	s14 =	smov.u32 s13  }
0x427: {  	v5 =	vld [tilespmem:s10+$0x0]  }
.Ltmp41:
0x428: {  	(pc) =	sbr.rel @p0 .LBB2_58-.Ltmp41, $3  }
0x429: {  	_ =	sdelay $0x1  }
0x42a: {  	s12 =	sadd.s32 $0x80, s12  }
0x42b: {  	s15 =	sand.u32 $0x1C00, s12;
	s13 =	sadd.s32 $0x10, s13;
	v5 =	vmul.f32 v4, v5  }
0x42c: {  	s12 =	sand.u32 $0x70, s14;
	s4 =	sadd.s32 s15, s4  }
0x42d: {  	s4 =	sadd.s32 s12, s4;
	[tilespmem:s10+$0x0] =	vst v5  }
0x42e: {  	v5 =	vld [tilespmem:s4+$0x0]  }
0x42f: {  	s18 =	sadd.s32 $0x1, s18  }
0x430: {  	p0 =	sne.s32 s18, $0x10  }
.Ltmp42:
0x431: {  	_ = 	snop;
	(pc) =	sbr.rel @p0 .LBB2_57-.Ltmp42, $3  }
0x432: {  	_ = 	snop  }
0x433: {  	v4 =	vmul.f32 v4, v5;
	_ =	sdelay $0x1  }
0x434: {  	[tilespmem:s4+$0x0] =	vst v4  }
.LBB2_60:
0x435: {  	s2 =	sshll.u32 s30, $0xB  }
0x436: {  	s4 =	simm.s32 $0x16000;
	s2 =	sadd.s32 s2, s7  }
0x437: {  	[hbm4b:s2+s3] =	stream.linear.scatter [tilespmem:s4], [sflag:$0xD], $0x4000, $0x38;
	[tilespmem:$0x1E000] =	vst v63  }
0x438: {  	p0 =	slt.s32 s24, $0x37;
	s26 =	simm.s32 $0x9;
	s2 =	smov.u32 s24  }
0x439: {  	_ =	swait.ge [sflag:s26], $0x4000;
	s2 =	simm.s32 @!p0 $0x37  }
0x43a: {  	[sflag:s26] =	ssyncset.done $0x0;
	s2 =	sshll.u32 s2, $0x7  }
0x43b: {  	[sflag:s26] =	ssyncadd.s32 $0xFFFFC000;
	s2 =	sand.u32 $0x3FFFFF80, s2  }
0x43c: {  	v3 =	vld [tilespmem:s2+$0x400];
	_ =	sdelay $0x4  }
0x43d: {  	v4 =	vshll.u32 v3, $0x3  }
0x43e: {  	v3 =	vand.u32 $0x7, v3;
	v4 =	vand.u32 $0xFFFFFFC0, v4  }
0x43f: {  	v3 =	vor.u32 v3, v4  }
0x440: {  	v4 =	vperm.xlane v3, v0;
	_ =	sdelay $0x1  }
0x441: {  	v4 =	vadd.s32 v1, v4;
	_ =	sdelay $0x3  }
0x442: {  	s30 =	simm.s32 $0x6000  }
0x443: {  	[tilespmem:s30], [sflag:$0x2] =	stream.indirect_vreg.gather [hbm4b:s1+s3], $0x80, v4, vm0, $0xb8;
	[tilespmem:$0x1E000] =	vst v63  }
0x444: {  	s4 =	simm.s32 $0x6800;
	v3 =	vperm.xlane v3, v2  }
0x445: {  	[tilespmem:s4], [sflag:$0x2] =	stream.indirect_vreg.gather [hbm4b:s5+s3], $0x80, v4, vm0, $0xb8;
	[tilespmem:$0x1E000] =	vst v63  }
0x446: {  	s10 =	simm.s32 $0x7000;
	v3 =	vadd.s32 v1, v3  }
0x447: {  	[tilespmem:s10], [sflag:$0x2] =	stream.indirect_vreg.gather [hbm4b:s6+s3], $0x80, v4, vm0, $0xb8;
	[tilespmem:$0x1E000] =	vst v63  }
0x448: {  	s12 =	simm.s32 $0x7800  }
0x449: {  	[tilespmem:s12], [sflag:$0x2] =	stream.indirect_vreg.gather [hbm4b:s8+s3], $0x80, v4, vm0, $0xb8;
	[tilespmem:$0x1E000] =	vst v63  }
0x44a: {  	s13 =	simm.s32 $0x8000  }
0x44b: {  	[tilespmem:s13], [sflag:$0x2] =	stream.indirect_vreg.gather [hbm4b:s1+s3], $0x80, v3, vm0, $0xb8;
	[tilespmem:$0x1E000] =	vst v63  }
0x44c: {  	s14 =	simm.s32 $0x8800  }
0x44d: {  	[tilespmem:s14], [sflag:$0x2] =	stream.indirect_vreg.gather [hbm4b:s5+s3], $0x80, v3, vm0, $0xb8;
	[tilespmem:$0x1E000] =	vst v63  }
0x44e: {  	s15 =	simm.s32 $0x9000  }
0x44f: {  	[tilespmem:s15], [sflag:$0x2] =	stream.indirect_vreg.gather [hbm4b:s6+s3], $0x80, v3, vm0, $0xb8;
	[tilespmem:$0x1E000] =	vst v63  }
0x450: {  	s18 =	simm.s32 $0x9800;
	s25 =	simm.s32 $0x7  }
0x451: {  	[tilespmem:s18], [sflag:$0x2] =	stream.indirect_vreg.gather [hbm4b:s8+s3], $0x80, v3, vm0, $0xb8;
	[tilespmem:$0x1E000] =	vst v63  }
0x452: {  	_ =	swait.ge [sflag:s25], $0x4000  }
0x453: {  	[sflag:s25] =	ssyncset.done $0x0  }
0x454: {  	[sflag:s25] =	ssyncadd.s32 $0xFFFFC000  }
0x455: {  	v3 =	vld [tilespmem:s9+$0x0];
	_ =	sdelay $0x4  }
0x456: {  	v3 =	vxor.u32 $0x80000000, v3  }
0x457: {  	(xrf0) =	vmin.scan.msk.u32 $0xffff, v3;
	_ =	sdelay $0x5  }
0x458: {  	v3, _, _ =	vpop (xrf0)  }
0x459: {  	(v2sf) =	vpush v3, $0xF;
	_ =	sdelay $0xe  }
0x45a: {  	s26 =	spop (v2sf)  }
0x45b: {  	p0 =	sgt.u32 s26, $0x80000000  }
.Ltmp43:
0x45c: {  	_ = 	snop;
	(pc) =	sbr.rel @p0 .LBB2_65-.Ltmp43, $1  }
0x45d: {  	_ =	sdelay $0x3  }
0x45e: {  	s2 =	sshll.u32 s28, $0x7  }
0x45f: {  	s9 =	simm.s32 $0x0;
	v3 =	vmov s2;
	s2 =	simm.s32 $0x0  }
.LBB2_62:
0x460: {  	v4 =	vmov s9  }
0x461: {  	v4 =	vand.u32 $0x7F, v4  }
0x462: {  	v4 =	vadd.s32 v3, v4  }
0x463: {  	v4 =	vbroadcast v4, $0x0;
	_ =	sdelay $0x3  }
0x464: {  	s4 =	sshll.u32 s9, $0xA;
	s10 =	sshll.u32 s9, $0x7  }
0x465: {  	s4 =	sand.u32 $0x2000, s4;
	s10 =	sand.u32 $0x380, s10  }
0x466: {  	s4 =	sor.u32 s10, s4;
	v4 =	vld.idx.msk [tilespmem:v4+s2+$0x0], $0xffff  }
0x467: {  	s26 =	sand.u32 $0x1C00, s2;
	s4 =	sadd.s32 $0x1A000, s4  }
0x468: {  	s12 =	sand.u32 $0x70, s2;
	s10 =	sadd.s32 s26, s4  }
0x469: {  	s10 =	sadd.s32 s12, s10  }
0x46a: {  	v5 =	vld [tilespmem:s10+$0x0]  }
0x46b: {  	vm1 =	vlt.s32 v4, $0x1  }
0x46c: {  	v4 =	vnsel vm1, $0x1, v4  }
0x46d: {  	v4 =	vcvt.s32.f32 v4  }
0x46e: {  	s12 =	simm.s32 $0x80  }
0x46f: {  	s14 =	simm.s32 $0x10;
	s13 =	simm.s32 $0x20;
	s15 =	sand.u32 $0x1C00, s12;
	v5 =	vmul.f32 v4, v5  }
.LBB2_63:
0x470: {  	p0 =	sne.s32 s13, $0x3F0;
	s14 =	sand.u32 $0x70, s14;
	s15 =	sadd.s32 s15, s4  }
0x471: {  	[tilespmem:s10+$0x0] =	vst v5;
	s10 =	sadd.s32 s14, s15;
	s14 =	smov.u32 s13  }
0x472: {  	v5 =	vld [tilespmem:s10+$0x0]  }
.Ltmp44:
0x473: {  	(pc) =	sbr.rel @p0 .LBB2_63-.Ltmp44, $3  }
0x474: {  	_ =	sdelay $0x1  }
0x475: {  	s12 =	sadd.s32 $0x80, s12  }
0x476: {  	s15 =	sand.u32 $0x1C00, s12;
	s13 =	sadd.s32 $0x10, s13;
	v5 =	vmul.f32 v4, v5  }
0x477: {  	s12 =	sand.u32 $0x70, s14;
	s4 =	sadd.s32 s15, s4  }
0x478: {  	s4 =	sadd.s32 s12, s4;
	[tilespmem:s10+$0x0] =	vst v5  }
0x479: {  	v5 =	vld [tilespmem:s4+$0x0]  }
0x47a: {  	s9 =	sadd.s32 $0x1, s9  }
0x47b: {  	p0 =	sne.s32 s9, $0x10  }
.Ltmp45:
0x47c: {  	_ = 	snop;
	(pc) =	sbr.rel @p0 .LBB2_62-.Ltmp45, $4  }
.Ltmp46:
0x47d: {  	_ = 	snop;
	(pc) =	sbr.rel @!p0 .LBB2_65-.Ltmp46, $4  }
0x47e: {  	v4 =	vmul.f32 v4, v5  }
0x47f: {  	_ = 	snop  }
0x480: {  	[tilespmem:s4+$0x0] =	vst v4  }
0x481: {  	_ = 	snop  }
.LBB2_66:
0x482: {  	_ =	swait.ge [sflag:s17], $0x4000  }
0x483: {  	[sflag:s17] =	ssyncset.done $0x0  }
0x484: {  	[sflag:s17] =	ssyncadd.s32 $0xFFFFC000  }
0x485: {  	v3 =	vld [tilespmem:$0x1F80];
	_ =	sdelay $0x4  }
0x486: {  	v3 =	vxor.u32 $0x80000000, v3  }
0x487: {  	(xrf0) =	vmin.scan.msk.u32 $0xffff, v3;
	_ =	sdelay $0x5  }
0x488: {  	v3, _, _ =	vpop (xrf0)  }
0x489: {  	(v2sf) =	vpush v3, $0xF;
	_ =	sdelay $0xe  }
0x48a: {  	s2 =	spop (v2sf)  }
0x48b: {  	p0 =	sgt.u32 s2, $0x80000000  }
.Ltmp47:
0x48c: {  	_ = 	snop;
	(pc) =	sbr.rel @p0 .LBB2_70-.Ltmp47, $2  }
0x48d: {  	_ =	sdelay $0x2  }
0x48e: {  	s9 =	simm.s32 $0x0;
	s2 =	simm.s32 $0x0  }
.LBB2_67:
0x48f: {  	v3 =	vmov s9  }
0x490: {  	v3 =	vand.u32 $0x7F, v3  }
0x491: {  	v3 =	vor.u32 $0x1F80, v3  }
0x492: {  	v3 =	vbroadcast v3, $0x0;
	_ =	sdelay $0x3  }
0x493: {  	s4 =	sshll.u32 s9, $0xA;
	s10 =	sshll.u32 s9, $0x7  }
0x494: {  	s4 =	sand.u32 $0x2000, s4;
	s10 =	sand.u32 $0x380, s10  }
0x495: {  	s4 =	sor.u32 s10, s4;
	v3 =	vld.idx.msk [tilespmem:v3+s2+$0x0], $0xffff  }
0x496: {  	s28 =	sand.u32 $0x1C00, s2;
	s4 =	sadd.s32 $0x2000, s4  }
0x497: {  	s12 =	sand.u32 $0x70, s2;
	s10 =	sadd.s32 s28, s4  }
0x498: {  	s10 =	sadd.s32 s12, s10  }
0x499: {  	v4 =	vld [tilespmem:s10+$0x0]  }
0x49a: {  	vm1 =	vlt.s32 v3, $0x1  }
0x49b: {  	v3 =	vnsel vm1, $0x1, v3  }
0x49c: {  	v3 =	vcvt.s32.f32 v3  }
0x49d: {  	s12 =	simm.s32 $0x80  }
0x49e: {  	s14 =	simm.s32 $0x10;
	s13 =	simm.s32 $0x20;
	s15 =	sand.u32 $0x1C00, s12;
	v4 =	vmul.f32 v3, v4  }
.LBB2_68:
0x49f: {  	p0 =	sne.s32 s13, $0x3F0;
	s14 =	sand.u32 $0x70, s14;
	s15 =	sadd.s32 s15, s4  }
0x4a0: {  	[tilespmem:s10+$0x0] =	vst v4;
	s10 =	sadd.s32 s14, s15;
	s14 =	smov.u32 s13  }
0x4a1: {  	v4 =	vld [tilespmem:s10+$0x0]  }
.Ltmp48:
0x4a2: {  	(pc) =	sbr.rel @p0 .LBB2_68-.Ltmp48, $3  }
0x4a3: {  	_ =	sdelay $0x1  }
0x4a4: {  	s12 =	sadd.s32 $0x80, s12  }
0x4a5: {  	s15 =	sand.u32 $0x1C00, s12;
	s13 =	sadd.s32 $0x10, s13;
	v4 =	vmul.f32 v3, v4  }
0x4a6: {  	s12 =	sand.u32 $0x70, s14;
	s4 =	sadd.s32 s15, s4  }
0x4a7: {  	s4 =	sadd.s32 s12, s4;
	[tilespmem:s10+$0x0] =	vst v4  }
0x4a8: {  	v4 =	vld [tilespmem:s4+$0x0]  }
0x4a9: {  	s9 =	sadd.s32 $0x1, s9  }
0x4aa: {  	p0 =	sne.s32 s9, $0x10  }
.Ltmp49:
0x4ab: {  	_ = 	snop;
	(pc) =	sbr.rel @p0 .LBB2_67-.Ltmp49, $4  }
.Ltmp50:
0x4ac: {  	_ = 	snop;
	(pc) =	sbr.rel @!p0 .LBB2_70-.Ltmp50, $4  }
0x4ad: {  	v3 =	vmul.f32 v3, v4  }
0x4ae: {  	_ = 	snop  }
0x4af: {  	[tilespmem:s4+$0x0] =	vst v3  }
0x4b0: {  	_ = 	snop  }
.LBB2_71:
0x4b1: {  	_ =	sfence.sel $0x180000  }
0x4b2: {  	[bflag:$0x0] =	sbarrier.arrive $0xFFFF  }
0x4b3: {  	_ =	strace $0x90000047  }
0x4b4: {  	s0 =	stileid.u32;
	[bflag:$0x2] =	sbarrier.arrive $0xFFFF  }
0x4b5: {  	p0 =	sne.s32 s0, $0x0;
	s0 =	rddreg [dreg:$0x3]  }
0x4b6: {  	s0 =	sadd.s32 @!p0 $0x100000, s0  }
0x4b7: {  	[sflag:s0] =	ssyncadd.tile.s32 @!p0 $0x1;
	_ =	shalt  }
.Lfunc_end2:
_tile_overlayer_lowered:
.L_overlay_start_2:
0x4b8: {  	(tag) =	ssettag $0x2  }
0x4b9: {  	s0 =	rddreg [dreg:$0x0];
	s2 =	stileid.u32  }
0x4ba: {  	s1 =	rddreg [dreg:$0x1];
	p0 =	sne.s32 s2, $0x0  }
0x4bb: {  	s3 =	rddreg [dreg:$0x2];
	[bflag:$0x3] =	sbarrier.arrive $0xFFFF;
	s2 =	simm.s32 @!p0 $0x1C0F  }
0x4bc: {  	[timem:s3], [sflag:s2] =	dma.local @!p0 [hbm:s0], s1  }
0x4bd: {  	s0 =	simm.s32 @!p0 $0xF  }
0x4be: {  	_ =	swait.ge @!p0 [sflag:s0], s1  }
0x4bf: {  	s1 =	ssub.s32 @!p0 $0x0, s1;
	[sflag:s0] =	ssyncset.done @!p0 $0x0  }
0x4c0: {  	[sflag:s0] =	ssyncadd.s32 @!p0 s1  }
0x4c1: {  	[bflag:$0x3] =	sbarrier.arrive $0xFFFF  }
0x4c2: {  	_ =	shalt  }

</sc_bundles>
